<compile_context>
chip_gen: v7x
topology: tpu7x:2x2x1
jax: 0.10.2.dev20260603
libtpu: 0.0.44.dev20260713+nightly
codegen_flags: <defaults>
</compile_context>

<pallas_src>
import functools

import jax
import jax.numpy as jnp
from jax import lax
from jax.experimental import pallas as pl
from jax.experimental.pallas import tpu as pltpu
from jax.experimental.pallas import tpu_sc as plsc

N = 20000
NUM_CLASSES = 21
SCORE_THRESHOLD = 0.5
IOU_THRESHOLD = 0.5

NC = 2
NS = 16
NROWS = NC * NS
L = 16
CHUNK = 128
SBUF = 2000
MAXK = N
NPAD = N + 8

_mesh = plsc.VectorSubcoreMesh(core_axis_name="c", subcore_axis_name="s")


@functools.partial(
    pl.kernel,
    out_type=jax.ShapeDtypeStruct((NPAD,), jnp.float32),
    mesh=_mesh,
    scratch_types=[
        pltpu.VMEM((SBUF,), jnp.int32),
        pltpu.VMEM((N + CHUNK,), jnp.int32),
        pltpu.VMEM((CHUNK,), jnp.int32),
        pltpu.VMEM((CHUNK,), jnp.float32),
        pltpu.VMEM((CHUNK,), jnp.float32),
        pltpu.VMEM((CHUNK,), jnp.float32),
        pltpu.VMEM((CHUNK,), jnp.float32),
        pltpu.VMEM((CHUNK,), jnp.float32),
        pltpu.VMEM((MAXK,), jnp.float32),
        pltpu.VMEM((MAXK,), jnp.float32),
        pltpu.VMEM((MAXK,), jnp.float32),
        pltpu.VMEM((MAXK,), jnp.float32),
        pltpu.SemaphoreType.DMA,
    ],
    compiler_params=pltpu.CompilerParams(needs_layout_passes=False),
)
def _nms_sc(bx1_h, by1_h, bx2_h, by2_h, cls_h, keep_h,
            cls_v, cand_v, idx_v, cx1_v, cy1_v, cx2_v, cy2_v, keep_v,
            kx1, ky1, kx2, ky2, sem):
    wid = lax.axis_index("s") * NC + lax.axis_index("c")
    zeros_l = jnp.zeros((L,), jnp.float32)
    lane0 = jnp.arange(L, dtype=jnp.int32) == 0
    ones_l = jnp.ones((L,), jnp.float32)
    iota_l = jnp.arange(L, dtype=jnp.int32)
    widv = jnp.full((L,), wid, jnp.int32)

    def stage_body(sb, ncand):
        pltpu.sync_copy(cls_h.at[pl.ds(sb * SBUF, SBUF)], cls_v)

        def compact_body(t, nc):
            chunk = cls_v[pl.ds(t * L, L)]
            mask = chunk == widv
            pos = iota_l + (sb * SBUF + t * L)
            dst = nc + plsc.cumsum(mask.astype(jnp.int32)) - 1
            plsc.store_scatter(cand_v, [dst], pos, mask=mask)
            return nc + plsc.all_reduce_population_count(mask)[0]

        return lax.fori_loop(0, SBUF // L, compact_body, ncand)

    cnt = lax.fori_loop(0, N // SBUF, stage_body, jnp.int32(0))
    nchunks = (cnt + (CHUNK - 1)) // CHUNK
    npadv = jnp.full((L,), N, jnp.int32)
    for t in range(CHUNK // L):
        cand_v[pl.ds(cnt + t * L, L)] = npadv

    def chunk_body(ci, kcount):
        base = ci * CHUNK
        for t in range(CHUNK // L):
            idx_v[pl.ds(t * L, L)] = cand_v[pl.ds(base + t * L, L)]
        c1 = pltpu.async_copy(bx1_h.at[idx_v], cx1_v, sem)
        c2 = pltpu.async_copy(by1_h.at[idx_v], cy1_v, sem)
        c3 = pltpu.async_copy(bx2_h.at[idx_v], cx2_v, sem)
        c4 = pltpu.async_copy(by2_h.at[idx_v], cy2_v, sem)
        c1.wait(); c2.wait(); c3.wait(); c4.wait()
        for t in range(CHUNK // L):
            keep_v[pl.ds(t * L, L)] = zeros_l
        nj = jnp.minimum(jnp.int32(CHUNK), cnt - base)

        def cand_body(j, k):
            jsplat = jnp.full((L,), j, jnp.int32)
            jx1 = plsc.load_gather(cx1_v, [jsplat])
            jy1 = plsc.load_gather(cy1_v, [jsplat])
            jx2 = plsc.load_gather(cx2_v, [jsplat])
            jy2 = plsc.load_gather(cy2_v, [jsplat])
            carea = (jx2 - jx1) * (jy2 - jy1)
            nkc = (k + (L - 1)) // L

            def scan_body(m, supp):
                off = m * L
                vx1 = kx1[pl.ds(off, L)]
                vy1 = ky1[pl.ds(off, L)]
                vx2 = kx2[pl.ds(off, L)]
                vy2 = ky2[pl.ds(off, L)]
                var = (vx2 - vx1) * (vy2 - vy1)
                ix1 = jnp.maximum(jx1, vx1)
                iy1 = jnp.maximum(jy1, vy1)
                ix2 = jnp.minimum(jx2, vx2)
                iy2 = jnp.minimum(jy2, vy2)
                inter = (jnp.maximum(ix2 - ix1, 0.0)
                         * jnp.maximum(iy2 - iy1, 0.0))
                union = (var + carea) - inter + jnp.float32(1e-9)
                hit = jnp.any(inter / union >= jnp.float32(IOU_THRESHOLD))
                return supp | hit

            supp = lax.fori_loop(0, nkc, scan_body, jnp.bool_(False))

            def do_keep(k):
                @pl.when(k % L == 0)
                def _():
                    kx1[pl.ds(k, L)] = zeros_l
                    ky1[pl.ds(k, L)] = zeros_l
                    kx2[pl.ds(k, L)] = zeros_l
                    ky2[pl.ds(k, L)] = zeros_l
                ksplat = jnp.full((L,), k, jnp.int32)
                plsc.store_scatter(kx1, [ksplat], jx1, mask=lane0)
                plsc.store_scatter(ky1, [ksplat], jy1, mask=lane0)
                plsc.store_scatter(kx2, [ksplat], jx2, mask=lane0)
                plsc.store_scatter(ky2, [ksplat], jy2, mask=lane0)
                plsc.store_scatter(keep_v, [jsplat], ones_l, mask=lane0)
                return k + 1

            return lax.cond(supp, lambda kk: kk, do_keep, k)

        kcount = lax.fori_loop(0, nj, cand_body, kcount)
        pltpu.async_copy(keep_v, keep_h.at[idx_v], sem).wait()
        return kcount

    lax.fori_loop(0, nchunks, chunk_body, jnp.int32(0))


def kernel(boxes, scores, labels):
    valid = scores >= SCORE_THRESHOLD
    order = jnp.argsort(jnp.where(valid, scores, jnp.float32(-1e30)))[::-1]
    b = boxes[order]
    s = scores[order]
    v = valid[order]
    cls = jnp.where(v, labels[order], NUM_CLASSES).astype(jnp.int32)

    pad = jnp.zeros((NPAD - N,), jnp.float32)
    keep_pad = _nms_sc(jnp.concatenate([b[:, 0], pad]),
                       jnp.concatenate([b[:, 1], pad]),
                       jnp.concatenate([b[:, 2], pad]),
                       jnp.concatenate([b[:, 3], pad]),
                       cls)

    keep = jnp.where(v, keep_pad[:N], jnp.float32(0.0))
    keep_f = keep[:, None]
    return jnp.concatenate([b * keep_f, s[:, None] * keep_f], axis=1)

# --- scband reference (transcript-rebuilt; emitter-appended) ---
"""Pipeline reference for scband-faster-rcnnmobile-85298050498623 (READ-ONLY COPY).

The authoritative reference and input builder live on the scoring server;
editing this copy changes nothing except your own understanding.
"""

import jax, jax.numpy as jnp
import numpy as np

N = 20000
NUM_CLASSES = 21
SCORE_THRESHOLD = 0.5
IOU_THRESHOLD = 0.5


def setup_inputs(seed: int = 0) -> dict:
    key = jax.random.key(seed)
    k1, k2, k3, k4 = jax.random.split(key, 4)
    xy = jax.random.uniform(k1, (N, 2), dtype=jnp.float32) * 280.0
    wh = jax.random.uniform(k2, (N, 2), dtype=jnp.float32) * 40.0 + 4.0
    boxes = jnp.concatenate([xy, xy + wh], axis=1)
    scores = jax.random.uniform(k3, (N,), dtype=jnp.float32)
    labels = jax.random.randint(k4, (N,), 0, NUM_CLASSES)
    return {"boxes": boxes, "scores": scores, "labels": labels}


def _compute_keep(b, l, valid):
    # Greedy class-aware NMS, mirroring the torch while-loop:
    # the highest-scoring surviving box suppresses lower-scoring boxes of the
    # SAME label whose IoU >= IOU_THRESHOLD ('corners' box format).
    idx = jnp.arange(N)
    areas = (b[:, 2] - b[:, 0]) * (b[:, 3] - b[:, 1])

    def body(i, keep):
        box = b[i]
        x1 = jnp.maximum(box[0], b[:, 0])
        y1 = jnp.maximum(box[1], b[:, 1])
        x2 = jnp.minimum(box[2], b[:, 2])
        y2 = jnp.minimum(box[3], b[:, 3])
        inter = jnp.maximum(x2 - x1, 0.0) * jnp.maximum(y2 - y1, 0.0)
        union = areas[i] + areas - inter + 1e-9
        ious = inter / union
        suppress = keep[i] & (idx > i) & (l == l[i]) & (ious >= IOU_THRESHOLD)
        return keep & jnp.logical_not(suppress)

    return jax.lax.fori_loop(0, N, body, valid)


def reference(boxes, scores, labels):
    # 1) score threshold filter (mask instead of dynamic shrink for static shapes)
    valid = scores >= SCORE_THRESHOLD
    # 2) sort by score descending (invalid boxes pushed to the end)
    order = jnp.argsort(jnp.where(valid, scores, jnp.float32(-1e30)))[::-1]
    b = boxes[order]
    s = scores[order]
    l = labels[order]
    v = valid[order]
    # 3) greedy class-aware NMS (keep decision is inherently non-differentiable)
    keep = _compute_keep(jax.lax.stop_gradient(b), l, v)
    keep_f = keep.astype(jnp.float32)[:, None]
    # Output: surviving [boxes | score] rows (suppressed rows zeroed), score-sorted.
    out = jnp.concatenate([b * keep_f, s[:, None] * keep_f], axis=1)
    return out

if __name__ == "__main__":
    import jax
    _d = setup_inputs()
    print(jax.jit(kernel)(*tuple(_d.values())))

</pallas_src>

<mosaic_0001>
#map = affine_map<(d0, d1) -> (0)>
module attributes {stable_mosaic.version = 14 : i64} {
  func.func @_nms_sc(%arg0: i32, %arg1: i32, %arg2: memref<20008xf32, #tpu.memory_space<hbm>>, %arg3: memref<20008xf32, #tpu.memory_space<hbm>>, %arg4: memref<20008xf32, #tpu.memory_space<hbm>>, %arg5: memref<20008xf32, #tpu.memory_space<hbm>>, %arg6: memref<20000xi32, #tpu.memory_space<hbm>>, %arg7: memref<20008xf32, #tpu.memory_space<hbm>>, %arg8: memref<2000xi32, #tpu.memory_space<vmem>>, %arg9: memref<20128xi32, #tpu.memory_space<vmem>>, %arg10: memref<128xi32, #tpu.memory_space<vmem>>, %arg11: memref<128xf32, #tpu.memory_space<vmem>>, %arg12: memref<128xf32, #tpu.memory_space<vmem>>, %arg13: memref<128xf32, #tpu.memory_space<vmem>>, %arg14: memref<128xf32, #tpu.memory_space<vmem>>, %arg15: memref<128xf32, #tpu.memory_space<vmem>>, %arg16: memref<20000xf32, #tpu.memory_space<vmem>>, %arg17: memref<20000xf32, #tpu.memory_space<vmem>>, %arg18: memref<20000xf32, #tpu.memory_space<vmem>>, %arg19: memref<20000xf32, #tpu.memory_space<vmem>>, %arg20: memref<!tpu.dma_semaphore, #tpu.memory_space<semaphore_mem>>) attributes {dimension_semantics = [#tpu.dimension_semantics<core_parallel>, #tpu.dimension_semantics<subcore_parallel>], iteration_bounds = array<i64: 2, 16>, scalar_prefetch = 0 : i64, scratch_operands = 13 : i64, tpu.core_type = #tpu.core_type<sc_vector_subcore>, window_params = [{transform_indices = #map}, {transform_indices = #map}, {transform_indices = #map}, {transform_indices = #map}, {transform_indices = #map}, {transform_indices = #map}]} {
    %mul3A = arith.constant 2 : i32
    %mul3A_0 = arith.muli %arg1, %mul3A : i32
    %add3A = arith.addi %mul3A_0, %arg0 : i32
    %broadcast_in_dim3A = arith.constant 0.000000e+00 : f32
    %broadcast_in_dim3A_1 = vector.broadcast %broadcast_in_dim3A : f32 to vector<16xf32>
    %iota3A = tpu.iota {dimensions = array<i32: 0>} : vector<16xi32>
    %eq3A = arith.constant 0 : i32
    %eq3A_2 = vector.broadcast %eq3A : i32 to vector<16xi32>
    %eq3A_3 = arith.cmpi eq, %iota3A, %eq3A_2 : vector<16xi32>
    %broadcast_in_dim3A_4 = arith.constant 1.000000e+00 : f32
    %broadcast_in_dim3A_5 = vector.broadcast %broadcast_in_dim3A_4 : f32 to vector<16xf32>
    %iota3A_6 = tpu.iota {dimensions = array<i32: 0>} : vector<16xi32>
    %broadcast_in_dim3A_7 = vector.broadcast %add3A : i32 to vector<16xi32>
    %scan3A = arith.constant 0 : i32
    %scan3A_8 = arith.constant 0 : i32
    %scan3A_9 = arith.constant 10 : i32
    %scan3A_10 = arith.addi %scan3A_8, %scan3A_9 : i32
    %scan3A_11 = arith.constant 1 : i32
    %scan3A_12 = scf.for %scan3A_76 = %scan3A_8 to %scan3A_10 step %scan3A_11 iter_args(%scan3A_77 = %scan3A) -> (i32)  : i32 {
      %mul3A_78 = arith.constant 2000 : i32
      %mul3A_79 = arith.muli %scan3A_76, %mul3A_78 : i32
      "tpu.region"() ({
        %run_scoped3A = tpu.sem_alloc : memref<!tpu.dma_semaphore, #tpu.memory_space<semaphore_mem>>
        %dma_start3A = tpu.memref_slice %arg6[%mul3A_79] : memref<20000xi32, #tpu.memory_space<hbm>> -> memref<2000xi32, #tpu.memory_space<hbm>>
        %dma_start3A_86 = tpu.memref_slice %arg6[%mul3A_79] : memref<20000xi32, #tpu.memory_space<hbm>> -> memref<2000xi32, #tpu.memory_space<hbm>>
        tpu.enqueue_dma source(%dma_start3A_86 : memref<2000xi32, #tpu.memory_space<hbm>>) target(%arg8 : memref<2000xi32, #tpu.memory_space<vmem>>) target_semaphore(%run_scoped3A : memref<!tpu.dma_semaphore, #tpu.memory_space<semaphore_mem>>)
        %dma_wait3A = tpu.memref_slice %arg6[%mul3A_79] : memref<20000xi32, #tpu.memory_space<hbm>> -> memref<2000xi32, #tpu.memory_space<hbm>>
        %dma_wait3A_87 = tpu.memref_slice %arg6[%mul3A_79] : memref<20000xi32, #tpu.memory_space<hbm>> -> memref<2000xi32, #tpu.memory_space<hbm>>
        tpu.wait_dma2 semaphore(%run_scoped3A : memref<!tpu.dma_semaphore, #tpu.memory_space<semaphore_mem>>) src(%dma_wait3A_87 : memref<2000xi32, #tpu.memory_space<hbm>>) dst(%arg8 : memref<2000xi32, #tpu.memory_space<vmem>>)
        tpu.yield
      }) : () -> ()
      %scan3A_80 = arith.constant 0 : i32
      %scan3A_81 = arith.constant 125 : i32
      %scan3A_82 = arith.addi %scan3A_80, %scan3A_81 : i32
      %scan3A_83 = arith.constant 1 : i32
      %scan3A_84 = scf.for %scan3A_86 = %scan3A_80 to %scan3A_82 step %scan3A_83 iter_args(%scan3A_87 = %scan3A_77) -> (i32)  : i32 {
        %mul3A_88 = arith.constant 16 : i32
        %mul3A_89 = arith.muli %scan3A_86, %mul3A_88 : i32
        %get3A = arith.index_cast %mul3A_89 : i32 to index
        %get3A_90 = tpu.vector_load %arg8[%get3A] {strides = array<i32>} : memref<2000xi32, #tpu.memory_space<vmem>>, vector<16xi32>,
        %eq3A_91 = arith.cmpi eq, %get3A_90, %broadcast_in_dim3A_7 : vector<16xi32>
        %mul3A_92 = arith.constant 2000 : i32
        %mul3A_93 = arith.muli %scan3A_76, %mul3A_92 : i32
        %mul3A_94 = arith.constant 16 : i32
        %mul3A_95 = arith.muli %scan3A_86, %mul3A_94 : i32
        %add3A_96 = arith.addi %mul3A_93, %mul3A_95 : i32
        %add3A_97 = vector.broadcast %add3A_96 : i32 to vector<16xi32>
        %add3A_98 = arith.addi %iota3A_6, %add3A_97 : vector<16xi32>
        %convert_element_type3A = arith.extui %eq3A_91 : vector<16xi1> to vector<16xi32>
        %broadcast_in_dim3A_99 = arith.constant true
        %broadcast_in_dim3A_100 = vector.broadcast %broadcast_in_dim3A_99 : i1 to vector<16xi1>
        %masked_cumsum3A = tpu.scan <sum>, %convert_element_type3A masked %broadcast_in_dim3A_100 : vector<16xi32>, vector<16xi1> -> vector<16xi32>
        %add3A_101 = vector.broadcast %scan3A_87 : i32 to vector<16xi32>
        %add3A_102 = arith.addi %add3A_101, %masked_cumsum3A : vector<16xi32>
        %sub3A_103 = arith.constant 1 : i32
        %sub3A_104 = vector.broadcast %sub3A_103 : i32 to vector<16xi32>
        %sub3A_105 = arith.subi %add3A_102, %sub3A_104 : vector<16xi32>
        tpu.vector_store_idx %arg9[%sub3A_105], %add3A_98 masked %eq3A_91 : memref<20128xi32, #tpu.memory_space<vmem>>[vector<16xi32>], vector<16xi32>, vector<16xi1>
        %all_reduce_population_count3A = tpu.all_reduce %eq3A_91 {dim = 0 : i64, kind = #tpu.reduction_kind<sum>} : vector<16xi1> -> vector<16xi32>
        %slice3A = vector.extract_strided_slice %all_reduce_population_count3A {offsets = [0], sizes = [1], strides = [1]} : vector<16xi32> to vector<1xi32>
        %squeeze3A = vector.extract %slice3A[0] : i32 from vector<1xi32>
        %add3A_106 = arith.addi %scan3A_87, %squeeze3A : i32
        scf.yield %add3A_106 : i32
      }
      %scan3A_85 = arith.constant 125 : i32
      scf.yield %scan3A_84 : i32
    }
    %scan3A_13 = arith.constant 10 : i32
    %add3A_14 = arith.constant 127 : i32
    %add3A_15 = arith.addi %scan3A_12, %add3A_14 : i32
    %jit3A = arith.constant 128 : i32
    %div3A = arith.divsi %add3A_15, %jit3A : i32
    %sign3A = arith.constant 0 : i32
    %sign3A_16 = arith.cmpi sgt, %add3A_15, %sign3A : i32
    %sign3A_17 = arith.extui %sign3A_16 : i1 to i32
    %sign3A_18 = arith.constant 0 : i32
    %sign3A_19 = arith.cmpi slt, %add3A_15, %sign3A_18 : i32
    %sign3A_20 = arith.extui %sign3A_19 : i1 to i32
    %sign3A_21 = arith.subi %sign3A_17, %sign3A_20 : i32
    %sign3A_22 = arith.constant 0 : i32
    %sign3A_23 = arith.cmpi sgt, %jit3A, %sign3A_22 : i32
    %sign3A_24 = arith.extui %sign3A_23 : i1 to i32
    %sign3A_25 = arith.constant 0 : i32
    %sign3A_26 = arith.cmpi slt, %jit3A, %sign3A_25 : i32
    %sign3A_27 = arith.extui %sign3A_26 : i1 to i32
    %sign3A_28 = arith.subi %sign3A_24, %sign3A_27 : i32
    %ne3A = arith.cmpi ne, %sign3A_21, %sign3A_28 : i32
    %rem3A = arith.remsi %add3A_15, %jit3A : i32
    %ne3A_29 = arith.constant 0 : i32
    %ne3A_30 = arith.cmpi ne, %rem3A, %ne3A_29 : i32
    %and3A = arith.andi %ne3A, %ne3A_30 : i1
    %sub3A = arith.constant 1 : i32
    %sub3A_31 = arith.subi %div3A, %sub3A : i32
    %select_n3A = arith.select %and3A, %sub3A_31, %div3A : i32
    %broadcast_in_dim3A_32 = arith.constant 20000 : i32
    %broadcast_in_dim3A_33 = vector.broadcast %broadcast_in_dim3A_32 : i32 to vector<16xi32>
    %add3A_34 = arith.constant 0 : i32
    %add3A_35 = arith.addi %scan3A_12, %add3A_34 : i32
    %swap3A = arith.index_cast %add3A_35 : i32 to index
    %swap3A_36 = tpu.vector_load %arg9[%swap3A] {strides = array<i32>} : memref<20128xi32, #tpu.memory_space<vmem>>, vector<16xi32>,
    tpu.vector_store %arg9[%swap3A], %broadcast_in_dim3A_33 {strides = array<i32>} : memref<20128xi32, #tpu.memory_space<vmem>>, vector<16xi32>,
    %add3A_37 = arith.constant 16 : i32
    %add3A_38 = arith.addi %scan3A_12, %add3A_37 : i32
    %swap3A_39 = arith.index_cast %add3A_38 : i32 to index
    %swap3A_40 = tpu.vector_load %arg9[%swap3A_39] {strides = array<i32>} : memref<20128xi32, #tpu.memory_space<vmem>>, vector<16xi32>,
    tpu.vector_store %arg9[%swap3A_39], %broadcast_in_dim3A_33 {strides = array<i32>} : memref<20128xi32, #tpu.memory_space<vmem>>, vector<16xi32>,
    %add3A_41 = arith.constant 32 : i32
    %add3A_42 = arith.addi %scan3A_12, %add3A_41 : i32
    %swap3A_43 = arith.index_cast %add3A_42 : i32 to index
    %swap3A_44 = tpu.vector_load %arg9[%swap3A_43] {strides = array<i32>} : memref<20128xi32, #tpu.memory_space<vmem>>, vector<16xi32>,
    tpu.vector_store %arg9[%swap3A_43], %broadcast_in_dim3A_33 {strides = array<i32>} : memref<20128xi32, #tpu.memory_space<vmem>>, vector<16xi32>,
    %add3A_45 = arith.constant 48 : i32
    %add3A_46 = arith.addi %scan3A_12, %add3A_45 : i32
    %swap3A_47 = arith.index_cast %add3A_46 : i32 to index
    %swap3A_48 = tpu.vector_load %arg9[%swap3A_47] {strides = array<i32>} : memref<20128xi32, #tpu.memory_space<vmem>>, vector<16xi32>,
    tpu.vector_store %arg9[%swap3A_47], %broadcast_in_dim3A_33 {strides = array<i32>} : memref<20128xi32, #tpu.memory_space<vmem>>, vector<16xi32>,
    %add3A_49 = arith.constant 64 : i32
    %add3A_50 = arith.addi %scan3A_12, %add3A_49 : i32
    %swap3A_51 = arith.index_cast %add3A_50 : i32 to index
    %swap3A_52 = tpu.vector_load %arg9[%swap3A_51] {strides = array<i32>} : memref<20128xi32, #tpu.memory_space<vmem>>, vector<16xi32>,
    tpu.vector_store %arg9[%swap3A_51], %broadcast_in_dim3A_33 {strides = array<i32>} : memref<20128xi32, #tpu.memory_space<vmem>>, vector<16xi32>,
    %add3A_53 = arith.constant 80 : i32
    %add3A_54 = arith.addi %scan3A_12, %add3A_53 : i32
    %swap3A_55 = arith.index_cast %add3A_54 : i32 to index
    %swap3A_56 = tpu.vector_load %arg9[%swap3A_55] {strides = array<i32>} : memref<20128xi32, #tpu.memory_space<vmem>>, vector<16xi32>,
    tpu.vector_store %arg9[%swap3A_55], %broadcast_in_dim3A_33 {strides = array<i32>} : memref<20128xi32, #tpu.memory_space<vmem>>, vector<16xi32>,
    %add3A_57 = arith.constant 96 : i32
    %add3A_58 = arith.addi %scan3A_12, %add3A_57 : i32
    %swap3A_59 = arith.index_cast %add3A_58 : i32 to index
    %swap3A_60 = tpu.vector_load %arg9[%swap3A_59] {strides = array<i32>} : memref<20128xi32, #tpu.memory_space<vmem>>, vector<16xi32>,
    tpu.vector_store %arg9[%swap3A_59], %broadcast_in_dim3A_33 {strides = array<i32>} : memref<20128xi32, #tpu.memory_space<vmem>>, vector<16xi32>,
    %add3A_61 = arith.constant 112 : i32
    %add3A_62 = arith.addi %scan3A_12, %add3A_61 : i32
    %swap3A_63 = arith.index_cast %add3A_62 : i32 to index
    %swap3A_64 = tpu.vector_load %arg9[%swap3A_63] {strides = array<i32>} : memref<20128xi32, #tpu.memory_space<vmem>>, vector<16xi32>,
    tpu.vector_store %arg9[%swap3A_63], %broadcast_in_dim3A_33 {strides = array<i32>} : memref<20128xi32, #tpu.memory_space<vmem>>, vector<16xi32>,
    %while3A = arith.constant 0 : i32
    %while3A_65 = arith.constant 0 : i32
    %while3A_66 = arith.subi %select_n3A, %while3A : i32
    %while3A_67 = arith.addi %while3A, %while3A_66 : i32
    %while3A_68 = arith.constant 1 : i32
    %while3A_69 = arith.divsi %while3A_66, %while3A_68 : i32
    %while3A_70 = arith.muli %while3A_69, %while3A_68 : i32
    %while3A_71 = arith.addi %while3A, %while3A_70 : i32
    %while3A_72 = arith.constant 1 : i32
    %while3A_73 = scf.for %while3A_76 = %while3A to %while3A_71 step %while3A_72 iter_args(%while3A_77 = %while3A_65) -> (i32)  : i32 {
      %mul3A_78 = arith.constant 128 : i32
      %mul3A_79 = arith.muli %while3A_76, %mul3A_78 : i32
      %add3A_80 = arith.constant 0 : i32
      %add3A_81 = arith.addi %mul3A_79, %add3A_80 : i32
      %get3A = arith.index_cast %add3A_81 : i32 to index
      %get3A_82 = tpu.vector_load %arg9[%get3A] {strides = array<i32>} : memref<20128xi32, #tpu.memory_space<vmem>>, vector<16xi32>,
      %swap3A_83 = arith.constant 0 : index
      %swap3A_84 = tpu.vector_load %arg10[%swap3A_83] {strides = array<i32>} : memref<128xi32, #tpu.memory_space<vmem>>, vector<16xi32>,
      tpu.vector_store %arg10[%swap3A_83], %get3A_82 {strides = array<i32>} : memref<128xi32, #tpu.memory_space<vmem>>, vector<16xi32>,
      %add3A_85 = arith.constant 16 : i32
      %add3A_86 = arith.addi %mul3A_79, %add3A_85 : i32
      %get3A_87 = arith.index_cast %add3A_86 : i32 to index
      %get3A_88 = tpu.vector_load %arg9[%get3A_87] {strides = array<i32>} : memref<20128xi32, #tpu.memory_space<vmem>>, vector<16xi32>,
      %swap3A_89 = arith.constant 16 : index
      %swap3A_90 = tpu.vector_load %arg10[%swap3A_89] {strides = array<i32>} : memref<128xi32, #tpu.memory_space<vmem>>, vector<16xi32>,
      tpu.vector_store %arg10[%swap3A_89], %get3A_88 {strides = array<i32>} : memref<128xi32, #tpu.memory_space<vmem>>, vector<16xi32>,
      %add3A_91 = arith.constant 32 : i32
      %add3A_92 = arith.addi %mul3A_79, %add3A_91 : i32
      %get3A_93 = arith.index_cast %add3A_92 : i32 to index
      %get3A_94 = tpu.vector_load %arg9[%get3A_93] {strides = array<i32>} : memref<20128xi32, #tpu.memory_space<vmem>>, vector<16xi32>,
      %swap3A_95 = arith.constant 32 : index
      %swap3A_96 = tpu.vector_load %arg10[%swap3A_95] {strides = array<i32>} : memref<128xi32, #tpu.memory_space<vmem>>, vector<16xi32>,
      tpu.vector_store %arg10[%swap3A_95], %get3A_94 {strides = array<i32>} : memref<128xi32, #tpu.memory_space<vmem>>, vector<16xi32>,
      %add3A_97 = arith.constant 48 : i32
      %add3A_98 = arith.addi %mul3A_79, %add3A_97 : i32
      %get3A_99 = arith.index_cast %add3A_98 : i32 to index
      %get3A_100 = tpu.vector_load %arg9[%get3A_99] {strides = array<i32>} : memref<20128xi32, #tpu.memory_space<vmem>>, vector<16xi32>,
      %swap3A_101 = arith.constant 48 : index
      %swap3A_102 = tpu.vector_load %arg10[%swap3A_101] {strides = array<i32>} : memref<128xi32, #tpu.memory_space<vmem>>, vector<16xi32>,
      tpu.vector_store %arg10[%swap3A_101], %get3A_100 {strides = array<i32>} : memref<128xi32, #tpu.memory_space<vmem>>, vector<16xi32>,
      %add3A_103 = arith.constant 64 : i32
      %add3A_104 = arith.addi %mul3A_79, %add3A_103 : i32
      %get3A_105 = arith.index_cast %add3A_104 : i32 to index
      %get3A_106 = tpu.vector_load %arg9[%get3A_105] {strides = array<i32>} : memref<20128xi32, #tpu.memory_space<vmem>>, vector<16xi32>,
      %swap3A_107 = arith.constant 64 : index
      %swap3A_108 = tpu.vector_load %arg10[%swap3A_107] {strides = array<i32>} : memref<128xi32, #tpu.memory_space<vmem>>, vector<16xi32>,
      tpu.vector_store %arg10[%swap3A_107], %get3A_106 {strides = array<i32>} : memref<128xi32, #tpu.memory_space<vmem>>, vector<16xi32>,
      %add3A_109 = arith.constant 80 : i32
      %add3A_110 = arith.addi %mul3A_79, %add3A_109 : i32
      %get3A_111 = arith.index_cast %add3A_110 : i32 to index
      %get3A_112 = tpu.vector_load %arg9[%get3A_111] {strides = array<i32>} : memref<20128xi32, #tpu.memory_space<vmem>>, vector<16xi32>,
      %swap3A_113 = arith.constant 80 : index
      %swap3A_114 = tpu.vector_load %arg10[%swap3A_113] {strides = array<i32>} : memref<128xi32, #tpu.memory_space<vmem>>, vector<16xi32>,
      tpu.vector_store %arg10[%swap3A_113], %get3A_112 {strides = array<i32>} : memref<128xi32, #tpu.memory_space<vmem>>, vector<16xi32>,
      %add3A_115 = arith.constant 96 : i32
      %add3A_116 = arith.addi %mul3A_79, %add3A_115 : i32
      %get3A_117 = arith.index_cast %add3A_116 : i32 to index
      %get3A_118 = tpu.vector_load %arg9[%get3A_117] {strides = array<i32>} : memref<20128xi32, #tpu.memory_space<vmem>>, vector<16xi32>,
      %swap3A_119 = arith.constant 96 : index
      %swap3A_120 = tpu.vector_load %arg10[%swap3A_119] {strides = array<i32>} : memref<128xi32, #tpu.memory_space<vmem>>, vector<16xi32>,
      tpu.vector_store %arg10[%swap3A_119], %get3A_118 {strides = array<i32>} : memref<128xi32, #tpu.memory_space<vmem>>, vector<16xi32>,
      %add3A_121 = arith.constant 112 : i32
      %add3A_122 = arith.addi %mul3A_79, %add3A_121 : i32
      %get3A_123 = arith.index_cast %add3A_122 : i32 to index
      %get3A_124 = tpu.vector_load %arg9[%get3A_123] {strides = array<i32>} : memref<20128xi32, #tpu.memory_space<vmem>>, vector<16xi32>,
      %swap3A_125 = arith.constant 112 : index
      %swap3A_126 = tpu.vector_load %arg10[%swap3A_125] {strides = array<i32>} : memref<128xi32, #tpu.memory_space<vmem>>, vector<16xi32>,
      tpu.vector_store %arg10[%swap3A_125], %get3A_124 {strides = array<i32>} : memref<128xi32, #tpu.memory_space<vmem>>, vector<16xi32>,
      %dma_start3A = arith.constant 0 : i32
      %dma_start3A_127 = tpu.memref_slice %arg2[%dma_start3A] : memref<20008xf32, #tpu.memory_space<hbm>> -> memref<20008xf32, #tpu.memory_space<hbm>>
      tpu.enqueue_indirect_dma source(%dma_start3A_127 : memref<20008xf32, #tpu.memory_space<hbm>>) target(%arg11 : memref<128xf32, #tpu.memory_space<vmem>>) offsets(%arg10 : memref<128xi32, #tpu.memory_space<vmem>>) semaphore(%arg20 : memref<!tpu.dma_semaphore, #tpu.memory_space<semaphore_mem>>)
      %dma_start3A_128 = arith.constant 0 : i32
      %dma_start3A_129 = tpu.memref_slice %arg3[%dma_start3A_128] : memref<20008xf32, #tpu.memory_space<hbm>> -> memref<20008xf32, #tpu.memory_space<hbm>>
      tpu.enqueue_indirect_dma source(%dma_start3A_129 : memref<20008xf32, #tpu.memory_space<hbm>>) target(%arg12 : memref<128xf32, #tpu.memory_space<vmem>>) offsets(%arg10 : memref<128xi32, #tpu.memory_space<vmem>>) semaphore(%arg20 : memref<!tpu.dma_semaphore, #tpu.memory_space<semaphore_mem>>)
      %dma_start3A_130 = arith.constant 0 : i32
      %dma_start3A_131 = tpu.memref_slice %arg4[%dma_start3A_130] : memref<20008xf32, #tpu.memory_space<hbm>> -> memref<20008xf32, #tpu.memory_space<hbm>>
      tpu.enqueue_indirect_dma source(%dma_start3A_131 : memref<20008xf32, #tpu.memory_space<hbm>>) target(%arg13 : memref<128xf32, #tpu.memory_space<vmem>>) offsets(%arg10 : memref<128xi32, #tpu.memory_space<vmem>>) semaphore(%arg20 : memref<!tpu.dma_semaphore, #tpu.memory_space<semaphore_mem>>)
      %dma_start3A_132 = arith.constant 0 : i32
      %dma_start3A_133 = tpu.memref_slice %arg5[%dma_start3A_132] : memref<20008xf32, #tpu.memory_space<hbm>> -> memref<20008xf32, #tpu.memory_space<hbm>>
      tpu.enqueue_indirect_dma source(%dma_start3A_133 : memref<20008xf32, #tpu.memory_space<hbm>>) target(%arg14 : memref<128xf32, #tpu.memory_space<vmem>>) offsets(%arg10 : memref<128xi32, #tpu.memory_space<vmem>>) semaphore(%arg20 : memref<!tpu.dma_semaphore, #tpu.memory_space<semaphore_mem>>)
      %dma_wait3A = arith.constant 0 : i32
      %dma_wait3A_134 = tpu.memref_slice %arg2[%dma_wait3A] : memref<20008xf32, #tpu.memory_space<hbm>> -> memref<20008xf32, #tpu.memory_space<hbm>>
      tpu.wait_indirect_dma semaphore(%arg20 : memref<!tpu.dma_semaphore, #tpu.memory_space<semaphore_mem>>) src(%dma_wait3A_134 : memref<20008xf32, #tpu.memory_space<hbm>>) dst(%arg11 : memref<128xf32, #tpu.memory_space<vmem>>)
      %dma_wait3A_135 = arith.constant 0 : i32
      %dma_wait3A_136 = tpu.memref_slice %arg3[%dma_wait3A_135] : memref<20008xf32, #tpu.memory_space<hbm>> -> memref<20008xf32, #tpu.memory_space<hbm>>
      tpu.wait_indirect_dma semaphore(%arg20 : memref<!tpu.dma_semaphore, #tpu.memory_space<semaphore_mem>>) src(%dma_wait3A_136 : memref<20008xf32, #tpu.memory_space<hbm>>) dst(%arg12 : memref<128xf32, #tpu.memory_space<vmem>>)
      %dma_wait3A_137 = arith.constant 0 : i32
      %dma_wait3A_138 = tpu.memref_slice %arg4[%dma_wait3A_137] : memref<20008xf32, #tpu.memory_space<hbm>> -> memref<20008xf32, #tpu.memory_space<hbm>>
      tpu.wait_indirect_dma semaphore(%arg20 : memref<!tpu.dma_semaphore, #tpu.memory_space<semaphore_mem>>) src(%dma_wait3A_138 : memref<20008xf32, #tpu.memory_space<hbm>>) dst(%arg13 : memref<128xf32, #tpu.memory_space<vmem>>)
      %dma_wait3A_139 = arith.constant 0 : i32
      %dma_wait3A_140 = tpu.memref_slice %arg5[%dma_wait3A_139] : memref<20008xf32, #tpu.memory_space<hbm>> -> memref<20008xf32, #tpu.memory_space<hbm>>
      tpu.wait_indirect_dma semaphore(%arg20 : memref<!tpu.dma_semaphore, #tpu.memory_space<semaphore_mem>>) src(%dma_wait3A_140 : memref<20008xf32, #tpu.memory_space<hbm>>) dst(%arg14 : memref<128xf32, #tpu.memory_space<vmem>>)
      %swap3A_141 = arith.constant 0 : index
      %swap3A_142 = tpu.vector_load %arg15[%swap3A_141] {strides = array<i32>} : memref<128xf32, #tpu.memory_space<vmem>>, vector<16xf32>,
      tpu.vector_store %arg15[%swap3A_141], %broadcast_in_dim3A_1 {strides = array<i32>} : memref<128xf32, #tpu.memory_space<vmem>>, vector<16xf32>,
      %swap3A_143 = arith.constant 16 : index
      %swap3A_144 = tpu.vector_load %arg15[%swap3A_143] {strides = array<i32>} : memref<128xf32, #tpu.memory_space<vmem>>, vector<16xf32>,
      tpu.vector_store %arg15[%swap3A_143], %broadcast_in_dim3A_1 {strides = array<i32>} : memref<128xf32, #tpu.memory_space<vmem>>, vector<16xf32>,
      %swap3A_145 = arith.constant 32 : index
      %swap3A_146 = tpu.vector_load %arg15[%swap3A_145] {strides = array<i32>} : memref<128xf32, #tpu.memory_space<vmem>>, vector<16xf32>,
      tpu.vector_store %arg15[%swap3A_145], %broadcast_in_dim3A_1 {strides = array<i32>} : memref<128xf32, #tpu.memory_space<vmem>>, vector<16xf32>,
      %swap3A_147 = arith.constant 48 : index
      %swap3A_148 = tpu.vector_load %arg15[%swap3A_147] {strides = array<i32>} : memref<128xf32, #tpu.memory_space<vmem>>, vector<16xf32>,
      tpu.vector_store %arg15[%swap3A_147], %broadcast_in_dim3A_1 {strides = array<i32>} : memref<128xf32, #tpu.memory_space<vmem>>, vector<16xf32>,
      %swap3A_149 = arith.constant 64 : index
      %swap3A_150 = tpu.vector_load %arg15[%swap3A_149] {strides = array<i32>} : memref<128xf32, #tpu.memory_space<vmem>>, vector<16xf32>,
      tpu.vector_store %arg15[%swap3A_149], %broadcast_in_dim3A_1 {strides = array<i32>} : memref<128xf32, #tpu.memory_space<vmem>>, vector<16xf32>,
      %swap3A_151 = arith.constant 80 : index
      %swap3A_152 = tpu.vector_load %arg15[%swap3A_151] {strides = array<i32>} : memref<128xf32, #tpu.memory_space<vmem>>, vector<16xf32>,
      tpu.vector_store %arg15[%swap3A_151], %broadcast_in_dim3A_1 {strides = array<i32>} : memref<128xf32, #tpu.memory_space<vmem>>, vector<16xf32>,
      %swap3A_153 = arith.constant 96 : index
      %swap3A_154 = tpu.vector_load %arg15[%swap3A_153] {strides = array<i32>} : memref<128xf32, #tpu.memory_space<vmem>>, vector<16xf32>,
      tpu.vector_store %arg15[%swap3A_153], %broadcast_in_dim3A_1 {strides = array<i32>} : memref<128xf32, #tpu.memory_space<vmem>>, vector<16xf32>,
      %swap3A_155 = arith.constant 112 : index
      %swap3A_156 = tpu.vector_load %arg15[%swap3A_155] {strides = array<i32>} : memref<128xf32, #tpu.memory_space<vmem>>, vector<16xf32>,
      tpu.vector_store %arg15[%swap3A_155], %broadcast_in_dim3A_1 {strides = array<i32>} : memref<128xf32, #tpu.memory_space<vmem>>, vector<16xf32>,
      %sub3A_157 = arith.subi %scan3A_12, %mul3A_79 : i32
      %min3A = arith.constant 128 : i32
      %min3A_158 = arith.minsi %min3A, %sub3A_157 : i32
      %while3A_159 = arith.constant 0 : i32
      %while3A_160 = arith.subi %min3A_158, %while3A_159 : i32
      %while3A_161 = arith.addi %while3A_159, %while3A_160 : i32
      %while3A_162 = arith.constant 1 : i32
      %while3A_163 = arith.divsi %while3A_160, %while3A_162 : i32
      %while3A_164 = arith.muli %while3A_163, %while3A_162 : i32
      %while3A_165 = arith.addi %while3A_159, %while3A_164 : i32
      %while3A_166 = arith.constant 1 : i32
      %while3A_167 = scf.for %while3A_174 = %while3A_159 to %while3A_165 step %while3A_166 iter_args(%while3A_175 = %while3A_77) -> (i32)  : i32 {
        %broadcast_in_dim3A_176 = vector.broadcast %while3A_174 : i32 to vector<16xi32>
        %gather3A = tpu.vector_load_idx %arg11[%broadcast_in_dim3A_176] : memref<128xf32, #tpu.memory_space<vmem>>[vector<16xi32>], vector<16xf32>,
        %gather3A_177 = tpu.vector_load_idx %arg12[%broadcast_in_dim3A_176] : memref<128xf32, #tpu.memory_space<vmem>>[vector<16xi32>], vector<16xf32>,
        %gather3A_178 = tpu.vector_load_idx %arg13[%broadcast_in_dim3A_176] : memref<128xf32, #tpu.memory_space<vmem>>[vector<16xi32>], vector<16xf32>,
        %gather3A_179 = tpu.vector_load_idx %arg14[%broadcast_in_dim3A_176] : memref<128xf32, #tpu.memory_space<vmem>>[vector<16xi32>], vector<16xf32>,
        %sub3A_180 = arith.subf %gather3A_178, %gather3A : vector<16xf32>
        %sub3A_181 = arith.subf %gather3A_179, %gather3A_177 : vector<16xf32>
        %mul3A_182 = arith.mulf %sub3A_180, %sub3A_181 : vector<16xf32>
        %add3A_183 = arith.constant 15 : i32
        %add3A_184 = arith.addi %while3A_175, %add3A_183 : i32
        %jit3A_185 = arith.constant 16 : i32
        %div3A_186 = arith.divsi %add3A_184, %jit3A_185 : i32
        %sign3A_187 = arith.constant 0 : i32
        %sign3A_188 = arith.cmpi sgt, %add3A_184, %sign3A_187 : i32
        %sign3A_189 = arith.extui %sign3A_188 : i1 to i32
        %sign3A_190 = arith.constant 0 : i32
        %sign3A_191 = arith.cmpi slt, %add3A_184, %sign3A_190 : i32
        %sign3A_192 = arith.extui %sign3A_191 : i1 to i32
        %sign3A_193 = arith.subi %sign3A_189, %sign3A_192 : i32
        %sign3A_194 = arith.constant 0 : i32
        %sign3A_195 = arith.cmpi sgt, %jit3A_185, %sign3A_194 : i32
        %sign3A_196 = arith.extui %sign3A_195 : i1 to i32
        %sign3A_197 = arith.constant 0 : i32
        %sign3A_198 = arith.cmpi slt, %jit3A_185, %sign3A_197 : i32
        %sign3A_199 = arith.extui %sign3A_198 : i1 to i32
        %sign3A_200 = arith.subi %sign3A_196, %sign3A_199 : i32
        %ne3A_201 = arith.cmpi ne, %sign3A_193, %sign3A_200 : i32
        %rem3A_202 = arith.remsi %add3A_184, %jit3A_185 : i32
        %ne3A_203 = arith.constant 0 : i32
        %ne3A_204 = arith.cmpi ne, %rem3A_202, %ne3A_203 : i32
        %and3A_205 = arith.andi %ne3A_201, %ne3A_204 : i1
        %sub3A_206 = arith.constant 1 : i32
        %sub3A_207 = arith.subi %div3A_186, %sub3A_206 : i32
        %select_n3A_208 = arith.select %and3A_205, %sub3A_207, %div3A_186 : i32
        %while3A_209 = arith.constant 0 : i32
        %while3A_210 = arith.constant false
        %while3A_211 = arith.subi %select_n3A_208, %while3A_209 : i32
        %while3A_212 = arith.addi %while3A_209, %while3A_211 : i32
        %while3A_213 = arith.constant 1 : i32
        %while3A_214 = arith.divsi %while3A_211, %while3A_213 : i32
        %while3A_215 = arith.muli %while3A_214, %while3A_213 : i32
        %while3A_216 = arith.addi %while3A_209, %while3A_215 : i32
        %while3A_217 = arith.constant 1 : i32
        %while3A_218 = scf.for %while3A_223 = %while3A_209 to %while3A_216 step %while3A_217 iter_args(%while3A_224 = %while3A_210) -> (i1)  : i32 {
          %mul3A_225 = arith.constant 16 : i32
          %mul3A_226 = arith.muli %while3A_223, %mul3A_225 : i32
          %get3A_227 = arith.index_cast %mul3A_226 : i32 to index
          %get3A_228 = tpu.vector_load %arg16[%get3A_227] {strides = array<i32>} : memref<20000xf32, #tpu.memory_space<vmem>>, vector<16xf32>,
          %get3A_229 = arith.index_cast %mul3A_226 : i32 to index
          %get3A_230 = tpu.vector_load %arg17[%get3A_229] {strides = array<i32>} : memref<20000xf32, #tpu.memory_space<vmem>>, vector<16xf32>,
          %get3A_231 = arith.index_cast %mul3A_226 : i32 to index
          %get3A_232 = tpu.vector_load %arg18[%get3A_231] {strides = array<i32>} : memref<20000xf32, #tpu.memory_space<vmem>>, vector<16xf32>,
          %get3A_233 = arith.index_cast %mul3A_226 : i32 to index
          %get3A_234 = tpu.vector_load %arg19[%get3A_233] {strides = array<i32>} : memref<20000xf32, #tpu.memory_space<vmem>>, vector<16xf32>,
          %sub3A_235 = arith.subf %get3A_232, %get3A_228 : vector<16xf32>
          %sub3A_236 = arith.subf %get3A_234, %get3A_230 : vector<16xf32>
          %mul3A_237 = arith.mulf %sub3A_235, %sub3A_236 : vector<16xf32>
          %max3A = arith.maximumf %gather3A, %get3A_228 : vector<16xf32>
          %max3A_238 = arith.maximumf %gather3A_177, %get3A_230 : vector<16xf32>
          %min3A_239 = arith.minimumf %gather3A_178, %get3A_232 : vector<16xf32>
          %min3A_240 = arith.minimumf %gather3A_179, %get3A_234 : vector<16xf32>
          %sub3A_241 = arith.subf %min3A_239, %max3A : vector<16xf32>
          %max3A_242 = arith.constant 0.000000e+00 : f32
          %max3A_243 = vector.broadcast %max3A_242 : f32 to vector<16xf32>
          %max3A_244 = arith.maximumf %sub3A_241, %max3A_243 : vector<16xf32>
          %sub3A_245 = arith.subf %min3A_240, %max3A_238 : vector<16xf32>
          %max3A_246 = arith.constant 0.000000e+00 : f32
          %max3A_247 = vector.broadcast %max3A_246 : f32 to vector<16xf32>
          %max3A_248 = arith.maximumf %sub3A_245, %max3A_247 : vector<16xf32>
          %mul3A_249 = arith.mulf %max3A_244, %max3A_248 : vector<16xf32>
          %add3A_250 = arith.addf %mul3A_237, %mul3A_182 : vector<16xf32>
          %sub3A_251 = arith.subf %add3A_250, %mul3A_249 : vector<16xf32>
          %add3A_252 = arith.constant 9.99999971E-10 : f32
          %add3A_253 = vector.broadcast %add3A_252 : f32 to vector<16xf32>
          %add3A_254 = arith.addf %sub3A_251, %add3A_253 : vector<16xf32>
          %div3A_255 = arith.divf %mul3A_249, %add3A_254 : vector<16xf32>
          %ge3A = arith.constant 5.000000e-01 : f32
          %ge3A_256 = vector.broadcast %ge3A : f32 to vector<16xf32>
          %ge3A_257 = arith.cmpf oge, %div3A_255, %ge3A_256 : vector<16xf32>
          %reduce_or3A = arith.constant 1.000000e+00 : f32
          %reduce_or3A_258 = arith.constant 0.000000e+00 : f32
          %reduce_or3A_259 = vector.broadcast %reduce_or3A : f32 to vector<16xf32>
          %reduce_or3A_260 = vector.broadcast %reduce_or3A_258 : f32 to vector<16xf32>
          %reduce_or3A_261 = arith.select %ge3A_257, %reduce_or3A_259, %reduce_or3A_260 : vector<16xi1>, vector<16xf32>
          %reduce_or3A_262 = arith.constant true
          %reduce_or3A_263 = vector.broadcast %reduce_or3A_262 : i1 to vector<16xi1>
          %reduce_or3A_264 = tpu.scan <max>, %reduce_or3A_261 masked %reduce_or3A_263 : vector<16xf32>, vector<16xi1> -> vector<16xf32>
          %reduce_or3A_265 = vector.extract %reduce_or3A_264[15] : f32 from vector<16xf32>
          %reduce_or3A_266 = arith.constant 0.000000e+00 : f32
          %reduce_or3A_267 = arith.cmpf ogt, %reduce_or3A_265, %reduce_or3A_266 : f32
          %or3A = arith.ori %while3A_224, %reduce_or3A_267 : i1
          scf.yield %or3A : i1
        }
        %while3A_219 = arith.constant 1 : i32
        %while3A_220 = scf.for %while3A_223 = %while3A_216 to %while3A_212 step %while3A_219 iter_args(%while3A_224 = %while3A_218) -> (i1)  : i32 {
          %mul3A_225 = arith.constant 16 : i32
          %mul3A_226 = arith.muli %while3A_223, %mul3A_225 : i32
          %get3A_227 = arith.index_cast %mul3A_226 : i32 to index
          %get3A_228 = tpu.vector_load %arg16[%get3A_227] {strides = array<i32>} : memref<20000xf32, #tpu.memory_space<vmem>>, vector<16xf32>,
          %get3A_229 = arith.index_cast %mul3A_226 : i32 to index
          %get3A_230 = tpu.vector_load %arg17[%get3A_229] {strides = array<i32>} : memref<20000xf32, #tpu.memory_space<vmem>>, vector<16xf32>,
          %get3A_231 = arith.index_cast %mul3A_226 : i32 to index
          %get3A_232 = tpu.vector_load %arg18[%get3A_231] {strides = array<i32>} : memref<20000xf32, #tpu.memory_space<vmem>>, vector<16xf32>,
          %get3A_233 = arith.index_cast %mul3A_226 : i32 to index
          %get3A_234 = tpu.vector_load %arg19[%get3A_233] {strides = array<i32>} : memref<20000xf32, #tpu.memory_space<vmem>>, vector<16xf32>,
          %sub3A_235 = arith.subf %get3A_232, %get3A_228 : vector<16xf32>
          %sub3A_236 = arith.subf %get3A_234, %get3A_230 : vector<16xf32>
          %mul3A_237 = arith.mulf %sub3A_235, %sub3A_236 : vector<16xf32>
          %max3A = arith.maximumf %gather3A, %get3A_228 : vector<16xf32>
          %max3A_238 = arith.maximumf %gather3A_177, %get3A_230 : vector<16xf32>
          %min3A_239 = arith.minimumf %gather3A_178, %get3A_232 : vector<16xf32>
          %min3A_240 = arith.minimumf %gather3A_179, %get3A_234 : vector<16xf32>
          %sub3A_241 = arith.subf %min3A_239, %max3A : vector<16xf32>
          %max3A_242 = arith.constant 0.000000e+00 : f32
          %max3A_243 = vector.broadcast %max3A_242 : f32 to vector<16xf32>
          %max3A_244 = arith.maximumf %sub3A_241, %max3A_243 : vector<16xf32>
          %sub3A_245 = arith.subf %min3A_240, %max3A_238 : vector<16xf32>
          %max3A_246 = arith.constant 0.000000e+00 : f32
          %max3A_247 = vector.broadcast %max3A_246 : f32 to vector<16xf32>
          %max3A_248 = arith.maximumf %sub3A_245, %max3A_247 : vector<16xf32>
          %mul3A_249 = arith.mulf %max3A_244, %max3A_248 : vector<16xf32>
          %add3A_250 = arith.addf %mul3A_237, %mul3A_182 : vector<16xf32>
          %sub3A_251 = arith.subf %add3A_250, %mul3A_249 : vector<16xf32>
          %add3A_252 = arith.constant 9.99999971E-10 : f32
          %add3A_253 = vector.broadcast %add3A_252 : f32 to vector<16xf32>
          %add3A_254 = arith.addf %sub3A_251, %add3A_253 : vector<16xf32>
          %div3A_255 = arith.divf %mul3A_249, %add3A_254 : vector<16xf32>
          %ge3A = arith.constant 5.000000e-01 : f32
          %ge3A_256 = vector.broadcast %ge3A : f32 to vector<16xf32>
          %ge3A_257 = arith.cmpf oge, %div3A_255, %ge3A_256 : vector<16xf32>
          %reduce_or3A = arith.constant 1.000000e+00 : f32
          %reduce_or3A_258 = arith.constant 0.000000e+00 : f32
          %reduce_or3A_259 = vector.broadcast %reduce_or3A : f32 to vector<16xf32>
          %reduce_or3A_260 = vector.broadcast %reduce_or3A_258 : f32 to vector<16xf32>
          %reduce_or3A_261 = arith.select %ge3A_257, %reduce_or3A_259, %reduce_or3A_260 : vector<16xi1>, vector<16xf32>
          %reduce_or3A_262 = arith.constant true
          %reduce_or3A_263 = vector.broadcast %reduce_or3A_262 : i1 to vector<16xi1>
          %reduce_or3A_264 = tpu.scan <max>, %reduce_or3A_261 masked %reduce_or3A_263 : vector<16xf32>, vector<16xi1> -> vector<16xf32>
          %reduce_or3A_265 = vector.extract %reduce_or3A_264[15] : f32 from vector<16xf32>
          %reduce_or3A_266 = arith.constant 0.000000e+00 : f32
          %reduce_or3A_267 = arith.cmpf ogt, %reduce_or3A_265, %reduce_or3A_266 : f32
          %or3A = arith.ori %while3A_224, %reduce_or3A_267 : i1
          scf.yield %or3A : i1
        }
        %convert_element_type3A = arith.extui %while3A_220 : i1 to i32
        %cond3A = arith.constant 0 : i32
        %cond3A_221 = arith.cmpi ne, %convert_element_type3A, %cond3A : i32
        %cond3A_222 = scf.if %cond3A_221 -> (i32) {
          scf.yield %while3A_175 : i32
        } else {
          %jit3A_223 = arith.constant 16 : i32
          %eq3A_224 = arith.constant 0 : i32
          %eq3A_225 = arith.cmpi eq, %jit3A_223, %eq3A_224 : i32
          %jit3A_226 = arith.constant 1 : i32
          %select_n3A_227 = arith.select %eq3A_225, %jit3A_226, %jit3A_223 : i32
          %rem3A_228 = arith.remsi %while3A_175, %select_n3A_227 : i32
          %ne3A_229 = arith.constant 0 : i32
          %ne3A_230 = arith.cmpi ne, %rem3A_228, %ne3A_229 : i32
          %lt3A = arith.constant 0 : i32
          %lt3A_231 = arith.cmpi slt, %rem3A_228, %lt3A : i32
          %lt3A_232 = arith.constant 0 : i32
          %lt3A_233 = arith.cmpi slt, %select_n3A_227, %lt3A_232 : i32
          %ne3A_234 = arith.xori %lt3A_231, %lt3A_233 : i1
          %and3A_235 = arith.andi %ne3A_234, %ne3A_230 : i1
          %add3A_236 = arith.addi %rem3A_228, %select_n3A_227 : i32
          %select_n3A_237 = arith.select %and3A_235, %add3A_236, %rem3A_228 : i32
          %eq3A_238 = arith.constant 0 : i32
          %eq3A_239 = arith.cmpi eq, %select_n3A_237, %eq3A_238 : i32
          %convert_element_type3A_240 = arith.extui %eq3A_239 : i1 to i32
          %cond3A_241 = arith.constant 0 : i32
          %cond3A_242 = arith.cmpi ne, %convert_element_type3A_240, %cond3A_241 : i32
          scf.if %cond3A_242 {
            %swap3A_246 = arith.index_cast %while3A_175 : i32 to index
            %swap3A_247 = tpu.vector_load %arg16[%swap3A_246] {strides = array<i32>} : memref<20000xf32, #tpu.memory_space<vmem>>, vector<16xf32>,
            tpu.vector_store %arg16[%swap3A_246], %broadcast_in_dim3A_1 {strides = array<i32>} : memref<20000xf32, #tpu.memory_space<vmem>>, vector<16xf32>,
            %swap3A_248 = arith.index_cast %while3A_175 : i32 to index
            %swap3A_249 = tpu.vector_load %arg17[%swap3A_248] {strides = array<i32>} : memref<20000xf32, #tpu.memory_space<vmem>>, vector<16xf32>,
            tpu.vector_store %arg17[%swap3A_248], %broadcast_in_dim3A_1 {strides = array<i32>} : memref<20000xf32, #tpu.memory_space<vmem>>, vector<16xf32>,
            %swap3A_250 = arith.index_cast %while3A_175 : i32 to index
            %swap3A_251 = tpu.vector_load %arg18[%swap3A_250] {strides = array<i32>} : memref<20000xf32, #tpu.memory_space<vmem>>, vector<16xf32>,
            tpu.vector_store %arg18[%swap3A_250], %broadcast_in_dim3A_1 {strides = array<i32>} : memref<20000xf32, #tpu.memory_space<vmem>>, vector<16xf32>,
            %swap3A_252 = arith.index_cast %while3A_175 : i32 to index
            %swap3A_253 = tpu.vector_load %arg19[%swap3A_252] {strides = array<i32>} : memref<20000xf32, #tpu.memory_space<vmem>>, vector<16xf32>,
            tpu.vector_store %arg19[%swap3A_252], %broadcast_in_dim3A_1 {strides = array<i32>} : memref<20000xf32, #tpu.memory_space<vmem>>, vector<16xf32>,
          } else {
          }
          %broadcast_in_dim3A_243 = vector.broadcast %while3A_175 : i32 to vector<16xi32>
          tpu.vector_store_idx %arg16[%broadcast_in_dim3A_243], %gather3A masked %eq3A_3 : memref<20000xf32, #tpu.memory_space<vmem>>[vector<16xi32>], vector<16xf32>, vector<16xi1>
          tpu.vector_store_idx %arg17[%broadcast_in_dim3A_243], %gather3A_177 masked %eq3A_3 : memref<20000xf32, #tpu.memory_space<vmem>>[vector<16xi32>], vector<16xf32>, vector<16xi1>
          tpu.vector_store_idx %arg18[%broadcast_in_dim3A_243], %gather3A_178 masked %eq3A_3 : memref<20000xf32, #tpu.memory_space<vmem>>[vector<16xi32>], vector<16xf32>, vector<16xi1>
          tpu.vector_store_idx %arg19[%broadcast_in_dim3A_243], %gather3A_179 masked %eq3A_3 : memref<20000xf32, #tpu.memory_space<vmem>>[vector<16xi32>], vector<16xf32>, vector<16xi1>
          tpu.vector_store_idx %arg15[%broadcast_in_dim3A_176], %broadcast_in_dim3A_5 masked %eq3A_3 : memref<128xf32, #tpu.memory_space<vmem>>[vector<16xi32>], vector<16xf32>, vector<16xi1>
          %add3A_244 = arith.constant 1 : i32
          %add3A_245 = arith.addi %while3A_175, %add3A_244 : i32
          scf.yield %add3A_245 : i32
        }
        scf.yield %cond3A_222 : i32
      }
      %while3A_168 = arith.constant 1 : i32
      %while3A_169 = scf.for %while3A_174 = %while3A_165 to %while3A_161 step %while3A_168 iter_args(%while3A_175 = %while3A_167) -> (i32)  : i32 {
        %broadcast_in_dim3A_176 = vector.broadcast %while3A_174 : i32 to vector<16xi32>
        %gather3A = tpu.vector_load_idx %arg11[%broadcast_in_dim3A_176] : memref<128xf32, #tpu.memory_space<vmem>>[vector<16xi32>], vector<16xf32>,
        %gather3A_177 = tpu.vector_load_idx %arg12[%broadcast_in_dim3A_176] : memref<128xf32, #tpu.memory_space<vmem>>[vector<16xi32>], vector<16xf32>,
        %gather3A_178 = tpu.vector_load_idx %arg13[%broadcast_in_dim3A_176] : memref<128xf32, #tpu.memory_space<vmem>>[vector<16xi32>], vector<16xf32>,
        %gather3A_179 = tpu.vector_load_idx %arg14[%broadcast_in_dim3A_176] : memref<128xf32, #tpu.memory_space<vmem>>[vector<16xi32>], vector<16xf32>,
        %sub3A_180 = arith.subf %gather3A_178, %gather3A : vector<16xf32>
        %sub3A_181 = arith.subf %gather3A_179, %gather3A_177 : vector<16xf32>
        %mul3A_182 = arith.mulf %sub3A_180, %sub3A_181 : vector<16xf32>
        %add3A_183 = arith.constant 15 : i32
        %add3A_184 = arith.addi %while3A_175, %add3A_183 : i32
        %jit3A_185 = arith.constant 16 : i32
        %div3A_186 = arith.divsi %add3A_184, %jit3A_185 : i32
        %sign3A_187 = arith.constant 0 : i32
        %sign3A_188 = arith.cmpi sgt, %add3A_184, %sign3A_187 : i32
        %sign3A_189 = arith.extui %sign3A_188 : i1 to i32
        %sign3A_190 = arith.constant 0 : i32
        %sign3A_191 = arith.cmpi slt, %add3A_184, %sign3A_190 : i32
        %sign3A_192 = arith.extui %sign3A_191 : i1 to i32
        %sign3A_193 = arith.subi %sign3A_189, %sign3A_192 : i32
        %sign3A_194 = arith.constant 0 : i32
        %sign3A_195 = arith.cmpi sgt, %jit3A_185, %sign3A_194 : i32
        %sign3A_196 = arith.extui %sign3A_195 : i1 to i32
        %sign3A_197 = arith.constant 0 : i32
        %sign3A_198 = arith.cmpi slt, %jit3A_185, %sign3A_197 : i32
        %sign3A_199 = arith.extui %sign3A_198 : i1 to i32
        %sign3A_200 = arith.subi %sign3A_196, %sign3A_199 : i32
        %ne3A_201 = arith.cmpi ne, %sign3A_193, %sign3A_200 : i32
        %rem3A_202 = arith.remsi %add3A_184, %jit3A_185 : i32
        %ne3A_203 = arith.constant 0 : i32
        %ne3A_204 = arith.cmpi ne, %rem3A_202, %ne3A_203 : i32
        %and3A_205 = arith.andi %ne3A_201, %ne3A_204 : i1
        %sub3A_206 = arith.constant 1 : i32
        %sub3A_207 = arith.subi %div3A_186, %sub3A_206 : i32
        %select_n3A_208 = arith.select %and3A_205, %sub3A_207, %div3A_186 : i32
        %while3A_209 = arith.constant 0 : i32
        %while3A_210 = arith.constant false
        %while3A_211 = arith.subi %select_n3A_208, %while3A_209 : i32
        %while3A_212 = arith.addi %while3A_209, %while3A_211 : i32
        %while3A_213 = arith.constant 1 : i32
        %while3A_214 = arith.divsi %while3A_211, %while3A_213 : i32
        %while3A_215 = arith.muli %while3A_214, %while3A_213 : i32
        %while3A_216 = arith.addi %while3A_209, %while3A_215 : i32
        %while3A_217 = arith.constant 1 : i32
        %while3A_218 = scf.for %while3A_223 = %while3A_209 to %while3A_216 step %while3A_217 iter_args(%while3A_224 = %while3A_210) -> (i1)  : i32 {
          %mul3A_225 = arith.constant 16 : i32
          %mul3A_226 = arith.muli %while3A_223, %mul3A_225 : i32
          %get3A_227 = arith.index_cast %mul3A_226 : i32 to index
          %get3A_228 = tpu.vector_load %arg16[%get3A_227] {strides = array<i32>} : memref<20000xf32, #tpu.memory_space<vmem>>, vector<16xf32>,
          %get3A_229 = arith.index_cast %mul3A_226 : i32 to index
          %get3A_230 = tpu.vector_load %arg17[%get3A_229] {strides = array<i32>} : memref<20000xf32, #tpu.memory_space<vmem>>, vector<16xf32>,
          %get3A_231 = arith.index_cast %mul3A_226 : i32 to index
          %get3A_232 = tpu.vector_load %arg18[%get3A_231] {strides = array<i32>} : memref<20000xf32, #tpu.memory_space<vmem>>, vector<16xf32>,
          %get3A_233 = arith.index_cast %mul3A_226 : i32 to index
          %get3A_234 = tpu.vector_load %arg19[%get3A_233] {strides = array<i32>} : memref<20000xf32, #tpu.memory_space<vmem>>, vector<16xf32>,
          %sub3A_235 = arith.subf %get3A_232, %get3A_228 : vector<16xf32>
          %sub3A_236 = arith.subf %get3A_234, %get3A_230 : vector<16xf32>
          %mul3A_237 = arith.mulf %sub3A_235, %sub3A_236 : vector<16xf32>
          %max3A = arith.maximumf %gather3A, %get3A_228 : vector<16xf32>
          %max3A_238 = arith.maximumf %gather3A_177, %get3A_230 : vector<16xf32>
          %min3A_239 = arith.minimumf %gather3A_178, %get3A_232 : vector<16xf32>
          %min3A_240 = arith.minimumf %gather3A_179, %get3A_234 : vector<16xf32>
          %sub3A_241 = arith.subf %min3A_239, %max3A : vector<16xf32>
          %max3A_242 = arith.constant 0.000000e+00 : f32
          %max3A_243 = vector.broadcast %max3A_242 : f32 to vector<16xf32>
          %max3A_244 = arith.maximumf %sub3A_241, %max3A_243 : vector<16xf32>
          %sub3A_245 = arith.subf %min3A_240, %max3A_238 : vector<16xf32>
          %max3A_246 = arith.constant 0.000000e+00 : f32
          %max3A_247 = vector.broadcast %max3A_246 : f32 to vector<16xf32>
          %max3A_248 = arith.maximumf %sub3A_245, %max3A_247 : vector<16xf32>
          %mul3A_249 = arith.mulf %max3A_244, %max3A_248 : vector<16xf32>
          %add3A_250 = arith.addf %mul3A_237, %mul3A_182 : vector<16xf32>
          %sub3A_251 = arith.subf %add3A_250, %mul3A_249 : vector<16xf32>
          %add3A_252 = arith.constant 9.99999971E-10 : f32
          %add3A_253 = vector.broadcast %add3A_252 : f32 to vector<16xf32>
          %add3A_254 = arith.addf %sub3A_251, %add3A_253 : vector<16xf32>
          %div3A_255 = arith.divf %mul3A_249, %add3A_254 : vector<16xf32>
          %ge3A = arith.constant 5.000000e-01 : f32
          %ge3A_256 = vector.broadcast %ge3A : f32 to vector<16xf32>
          %ge3A_257 = arith.cmpf oge, %div3A_255, %ge3A_256 : vector<16xf32>
          %reduce_or3A = arith.constant 1.000000e+00 : f32
          %reduce_or3A_258 = arith.constant 0.000000e+00 : f32
          %reduce_or3A_259 = vector.broadcast %reduce_or3A : f32 to vector<16xf32>
          %reduce_or3A_260 = vector.broadcast %reduce_or3A_258 : f32 to vector<16xf32>
          %reduce_or3A_261 = arith.select %ge3A_257, %reduce_or3A_259, %reduce_or3A_260 : vector<16xi1>, vector<16xf32>
          %reduce_or3A_262 = arith.constant true
          %reduce_or3A_263 = vector.broadcast %reduce_or3A_262 : i1 to vector<16xi1>
          %reduce_or3A_264 = tpu.scan <max>, %reduce_or3A_261 masked %reduce_or3A_263 : vector<16xf32>, vector<16xi1> -> vector<16xf32>
          %reduce_or3A_265 = vector.extract %reduce_or3A_264[15] : f32 from vector<16xf32>
          %reduce_or3A_266 = arith.constant 0.000000e+00 : f32
          %reduce_or3A_267 = arith.cmpf ogt, %reduce_or3A_265, %reduce_or3A_266 : f32
          %or3A = arith.ori %while3A_224, %reduce_or3A_267 : i1
          scf.yield %or3A : i1
        }
        %while3A_219 = arith.constant 1 : i32
        %while3A_220 = scf.for %while3A_223 = %while3A_216 to %while3A_212 step %while3A_219 iter_args(%while3A_224 = %while3A_218) -> (i1)  : i32 {
          %mul3A_225 = arith.constant 16 : i32
          %mul3A_226 = arith.muli %while3A_223, %mul3A_225 : i32
          %get3A_227 = arith.index_cast %mul3A_226 : i32 to index
          %get3A_228 = tpu.vector_load %arg16[%get3A_227] {strides = array<i32>} : memref<20000xf32, #tpu.memory_space<vmem>>, vector<16xf32>,
          %get3A_229 = arith.index_cast %mul3A_226 : i32 to index
          %get3A_230 = tpu.vector_load %arg17[%get3A_229] {strides = array<i32>} : memref<20000xf32, #tpu.memory_space<vmem>>, vector<16xf32>,
          %get3A_231 = arith.index_cast %mul3A_226 : i32 to index
          %get3A_232 = tpu.vector_load %arg18[%get3A_231] {strides = array<i32>} : memref<20000xf32, #tpu.memory_space<vmem>>, vector<16xf32>,
          %get3A_233 = arith.index_cast %mul3A_226 : i32 to index
          %get3A_234 = tpu.vector_load %arg19[%get3A_233] {strides = array<i32>} : memref<20000xf32, #tpu.memory_space<vmem>>, vector<16xf32>,
          %sub3A_235 = arith.subf %get3A_232, %get3A_228 : vector<16xf32>
          %sub3A_236 = arith.subf %get3A_234, %get3A_230 : vector<16xf32>
          %mul3A_237 = arith.mulf %sub3A_235, %sub3A_236 : vector<16xf32>
          %max3A = arith.maximumf %gather3A, %get3A_228 : vector<16xf32>
          %max3A_238 = arith.maximumf %gather3A_177, %get3A_230 : vector<16xf32>
          %min3A_239 = arith.minimumf %gather3A_178, %get3A_232 : vector<16xf32>
          %min3A_240 = arith.minimumf %gather3A_179, %get3A_234 : vector<16xf32>
          %sub3A_241 = arith.subf %min3A_239, %max3A : vector<16xf32>
          %max3A_242 = arith.constant 0.000000e+00 : f32
          %max3A_243 = vector.broadcast %max3A_242 : f32 to vector<16xf32>
          %max3A_244 = arith.maximumf %sub3A_241, %max3A_243 : vector<16xf32>
          %sub3A_245 = arith.subf %min3A_240, %max3A_238 : vector<16xf32>
          %max3A_246 = arith.constant 0.000000e+00 : f32
          %max3A_247 = vector.broadcast %max3A_246 : f32 to vector<16xf32>
          %max3A_248 = arith.maximumf %sub3A_245, %max3A_247 : vector<16xf32>
          %mul3A_249 = arith.mulf %max3A_244, %max3A_248 : vector<16xf32>
          %add3A_250 = arith.addf %mul3A_237, %mul3A_182 : vector<16xf32>
          %sub3A_251 = arith.subf %add3A_250, %mul3A_249 : vector<16xf32>
          %add3A_252 = arith.constant 9.99999971E-10 : f32
          %add3A_253 = vector.broadcast %add3A_252 : f32 to vector<16xf32>
          %add3A_254 = arith.addf %sub3A_251, %add3A_253 : vector<16xf32>
          %div3A_255 = arith.divf %mul3A_249, %add3A_254 : vector<16xf32>
          %ge3A = arith.constant 5.000000e-01 : f32
          %ge3A_256 = vector.broadcast %ge3A : f32 to vector<16xf32>
          %ge3A_257 = arith.cmpf oge, %div3A_255, %ge3A_256 : vector<16xf32>
          %reduce_or3A = arith.constant 1.000000e+00 : f32
          %reduce_or3A_258 = arith.constant 0.000000e+00 : f32
          %reduce_or3A_259 = vector.broadcast %reduce_or3A : f32 to vector<16xf32>
          %reduce_or3A_260 = vector.broadcast %reduce_or3A_258 : f32 to vector<16xf32>
          %reduce_or3A_261 = arith.select %ge3A_257, %reduce_or3A_259, %reduce_or3A_260 : vector<16xi1>, vector<16xf32>
          %reduce_or3A_262 = arith.constant true
          %reduce_or3A_263 = vector.broadcast %reduce_or3A_262 : i1 to vector<16xi1>
          %reduce_or3A_264 = tpu.scan <max>, %reduce_or3A_261 masked %reduce_or3A_263 : vector<16xf32>, vector<16xi1> -> vector<16xf32>
          %reduce_or3A_265 = vector.extract %reduce_or3A_264[15] : f32 from vector<16xf32>
          %reduce_or3A_266 = arith.constant 0.000000e+00 : f32
          %reduce_or3A_267 = arith.cmpf ogt, %reduce_or3A_265, %reduce_or3A_266 : f32
          %or3A = arith.ori %while3A_224, %reduce_or3A_267 : i1
          scf.yield %or3A : i1
        }
        %convert_element_type3A = arith.extui %while3A_220 : i1 to i32
        %cond3A = arith.constant 0 : i32
        %cond3A_221 = arith.cmpi ne, %convert_element_type3A, %cond3A : i32
        %cond3A_222 = scf.if %cond3A_221 -> (i32) {
          scf.yield %while3A_175 : i32
        } else {
          %jit3A_223 = arith.constant 16 : i32
          %eq3A_224 = arith.constant 0 : i32
          %eq3A_225 = arith.cmpi eq, %jit3A_223, %eq3A_224 : i32
          %jit3A_226 = arith.constant 1 : i32
          %select_n3A_227 = arith.select %eq3A_225, %jit3A_226, %jit3A_223 : i32
          %rem3A_228 = arith.remsi %while3A_175, %select_n3A_227 : i32
          %ne3A_229 = arith.constant 0 : i32
          %ne3A_230 = arith.cmpi ne, %rem3A_228, %ne3A_229 : i32
          %lt3A = arith.constant 0 : i32
          %lt3A_231 = arith.cmpi slt, %rem3A_228, %lt3A : i32
          %lt3A_232 = arith.constant 0 : i32
          %lt3A_233 = arith.cmpi slt, %select_n3A_227, %lt3A_232 : i32
          %ne3A_234 = arith.xori %lt3A_231, %lt3A_233 : i1
          %and3A_235 = arith.andi %ne3A_234, %ne3A_230 : i1
          %add3A_236 = arith.addi %rem3A_228, %select_n3A_227 : i32
          %select_n3A_237 = arith.select %and3A_235, %add3A_236, %rem3A_228 : i32
          %eq3A_238 = arith.constant 0 : i32
          %eq3A_239 = arith.cmpi eq, %select_n3A_237, %eq3A_238 : i32
          %convert_element_type3A_240 = arith.extui %eq3A_239 : i1 to i32
          %cond3A_241 = arith.constant 0 : i32
          %cond3A_242 = arith.cmpi ne, %convert_element_type3A_240, %cond3A_241 : i32
          scf.if %cond3A_242 {
            %swap3A_246 = arith.index_cast %while3A_175 : i32 to index
            %swap3A_247 = tpu.vector_load %arg16[%swap3A_246] {strides = array<i32>} : memref<20000xf32, #tpu.memory_space<vmem>>, vector<16xf32>,
            tpu.vector_store %arg16[%swap3A_246], %broadcast_in_dim3A_1 {strides = array<i32>} : memref<20000xf32, #tpu.memory_space<vmem>>, vector<16xf32>,
            %swap3A_248 = arith.index_cast %while3A_175 : i32 to index
            %swap3A_249 = tpu.vector_load %arg17[%swap3A_248] {strides = array<i32>} : memref<20000xf32, #tpu.memory_space<vmem>>, vector<16xf32>,
            tpu.vector_store %arg17[%swap3A_248], %broadcast_in_dim3A_1 {strides = array<i32>} : memref<20000xf32, #tpu.memory_space<vmem>>, vector<16xf32>,
            %swap3A_250 = arith.index_cast %while3A_175 : i32 to index
            %swap3A_251 = tpu.vector_load %arg18[%swap3A_250] {strides = array<i32>} : memref<20000xf32, #tpu.memory_space<vmem>>, vector<16xf32>,
            tpu.vector_store %arg18[%swap3A_250], %broadcast_in_dim3A_1 {strides = array<i32>} : memref<20000xf32, #tpu.memory_space<vmem>>, vector<16xf32>,
            %swap3A_252 = arith.index_cast %while3A_175 : i32 to index
            %swap3A_253 = tpu.vector_load %arg19[%swap3A_252] {strides = array<i32>} : memref<20000xf32, #tpu.memory_space<vmem>>, vector<16xf32>,
            tpu.vector_store %arg19[%swap3A_252], %broadcast_in_dim3A_1 {strides = array<i32>} : memref<20000xf32, #tpu.memory_space<vmem>>, vector<16xf32>,
          } else {
          }
          %broadcast_in_dim3A_243 = vector.broadcast %while3A_175 : i32 to vector<16xi32>
          tpu.vector_store_idx %arg16[%broadcast_in_dim3A_243], %gather3A masked %eq3A_3 : memref<20000xf32, #tpu.memory_space<vmem>>[vector<16xi32>], vector<16xf32>, vector<16xi1>
          tpu.vector_store_idx %arg17[%broadcast_in_dim3A_243], %gather3A_177 masked %eq3A_3 : memref<20000xf32, #tpu.memory_space<vmem>>[vector<16xi32>], vector<16xf32>, vector<16xi1>
          tpu.vector_store_idx %arg18[%broadcast_in_dim3A_243], %gather3A_178 masked %eq3A_3 : memref<20000xf32, #tpu.memory_space<vmem>>[vector<16xi32>], vector<16xf32>, vector<16xi1>
          tpu.vector_store_idx %arg19[%broadcast_in_dim3A_243], %gather3A_179 masked %eq3A_3 : memref<20000xf32, #tpu.memory_space<vmem>>[vector<16xi32>], vector<16xf32>, vector<16xi1>
          tpu.vector_store_idx %arg15[%broadcast_in_dim3A_176], %broadcast_in_dim3A_5 masked %eq3A_3 : memref<128xf32, #tpu.memory_space<vmem>>[vector<16xi32>], vector<16xf32>, vector<16xi1>
          %add3A_244 = arith.constant 1 : i32
          %add3A_245 = arith.addi %while3A_175, %add3A_244 : i32
          scf.yield %add3A_245 : i32
        }
        scf.yield %cond3A_222 : i32
      }
      %dma_start3A_170 = arith.constant 0 : i32
      %dma_start3A_171 = tpu.memref_slice %arg7[%dma_start3A_170] : memref<20008xf32, #tpu.memory_space<hbm>> -> memref<20008xf32, #tpu.memory_space<hbm>>
      tpu.enqueue_indirect_dma source(%arg15 : memref<128xf32, #tpu.memory_space<vmem>>) target(%dma_start3A_171 : memref<20008xf32, #tpu.memory_space<hbm>>) offsets(%arg10 : memref<128xi32, #tpu.memory_space<vmem>>) semaphore(%arg20 : memref<!tpu.dma_semaphore, #tpu.memory_space<semaphore_mem>>)
      %dma_wait3A_172 = arith.constant 0 : i32
      %dma_wait3A_173 = tpu.memref_slice %arg7[%dma_wait3A_172] : memref<20008xf32, #tpu.memory_space<hbm>> -> memref<20008xf32, #tpu.memory_space<hbm>>
      tpu.wait_indirect_dma semaphore(%arg20 : memref<!tpu.dma_semaphore, #tpu.memory_space<semaphore_mem>>) src(%arg15 : memref<128xf32, #tpu.memory_space<vmem>>) dst(%dma_wait3A_173 : memref<20008xf32, #tpu.memory_space<hbm>>)
      scf.yield %while3A_169 : i32
    }
    %while3A_74 = arith.constant 1 : i32
    %while3A_75 = scf.for %while3A_76 = %while3A_71 to %while3A_67 step %while3A_74 iter_args(%while3A_77 = %while3A_73) -> (i32)  : i32 {
      %mul3A_78 = arith.constant 128 : i32
      %mul3A_79 = arith.muli %while3A_76, %mul3A_78 : i32
      %add3A_80 = arith.constant 0 : i32
      %add3A_81 = arith.addi %mul3A_79, %add3A_80 : i32
      %get3A = arith.index_cast %add3A_81 : i32 to index
      %get3A_82 = tpu.vector_load %arg9[%get3A] {strides = array<i32>} : memref<20128xi32, #tpu.memory_space<vmem>>, vector<16xi32>,
      %swap3A_83 = arith.constant 0 : index
      %swap3A_84 = tpu.vector_load %arg10[%swap3A_83] {strides = array<i32>} : memref<128xi32, #tpu.memory_space<vmem>>, vector<16xi32>,
      tpu.vector_store %arg10[%swap3A_83], %get3A_82 {strides = array<i32>} : memref<128xi32, #tpu.memory_space<vmem>>, vector<16xi32>,
      %add3A_85 = arith.constant 16 : i32
      %add3A_86 = arith.addi %mul3A_79, %add3A_85 : i32
      %get3A_87 = arith.index_cast %add3A_86 : i32 to index
      %get3A_88 = tpu.vector_load %arg9[%get3A_87] {strides = array<i32>} : memref<20128xi32, #tpu.memory_space<vmem>>, vector<16xi32>,
      %swap3A_89 = arith.constant 16 : index
      %swap3A_90 = tpu.vector_load %arg10[%swap3A_89] {strides = array<i32>} : memref<128xi32, #tpu.memory_space<vmem>>, vector<16xi32>,
      tpu.vector_store %arg10[%swap3A_89], %get3A_88 {strides = array<i32>} : memref<128xi32, #tpu.memory_space<vmem>>, vector<16xi32>,
      %add3A_91 = arith.constant 32 : i32
      %add3A_92 = arith.addi %mul3A_79, %add3A_91 : i32
      %get3A_93 = arith.index_cast %add3A_92 : i32 to index
      %get3A_94 = tpu.vector_load %arg9[%get3A_93] {strides = array<i32>} : memref<20128xi32, #tpu.memory_space<vmem>>, vector<16xi32>,
      %swap3A_95 = arith.constant 32 : index
      %swap3A_96 = tpu.vector_load %arg10[%swap3A_95] {strides = array<i32>} : memref<128xi32, #tpu.memory_space<vmem>>, vector<16xi32>,
      tpu.vector_store %arg10[%swap3A_95], %get3A_94 {strides = array<i32>} : memref<128xi32, #tpu.memory_space<vmem>>, vector<16xi32>,
      %add3A_97 = arith.constant 48 : i32
      %add3A_98 = arith.addi %mul3A_79, %add3A_97 : i32
      %get3A_99 = arith.index_cast %add3A_98 : i32 to index
      %get3A_100 = tpu.vector_load %arg9[%get3A_99] {strides = array<i32>} : memref<20128xi32, #tpu.memory_space<vmem>>, vector<16xi32>,
      %swap3A_101 = arith.constant 48 : index
      %swap3A_102 = tpu.vector_load %arg10[%swap3A_101] {strides = array<i32>} : memref<128xi32, #tpu.memory_space<vmem>>, vector<16xi32>,
      tpu.vector_store %arg10[%swap3A_101], %get3A_100 {strides = array<i32>} : memref<128xi32, #tpu.memory_space<vmem>>, vector<16xi32>,
      %add3A_103 = arith.constant 64 : i32
      %add3A_104 = arith.addi %mul3A_79, %add3A_103 : i32
      %get3A_105 = arith.index_cast %add3A_104 : i32 to index
      %get3A_106 = tpu.vector_load %arg9[%get3A_105] {strides = array<i32>} : memref<20128xi32, #tpu.memory_space<vmem>>, vector<16xi32>,
      %swap3A_107 = arith.constant 64 : index
      %swap3A_108 = tpu.vector_load %arg10[%swap3A_107] {strides = array<i32>} : memref<128xi32, #tpu.memory_space<vmem>>, vector<16xi32>,
      tpu.vector_store %arg10[%swap3A_107], %get3A_106 {strides = array<i32>} : memref<128xi32, #tpu.memory_space<vmem>>, vector<16xi32>,
      %add3A_109 = arith.constant 80 : i32
      %add3A_110 = arith.addi %mul3A_79, %add3A_109 : i32
      %get3A_111 = arith.index_cast %add3A_110 : i32 to index
      %get3A_112 = tpu.vector_load %arg9[%get3A_111] {strides = array<i32>} : memref<20128xi32, #tpu.memory_space<vmem>>, vector<16xi32>,
      %swap3A_113 = arith.constant 80 : index
      %swap3A_114 = tpu.vector_load %arg10[%swap3A_113] {strides = array<i32>} : memref<128xi32, #tpu.memory_space<vmem>>, vector<16xi32>,
      tpu.vector_store %arg10[%swap3A_113], %get3A_112 {strides = array<i32>} : memref<128xi32, #tpu.memory_space<vmem>>, vector<16xi32>,
      %add3A_115 = arith.constant 96 : i32
      %add3A_116 = arith.addi %mul3A_79, %add3A_115 : i32
      %get3A_117 = arith.index_cast %add3A_116 : i32 to index
      %get3A_118 = tpu.vector_load %arg9[%get3A_117] {strides = array<i32>} : memref<20128xi32, #tpu.memory_space<vmem>>, vector<16xi32>,
      %swap3A_119 = arith.constant 96 : index
      %swap3A_120 = tpu.vector_load %arg10[%swap3A_119] {strides = array<i32>} : memref<128xi32, #tpu.memory_space<vmem>>, vector<16xi32>,
      tpu.vector_store %arg10[%swap3A_119], %get3A_118 {strides = array<i32>} : memref<128xi32, #tpu.memory_space<vmem>>, vector<16xi32>,
      %add3A_121 = arith.constant 112 : i32
      %add3A_122 = arith.addi %mul3A_79, %add3A_121 : i32
      %get3A_123 = arith.index_cast %add3A_122 : i32 to index
      %get3A_124 = tpu.vector_load %arg9[%get3A_123] {strides = array<i32>} : memref<20128xi32, #tpu.memory_space<vmem>>, vector<16xi32>,
      %swap3A_125 = arith.constant 112 : index
      %swap3A_126 = tpu.vector_load %arg10[%swap3A_125] {strides = array<i32>} : memref<128xi32, #tpu.memory_space<vmem>>, vector<16xi32>,
      tpu.vector_store %arg10[%swap3A_125], %get3A_124 {strides = array<i32>} : memref<128xi32, #tpu.memory_space<vmem>>, vector<16xi32>,
      %dma_start3A = arith.constant 0 : i32
      %dma_start3A_127 = tpu.memref_slice %arg2[%dma_start3A] : memref<20008xf32, #tpu.memory_space<hbm>> -> memref<20008xf32, #tpu.memory_space<hbm>>
      tpu.enqueue_indirect_dma source(%dma_start3A_127 : memref<20008xf32, #tpu.memory_space<hbm>>) target(%arg11 : memref<128xf32, #tpu.memory_space<vmem>>) offsets(%arg10 : memref<128xi32, #tpu.memory_space<vmem>>) semaphore(%arg20 : memref<!tpu.dma_semaphore, #tpu.memory_space<semaphore_mem>>)
      %dma_start3A_128 = arith.constant 0 : i32
      %dma_start3A_129 = tpu.memref_slice %arg3[%dma_start3A_128] : memref<20008xf32, #tpu.memory_space<hbm>> -> memref<20008xf32, #tpu.memory_space<hbm>>
      tpu.enqueue_indirect_dma source(%dma_start3A_129 : memref<20008xf32, #tpu.memory_space<hbm>>) target(%arg12 : memref<128xf32, #tpu.memory_space<vmem>>) offsets(%arg10 : memref<128xi32, #tpu.memory_space<vmem>>) semaphore(%arg20 : memref<!tpu.dma_semaphore, #tpu.memory_space<semaphore_mem>>)
      %dma_start3A_130 = arith.constant 0 : i32
      %dma_start3A_131 = tpu.memref_slice %arg4[%dma_start3A_130] : memref<20008xf32, #tpu.memory_space<hbm>> -> memref<20008xf32, #tpu.memory_space<hbm>>
      tpu.enqueue_indirect_dma source(%dma_start3A_131 : memref<20008xf32, #tpu.memory_space<hbm>>) target(%arg13 : memref<128xf32, #tpu.memory_space<vmem>>) offsets(%arg10 : memref<128xi32, #tpu.memory_space<vmem>>) semaphore(%arg20 : memref<!tpu.dma_semaphore, #tpu.memory_space<semaphore_mem>>)
      %dma_start3A_132 = arith.constant 0 : i32
      %dma_start3A_133 = tpu.memref_slice %arg5[%dma_start3A_132] : memref<20008xf32, #tpu.memory_space<hbm>> -> memref<20008xf32, #tpu.memory_space<hbm>>
      tpu.enqueue_indirect_dma source(%dma_start3A_133 : memref<20008xf32, #tpu.memory_space<hbm>>) target(%arg14 : memref<128xf32, #tpu.memory_space<vmem>>) offsets(%arg10 : memref<128xi32, #tpu.memory_space<vmem>>) semaphore(%arg20 : memref<!tpu.dma_semaphore, #tpu.memory_space<semaphore_mem>>)
      %dma_wait3A = arith.constant 0 : i32
      %dma_wait3A_134 = tpu.memref_slice %arg2[%dma_wait3A] : memref<20008xf32, #tpu.memory_space<hbm>> -> memref<20008xf32, #tpu.memory_space<hbm>>
      tpu.wait_indirect_dma semaphore(%arg20 : memref<!tpu.dma_semaphore, #tpu.memory_space<semaphore_mem>>) src(%dma_wait3A_134 : memref<20008xf32, #tpu.memory_space<hbm>>) dst(%arg11 : memref<128xf32, #tpu.memory_space<vmem>>)
      %dma_wait3A_135 = arith.constant 0 : i32
      %dma_wait3A_136 = tpu.memref_slice %arg3[%dma_wait3A_135] : memref<20008xf32, #tpu.memory_space<hbm>> -> memref<20008xf32, #tpu.memory_space<hbm>>
      tpu.wait_indirect_dma semaphore(%arg20 : memref<!tpu.dma_semaphore, #tpu.memory_space<semaphore_mem>>) src(%dma_wait3A_136 : memref<20008xf32, #tpu.memory_space<hbm>>) dst(%arg12 : memref<128xf32, #tpu.memory_space<vmem>>)
      %dma_wait3A_137 = arith.constant 0 : i32
      %dma_wait3A_138 = tpu.memref_slice %arg4[%dma_wait3A_137] : memref<20008xf32, #tpu.memory_space<hbm>> -> memref<20008xf32, #tpu.memory_space<hbm>>
      tpu.wait_indirect_dma semaphore(%arg20 : memref<!tpu.dma_semaphore, #tpu.memory_space<semaphore_mem>>) src(%dma_wait3A_138 : memref<20008xf32, #tpu.memory_space<hbm>>) dst(%arg13 : memref<128xf32, #tpu.memory_space<vmem>>)
      %dma_wait3A_139 = arith.constant 0 : i32
      %dma_wait3A_140 = tpu.memref_slice %arg5[%dma_wait3A_139] : memref<20008xf32, #tpu.memory_space<hbm>> -> memref<20008xf32, #tpu.memory_space<hbm>>
      tpu.wait_indirect_dma semaphore(%arg20 : memref<!tpu.dma_semaphore, #tpu.memory_space<semaphore_mem>>) src(%dma_wait3A_140 : memref<20008xf32, #tpu.memory_space<hbm>>) dst(%arg14 : memref<128xf32, #tpu.memory_space<vmem>>)
      %swap3A_141 = arith.constant 0 : index
      %swap3A_142 = tpu.vector_load %arg15[%swap3A_141] {strides = array<i32>} : memref<128xf32, #tpu.memory_space<vmem>>, vector<16xf32>,
      tpu.vector_store %arg15[%swap3A_141], %broadcast_in_dim3A_1 {strides = array<i32>} : memref<128xf32, #tpu.memory_space<vmem>>, vector<16xf32>,
      %swap3A_143 = arith.constant 16 : index
      %swap3A_144 = tpu.vector_load %arg15[%swap3A_143] {strides = array<i32>} : memref<128xf32, #tpu.memory_space<vmem>>, vector<16xf32>,
      tpu.vector_store %arg15[%swap3A_143], %broadcast_in_dim3A_1 {strides = array<i32>} : memref<128xf32, #tpu.memory_space<vmem>>, vector<16xf32>,
      %swap3A_145 = arith.constant 32 : index
      %swap3A_146 = tpu.vector_load %arg15[%swap3A_145] {strides = array<i32>} : memref<128xf32, #tpu.memory_space<vmem>>, vector<16xf32>,
      tpu.vector_store %arg15[%swap3A_145], %broadcast_in_dim3A_1 {strides = array<i32>} : memref<128xf32, #tpu.memory_space<vmem>>, vector<16xf32>,
      %swap3A_147 = arith.constant 48 : index
      %swap3A_148 = tpu.vector_load %arg15[%swap3A_147] {strides = array<i32>} : memref<128xf32, #tpu.memory_space<vmem>>, vector<16xf32>,
      tpu.vector_store %arg15[%swap3A_147], %broadcast_in_dim3A_1 {strides = array<i32>} : memref<128xf32, #tpu.memory_space<vmem>>, vector<16xf32>,
      %swap3A_149 = arith.constant 64 : index
      %swap3A_150 = tpu.vector_load %arg15[%swap3A_149] {strides = array<i32>} : memref<128xf32, #tpu.memory_space<vmem>>, vector<16xf32>,
      tpu.vector_store %arg15[%swap3A_149], %broadcast_in_dim3A_1 {strides = array<i32>} : memref<128xf32, #tpu.memory_space<vmem>>, vector<16xf32>,
      %swap3A_151 = arith.constant 80 : index
      %swap3A_152 = tpu.vector_load %arg15[%swap3A_151] {strides = array<i32>} : memref<128xf32, #tpu.memory_space<vmem>>, vector<16xf32>,
      tpu.vector_store %arg15[%swap3A_151], %broadcast_in_dim3A_1 {strides = array<i32>} : memref<128xf32, #tpu.memory_space<vmem>>, vector<16xf32>,
      %swap3A_153 = arith.constant 96 : index
      %swap3A_154 = tpu.vector_load %arg15[%swap3A_153] {strides = array<i32>} : memref<128xf32, #tpu.memory_space<vmem>>, vector<16xf32>,
      tpu.vector_store %arg15[%swap3A_153], %broadcast_in_dim3A_1 {strides = array<i32>} : memref<128xf32, #tpu.memory_space<vmem>>, vector<16xf32>,
      %swap3A_155 = arith.constant 112 : index
      %swap3A_156 = tpu.vector_load %arg15[%swap3A_155] {strides = array<i32>} : memref<128xf32, #tpu.memory_space<vmem>>, vector<16xf32>,
      tpu.vector_store %arg15[%swap3A_155], %broadcast_in_dim3A_1 {strides = array<i32>} : memref<128xf32, #tpu.memory_space<vmem>>, vector<16xf32>,
      %sub3A_157 = arith.subi %scan3A_12, %mul3A_79 : i32
      %min3A = arith.constant 128 : i32
      %min3A_158 = arith.minsi %min3A, %sub3A_157 : i32
      %while3A_159 = arith.constant 0 : i32
      %while3A_160 = arith.subi %min3A_158, %while3A_159 : i32
      %while3A_161 = arith.addi %while3A_159, %while3A_160 : i32
      %while3A_162 = arith.constant 1 : i32
      %while3A_163 = arith.divsi %while3A_160, %while3A_162 : i32
      %while3A_164 = arith.muli %while3A_163, %while3A_162 : i32
      %while3A_165 = arith.addi %while3A_159, %while3A_164 : i32
      %while3A_166 = arith.constant 1 : i32
      %while3A_167 = scf.for %while3A_174 = %while3A_159 to %while3A_165 step %while3A_166 iter_args(%while3A_175 = %while3A_77) -> (i32)  : i32 {
        %broadcast_in_dim3A_176 = vector.broadcast %while3A_174 : i32 to vector<16xi32>
        %gather3A = tpu.vector_load_idx %arg11[%broadcast_in_dim3A_176] : memref<128xf32, #tpu.memory_space<vmem>>[vector<16xi32>], vector<16xf32>,
        %gather3A_177 = tpu.vector_load_idx %arg12[%broadcast_in_dim3A_176] : memref<128xf32, #tpu.memory_space<vmem>>[vector<16xi32>], vector<16xf32>,
        %gather3A_178 = tpu.vector_load_idx %arg13[%broadcast_in_dim3A_176] : memref<128xf32, #tpu.memory_space<vmem>>[vector<16xi32>], vector<16xf32>,
        %gather3A_179 = tpu.vector_load_idx %arg14[%broadcast_in_dim3A_176] : memref<128xf32, #tpu.memory_space<vmem>>[vector<16xi32>], vector<16xf32>,
        %sub3A_180 = arith.subf %gather3A_178, %gather3A : vector<16xf32>
        %sub3A_181 = arith.subf %gather3A_179, %gather3A_177 : vector<16xf32>
        %mul3A_182 = arith.mulf %sub3A_180, %sub3A_181 : vector<16xf32>
        %add3A_183 = arith.constant 15 : i32
        %add3A_184 = arith.addi %while3A_175, %add3A_183 : i32
        %jit3A_185 = arith.constant 16 : i32
        %div3A_186 = arith.divsi %add3A_184, %jit3A_185 : i32
        %sign3A_187 = arith.constant 0 : i32
        %sign3A_188 = arith.cmpi sgt, %add3A_184, %sign3A_187 : i32
        %sign3A_189 = arith.extui %sign3A_188 : i1 to i32
        %sign3A_190 = arith.constant 0 : i32
        %sign3A_191 = arith.cmpi slt, %add3A_184, %sign3A_190 : i32
        %sign3A_192 = arith.extui %sign3A_191 : i1 to i32
        %sign3A_193 = arith.subi %sign3A_189, %sign3A_192 : i32
        %sign3A_194 = arith.constant 0 : i32
        %sign3A_195 = arith.cmpi sgt, %jit3A_185, %sign3A_194 : i32
        %sign3A_196 = arith.extui %sign3A_195 : i1 to i32
        %sign3A_197 = arith.constant 0 : i32
        %sign3A_198 = arith.cmpi slt, %jit3A_185, %sign3A_197 : i32
        %sign3A_199 = arith.extui %sign3A_198 : i1 to i32
        %sign3A_200 = arith.subi %sign3A_196, %sign3A_199 : i32
        %ne3A_201 = arith.cmpi ne, %sign3A_193, %sign3A_200 : i32
        %rem3A_202 = arith.remsi %add3A_184, %jit3A_185 : i32
        %ne3A_203 = arith.constant 0 : i32
        %ne3A_204 = arith.cmpi ne, %rem3A_202, %ne3A_203 : i32
        %and3A_205 = arith.andi %ne3A_201, %ne3A_204 : i1
        %sub3A_206 = arith.constant 1 : i32
        %sub3A_207 = arith.subi %div3A_186, %sub3A_206 : i32
        %select_n3A_208 = arith.select %and3A_205, %sub3A_207, %div3A_186 : i32
        %while3A_209 = arith.constant 0 : i32
        %while3A_210 = arith.constant false
        %while3A_211 = arith.subi %select_n3A_208, %while3A_209 : i32
        %while3A_212 = arith.addi %while3A_209, %while3A_211 : i32
        %while3A_213 = arith.constant 1 : i32
        %while3A_214 = arith.divsi %while3A_211, %while3A_213 : i32
        %while3A_215 = arith.muli %while3A_214, %while3A_213 : i32
        %while3A_216 = arith.addi %while3A_209, %while3A_215 : i32
        %while3A_217 = arith.constant 1 : i32
        %while3A_218 = scf.for %while3A_223 = %while3A_209 to %while3A_216 step %while3A_217 iter_args(%while3A_224 = %while3A_210) -> (i1)  : i32 {
          %mul3A_225 = arith.constant 16 : i32
          %mul3A_226 = arith.muli %while3A_223, %mul3A_225 : i32
          %get3A_227 = arith.index_cast %mul3A_226 : i32 to index
          %get3A_228 = tpu.vector_load %arg16[%get3A_227] {strides = array<i32>} : memref<20000xf32, #tpu.memory_space<vmem>>, vector<16xf32>,
          %get3A_229 = arith.index_cast %mul3A_226 : i32 to index
          %get3A_230 = tpu.vector_load %arg17[%get3A_229] {strides = array<i32>} : memref<20000xf32, #tpu.memory_space<vmem>>, vector<16xf32>,
          %get3A_231 = arith.index_cast %mul3A_226 : i32 to index
          %get3A_232 = tpu.vector_load %arg18[%get3A_231] {strides = array<i32>} : memref<20000xf32, #tpu.memory_space<vmem>>, vector<16xf32>,
          %get3A_233 = arith.index_cast %mul3A_226 : i32 to index
          %get3A_234 = tpu.vector_load %arg19[%get3A_233] {strides = array<i32>} : memref<20000xf32, #tpu.memory_space<vmem>>, vector<16xf32>,
          %sub3A_235 = arith.subf %get3A_232, %get3A_228 : vector<16xf32>
          %sub3A_236 = arith.subf %get3A_234, %get3A_230 : vector<16xf32>
          %mul3A_237 = arith.mulf %sub3A_235, %sub3A_236 : vector<16xf32>
          %max3A = arith.maximumf %gather3A, %get3A_228 : vector<16xf32>
          %max3A_238 = arith.maximumf %gather3A_177, %get3A_230 : vector<16xf32>
          %min3A_239 = arith.minimumf %gather3A_178, %get3A_232 : vector<16xf32>
          %min3A_240 = arith.minimumf %gather3A_179, %get3A_234 : vector<16xf32>
          %sub3A_241 = arith.subf %min3A_239, %max3A : vector<16xf32>
          %max3A_242 = arith.constant 0.000000e+00 : f32
          %max3A_243 = vector.broadcast %max3A_242 : f32 to vector<16xf32>
          %max3A_244 = arith.maximumf %sub3A_241, %max3A_243 : vector<16xf32>
          %sub3A_245 = arith.subf %min3A_240, %max3A_238 : vector<16xf32>
          %max3A_246 = arith.constant 0.000000e+00 : f32
          %max3A_247 = vector.broadcast %max3A_246 : f32 to vector<16xf32>
          %max3A_248 = arith.maximumf %sub3A_245, %max3A_247 : vector<16xf32>
          %mul3A_249 = arith.mulf %max3A_244, %max3A_248 : vector<16xf32>
          %add3A_250 = arith.addf %mul3A_237, %mul3A_182 : vector<16xf32>
          %sub3A_251 = arith.subf %add3A_250, %mul3A_249 : vector<16xf32>
          %add3A_252 = arith.constant 9.99999971E-10 : f32
          %add3A_253 = vector.broadcast %add3A_252 : f32 to vector<16xf32>
          %add3A_254 = arith.addf %sub3A_251, %add3A_253 : vector<16xf32>
          %div3A_255 = arith.divf %mul3A_249, %add3A_254 : vector<16xf32>
          %ge3A = arith.constant 5.000000e-01 : f32
          %ge3A_256 = vector.broadcast %ge3A : f32 to vector<16xf32>
          %ge3A_257 = arith.cmpf oge, %div3A_255, %ge3A_256 : vector<16xf32>
          %reduce_or3A = arith.constant 1.000000e+00 : f32
          %reduce_or3A_258 = arith.constant 0.000000e+00 : f32
          %reduce_or3A_259 = vector.broadcast %reduce_or3A : f32 to vector<16xf32>
          %reduce_or3A_260 = vector.broadcast %reduce_or3A_258 : f32 to vector<16xf32>
          %reduce_or3A_261 = arith.select %ge3A_257, %reduce_or3A_259, %reduce_or3A_260 : vector<16xi1>, vector<16xf32>
          %reduce_or3A_262 = arith.constant true
          %reduce_or3A_263 = vector.broadcast %reduce_or3A_262 : i1 to vector<16xi1>
          %reduce_or3A_264 = tpu.scan <max>, %reduce_or3A_261 masked %reduce_or3A_263 : vector<16xf32>, vector<16xi1> -> vector<16xf32>
          %reduce_or3A_265 = vector.extract %reduce_or3A_264[15] : f32 from vector<16xf32>
          %reduce_or3A_266 = arith.constant 0.000000e+00 : f32
          %reduce_or3A_267 = arith.cmpf ogt, %reduce_or3A_265, %reduce_or3A_266 : f32
          %or3A = arith.ori %while3A_224, %reduce_or3A_267 : i1
          scf.yield %or3A : i1
        }
        %while3A_219 = arith.constant 1 : i32
        %while3A_220 = scf.for %while3A_223 = %while3A_216 to %while3A_212 step %while3A_219 iter_args(%while3A_224 = %while3A_218) -> (i1)  : i32 {
          %mul3A_225 = arith.constant 16 : i32
          %mul3A_226 = arith.muli %while3A_223, %mul3A_225 : i32
          %get3A_227 = arith.index_cast %mul3A_226 : i32 to index
          %get3A_228 = tpu.vector_load %arg16[%get3A_227] {strides = array<i32>} : memref<20000xf32, #tpu.memory_space<vmem>>, vector<16xf32>,
          %get3A_229 = arith.index_cast %mul3A_226 : i32 to index
          %get3A_230 = tpu.vector_load %arg17[%get3A_229] {strides = array<i32>} : memref<20000xf32, #tpu.memory_space<vmem>>, vector<16xf32>,
          %get3A_231 = arith.index_cast %mul3A_226 : i32 to index
          %get3A_232 = tpu.vector_load %arg18[%get3A_231] {strides = array<i32>} : memref<20000xf32, #tpu.memory_space<vmem>>, vector<16xf32>,
          %get3A_233 = arith.index_cast %mul3A_226 : i32 to index
          %get3A_234 = tpu.vector_load %arg19[%get3A_233] {strides = array<i32>} : memref<20000xf32, #tpu.memory_space<vmem>>, vector<16xf32>,
          %sub3A_235 = arith.subf %get3A_232, %get3A_228 : vector<16xf32>
          %sub3A_236 = arith.subf %get3A_234, %get3A_230 : vector<16xf32>
          %mul3A_237 = arith.mulf %sub3A_235, %sub3A_236 : vector<16xf32>
          %max3A = arith.maximumf %gather3A, %get3A_228 : vector<16xf32>
          %max3A_238 = arith.maximumf %gather3A_177, %get3A_230 : vector<16xf32>
          %min3A_239 = arith.minimumf %gather3A_178, %get3A_232 : vector<16xf32>
          %min3A_240 = arith.minimumf %gather3A_179, %get3A_234 : vector<16xf32>
          %sub3A_241 = arith.subf %min3A_239, %max3A : vector<16xf32>
          %max3A_242 = arith.constant 0.000000e+00 : f32
          %max3A_243 = vector.broadcast %max3A_242 : f32 to vector<16xf32>
          %max3A_244 = arith.maximumf %sub3A_241, %max3A_243 : vector<16xf32>
          %sub3A_245 = arith.subf %min3A_240, %max3A_238 : vector<16xf32>
          %max3A_246 = arith.constant 0.000000e+00 : f32
          %max3A_247 = vector.broadcast %max3A_246 : f32 to vector<16xf32>
          %max3A_248 = arith.maximumf %sub3A_245, %max3A_247 : vector<16xf32>
          %mul3A_249 = arith.mulf %max3A_244, %max3A_248 : vector<16xf32>
          %add3A_250 = arith.addf %mul3A_237, %mul3A_182 : vector<16xf32>
          %sub3A_251 = arith.subf %add3A_250, %mul3A_249 : vector<16xf32>
          %add3A_252 = arith.constant 9.99999971E-10 : f32
          %add3A_253 = vector.broadcast %add3A_252 : f32 to vector<16xf32>
          %add3A_254 = arith.addf %sub3A_251, %add3A_253 : vector<16xf32>
          %div3A_255 = arith.divf %mul3A_249, %add3A_254 : vector<16xf32>
          %ge3A = arith.constant 5.000000e-01 : f32
          %ge3A_256 = vector.broadcast %ge3A : f32 to vector<16xf32>
          %ge3A_257 = arith.cmpf oge, %div3A_255, %ge3A_256 : vector<16xf32>
          %reduce_or3A = arith.constant 1.000000e+00 : f32
          %reduce_or3A_258 = arith.constant 0.000000e+00 : f32
          %reduce_or3A_259 = vector.broadcast %reduce_or3A : f32 to vector<16xf32>
          %reduce_or3A_260 = vector.broadcast %reduce_or3A_258 : f32 to vector<16xf32>
          %reduce_or3A_261 = arith.select %ge3A_257, %reduce_or3A_259, %reduce_or3A_260 : vector<16xi1>, vector<16xf32>
          %reduce_or3A_262 = arith.constant true
          %reduce_or3A_263 = vector.broadcast %reduce_or3A_262 : i1 to vector<16xi1>
          %reduce_or3A_264 = tpu.scan <max>, %reduce_or3A_261 masked %reduce_or3A_263 : vector<16xf32>, vector<16xi1> -> vector<16xf32>
          %reduce_or3A_265 = vector.extract %reduce_or3A_264[15] : f32 from vector<16xf32>
          %reduce_or3A_266 = arith.constant 0.000000e+00 : f32
          %reduce_or3A_267 = arith.cmpf ogt, %reduce_or3A_265, %reduce_or3A_266 : f32
          %or3A = arith.ori %while3A_224, %reduce_or3A_267 : i1
          scf.yield %or3A : i1
        }
        %convert_element_type3A = arith.extui %while3A_220 : i1 to i32
        %cond3A = arith.constant 0 : i32
        %cond3A_221 = arith.cmpi ne, %convert_element_type3A, %cond3A : i32
        %cond3A_222 = scf.if %cond3A_221 -> (i32) {
          scf.yield %while3A_175 : i32
        } else {
          %jit3A_223 = arith.constant 16 : i32
          %eq3A_224 = arith.constant 0 : i32
          %eq3A_225 = arith.cmpi eq, %jit3A_223, %eq3A_224 : i32
          %jit3A_226 = arith.constant 1 : i32
          %select_n3A_227 = arith.select %eq3A_225, %jit3A_226, %jit3A_223 : i32
          %rem3A_228 = arith.remsi %while3A_175, %select_n3A_227 : i32
          %ne3A_229 = arith.constant 0 : i32
          %ne3A_230 = arith.cmpi ne, %rem3A_228, %ne3A_229 : i32
          %lt3A = arith.constant 0 : i32
          %lt3A_231 = arith.cmpi slt, %rem3A_228, %lt3A : i32
          %lt3A_232 = arith.constant 0 : i32
          %lt3A_233 = arith.cmpi slt, %select_n3A_227, %lt3A_232 : i32
          %ne3A_234 = arith.xori %lt3A_231, %lt3A_233 : i1
          %and3A_235 = arith.andi %ne3A_234, %ne3A_230 : i1
          %add3A_236 = arith.addi %rem3A_228, %select_n3A_227 : i32
          %select_n3A_237 = arith.select %and3A_235, %add3A_236, %rem3A_228 : i32
          %eq3A_238 = arith.constant 0 : i32
          %eq3A_239 = arith.cmpi eq, %select_n3A_237, %eq3A_238 : i32
          %convert_element_type3A_240 = arith.extui %eq3A_239 : i1 to i32
          %cond3A_241 = arith.constant 0 : i32
          %cond3A_242 = arith.cmpi ne, %convert_element_type3A_240, %cond3A_241 : i32
          scf.if %cond3A_242 {
            %swap3A_246 = arith.index_cast %while3A_175 : i32 to index
            %swap3A_247 = tpu.vector_load %arg16[%swap3A_246] {strides = array<i32>} : memref<20000xf32, #tpu.memory_space<vmem>>, vector<16xf32>,
            tpu.vector_store %arg16[%swap3A_246], %broadcast_in_dim3A_1 {strides = array<i32>} : memref<20000xf32, #tpu.memory_space<vmem>>, vector<16xf32>,
            %swap3A_248 = arith.index_cast %while3A_175 : i32 to index
            %swap3A_249 = tpu.vector_load %arg17[%swap3A_248] {strides = array<i32>} : memref<20000xf32, #tpu.memory_space<vmem>>, vector<16xf32>,
            tpu.vector_store %arg17[%swap3A_248], %broadcast_in_dim3A_1 {strides = array<i32>} : memref<20000xf32, #tpu.memory_space<vmem>>, vector<16xf32>,
            %swap3A_250 = arith.index_cast %while3A_175 : i32 to index
            %swap3A_251 = tpu.vector_load %arg18[%swap3A_250] {strides = array<i32>} : memref<20000xf32, #tpu.memory_space<vmem>>, vector<16xf32>,
            tpu.vector_store %arg18[%swap3A_250], %broadcast_in_dim3A_1 {strides = array<i32>} : memref<20000xf32, #tpu.memory_space<vmem>>, vector<16xf32>,
            %swap3A_252 = arith.index_cast %while3A_175 : i32 to index
            %swap3A_253 = tpu.vector_load %arg19[%swap3A_252] {strides = array<i32>} : memref<20000xf32, #tpu.memory_space<vmem>>, vector<16xf32>,
            tpu.vector_store %arg19[%swap3A_252], %broadcast_in_dim3A_1 {strides = array<i32>} : memref<20000xf32, #tpu.memory_space<vmem>>, vector<16xf32>,
          } else {
          }
          %broadcast_in_dim3A_243 = vector.broadcast %while3A_175 : i32 to vector<16xi32>
          tpu.vector_store_idx %arg16[%broadcast_in_dim3A_243], %gather3A masked %eq3A_3 : memref<20000xf32, #tpu.memory_space<vmem>>[vector<16xi32>], vector<16xf32>, vector<16xi1>
          tpu.vector_store_idx %arg17[%broadcast_in_dim3A_243], %gather3A_177 masked %eq3A_3 : memref<20000xf32, #tpu.memory_space<vmem>>[vector<16xi32>], vector<16xf32>, vector<16xi1>
          tpu.vector_store_idx %arg18[%broadcast_in_dim3A_243], %gather3A_178 masked %eq3A_3 : memref<20000xf32, #tpu.memory_space<vmem>>[vector<16xi32>], vector<16xf32>, vector<16xi1>
          tpu.vector_store_idx %arg19[%broadcast_in_dim3A_243], %gather3A_179 masked %eq3A_3 : memref<20000xf32, #tpu.memory_space<vmem>>[vector<16xi32>], vector<16xf32>, vector<16xi1>
          tpu.vector_store_idx %arg15[%broadcast_in_dim3A_176], %broadcast_in_dim3A_5 masked %eq3A_3 : memref<128xf32, #tpu.memory_space<vmem>>[vector<16xi32>], vector<16xf32>, vector<16xi1>
          %add3A_244 = arith.constant 1 : i32
          %add3A_245 = arith.addi %while3A_175, %add3A_244 : i32
          scf.yield %add3A_245 : i32
        }
        scf.yield %cond3A_222 : i32
      }
      %while3A_168 = arith.constant 1 : i32
      %while3A_169 = scf.for %while3A_174 = %while3A_165 to %while3A_161 step %while3A_168 iter_args(%while3A_175 = %while3A_167) -> (i32)  : i32 {
        %broadcast_in_dim3A_176 = vector.broadcast %while3A_174 : i32 to vector<16xi32>
        %gather3A = tpu.vector_load_idx %arg11[%broadcast_in_dim3A_176] : memref<128xf32, #tpu.memory_space<vmem>>[vector<16xi32>], vector<16xf32>,
        %gather3A_177 = tpu.vector_load_idx %arg12[%broadcast_in_dim3A_176] : memref<128xf32, #tpu.memory_space<vmem>>[vector<16xi32>], vector<16xf32>,
        %gather3A_178 = tpu.vector_load_idx %arg13[%broadcast_in_dim3A_176] : memref<128xf32, #tpu.memory_space<vmem>>[vector<16xi32>], vector<16xf32>,
        %gather3A_179 = tpu.vector_load_idx %arg14[%broadcast_in_dim3A_176] : memref<128xf32, #tpu.memory_space<vmem>>[vector<16xi32>], vector<16xf32>,
        %sub3A_180 = arith.subf %gather3A_178, %gather3A : vector<16xf32>
        %sub3A_181 = arith.subf %gather3A_179, %gather3A_177 : vector<16xf32>
        %mul3A_182 = arith.mulf %sub3A_180, %sub3A_181 : vector<16xf32>
        %add3A_183 = arith.constant 15 : i32
        %add3A_184 = arith.addi %while3A_175, %add3A_183 : i32
        %jit3A_185 = arith.constant 16 : i32
        %div3A_186 = arith.divsi %add3A_184, %jit3A_185 : i32
        %sign3A_187 = arith.constant 0 : i32
        %sign3A_188 = arith.cmpi sgt, %add3A_184, %sign3A_187 : i32
        %sign3A_189 = arith.extui %sign3A_188 : i1 to i32
        %sign3A_190 = arith.constant 0 : i32
        %sign3A_191 = arith.cmpi slt, %add3A_184, %sign3A_190 : i32
        %sign3A_192 = arith.extui %sign3A_191 : i1 to i32
        %sign3A_193 = arith.subi %sign3A_189, %sign3A_192 : i32
        %sign3A_194 = arith.constant 0 : i32
        %sign3A_195 = arith.cmpi sgt, %jit3A_185, %sign3A_194 : i32
        %sign3A_196 = arith.extui %sign3A_195 : i1 to i32
        %sign3A_197 = arith.constant 0 : i32
        %sign3A_198 = arith.cmpi slt, %jit3A_185, %sign3A_197 : i32
        %sign3A_199 = arith.extui %sign3A_198 : i1 to i32
        %sign3A_200 = arith.subi %sign3A_196, %sign3A_199 : i32
        %ne3A_201 = arith.cmpi ne, %sign3A_193, %sign3A_200 : i32
        %rem3A_202 = arith.remsi %add3A_184, %jit3A_185 : i32
        %ne3A_203 = arith.constant 0 : i32
        %ne3A_204 = arith.cmpi ne, %rem3A_202, %ne3A_203 : i32
        %and3A_205 = arith.andi %ne3A_201, %ne3A_204 : i1
        %sub3A_206 = arith.constant 1 : i32
        %sub3A_207 = arith.subi %div3A_186, %sub3A_206 : i32
        %select_n3A_208 = arith.select %and3A_205, %sub3A_207, %div3A_186 : i32
        %while3A_209 = arith.constant 0 : i32
        %while3A_210 = arith.constant false
        %while3A_211 = arith.subi %select_n3A_208, %while3A_209 : i32
        %while3A_212 = arith.addi %while3A_209, %while3A_211 : i32
        %while3A_213 = arith.constant 1 : i32
        %while3A_214 = arith.divsi %while3A_211, %while3A_213 : i32
        %while3A_215 = arith.muli %while3A_214, %while3A_213 : i32
        %while3A_216 = arith.addi %while3A_209, %while3A_215 : i32
        %while3A_217 = arith.constant 1 : i32
        %while3A_218 = scf.for %while3A_223 = %while3A_209 to %while3A_216 step %while3A_217 iter_args(%while3A_224 = %while3A_210) -> (i1)  : i32 {
          %mul3A_225 = arith.constant 16 : i32
          %mul3A_226 = arith.muli %while3A_223, %mul3A_225 : i32
          %get3A_227 = arith.index_cast %mul3A_226 : i32 to index
          %get3A_228 = tpu.vector_load %arg16[%get3A_227] {strides = array<i32>} : memref<20000xf32, #tpu.memory_space<vmem>>, vector<16xf32>,
          %get3A_229 = arith.index_cast %mul3A_226 : i32 to index
          %get3A_230 = tpu.vector_load %arg17[%get3A_229] {strides = array<i32>} : memref<20000xf32, #tpu.memory_space<vmem>>, vector<16xf32>,
          %get3A_231 = arith.index_cast %mul3A_226 : i32 to index
          %get3A_232 = tpu.vector_load %arg18[%get3A_231] {strides = array<i32>} : memref<20000xf32, #tpu.memory_space<vmem>>, vector<16xf32>,
          %get3A_233 = arith.index_cast %mul3A_226 : i32 to index
          %get3A_234 = tpu.vector_load %arg19[%get3A_233] {strides = array<i32>} : memref<20000xf32, #tpu.memory_space<vmem>>, vector<16xf32>,
          %sub3A_235 = arith.subf %get3A_232, %get3A_228 : vector<16xf32>
          %sub3A_236 = arith.subf %get3A_234, %get3A_230 : vector<16xf32>
          %mul3A_237 = arith.mulf %sub3A_235, %sub3A_236 : vector<16xf32>
          %max3A = arith.maximumf %gather3A, %get3A_228 : vector<16xf32>
          %max3A_238 = arith.maximumf %gather3A_177, %get3A_230 : vector<16xf32>
          %min3A_239 = arith.minimumf %gather3A_178, %get3A_232 : vector<16xf32>
          %min3A_240 = arith.minimumf %gather3A_179, %get3A_234 : vector<16xf32>
          %sub3A_241 = arith.subf %min3A_239, %max3A : vector<16xf32>
          %max3A_242 = arith.constant 0.000000e+00 : f32
          %max3A_243 = vector.broadcast %max3A_242 : f32 to vector<16xf32>
          %max3A_244 = arith.maximumf %sub3A_241, %max3A_243 : vector<16xf32>
          %sub3A_245 = arith.subf %min3A_240, %max3A_238 : vector<16xf32>
          %max3A_246 = arith.constant 0.000000e+00 : f32
          %max3A_247 = vector.broadcast %max3A_246 : f32 to vector<16xf32>
          %max3A_248 = arith.maximumf %sub3A_245, %max3A_247 : vector<16xf32>
          %mul3A_249 = arith.mulf %max3A_244, %max3A_248 : vector<16xf32>
          %add3A_250 = arith.addf %mul3A_237, %mul3A_182 : vector<16xf32>
          %sub3A_251 = arith.subf %add3A_250, %mul3A_249 : vector<16xf32>
          %add3A_252 = arith.constant 9.99999971E-10 : f32
          %add3A_253 = vector.broadcast %add3A_252 : f32 to vector<16xf32>
          %add3A_254 = arith.addf %sub3A_251, %add3A_253 : vector<16xf32>
          %div3A_255 = arith.divf %mul3A_249, %add3A_254 : vector<16xf32>
          %ge3A = arith.constant 5.000000e-01 : f32
          %ge3A_256 = vector.broadcast %ge3A : f32 to vector<16xf32>
          %ge3A_257 = arith.cmpf oge, %div3A_255, %ge3A_256 : vector<16xf32>
          %reduce_or3A = arith.constant 1.000000e+00 : f32
          %reduce_or3A_258 = arith.constant 0.000000e+00 : f32
          %reduce_or3A_259 = vector.broadcast %reduce_or3A : f32 to vector<16xf32>
          %reduce_or3A_260 = vector.broadcast %reduce_or3A_258 : f32 to vector<16xf32>
          %reduce_or3A_261 = arith.select %ge3A_257, %reduce_or3A_259, %reduce_or3A_260 : vector<16xi1>, vector<16xf32>
          %reduce_or3A_262 = arith.constant true
          %reduce_or3A_263 = vector.broadcast %reduce_or3A_262 : i1 to vector<16xi1>
          %reduce_or3A_264 = tpu.scan <max>, %reduce_or3A_261 masked %reduce_or3A_263 : vector<16xf32>, vector<16xi1> -> vector<16xf32>
          %reduce_or3A_265 = vector.extract %reduce_or3A_264[15] : f32 from vector<16xf32>
          %reduce_or3A_266 = arith.constant 0.000000e+00 : f32
          %reduce_or3A_267 = arith.cmpf ogt, %reduce_or3A_265, %reduce_or3A_266 : f32
          %or3A = arith.ori %while3A_224, %reduce_or3A_267 : i1
          scf.yield %or3A : i1
        }
        %while3A_219 = arith.constant 1 : i32
        %while3A_220 = scf.for %while3A_223 = %while3A_216 to %while3A_212 step %while3A_219 iter_args(%while3A_224 = %while3A_218) -> (i1)  : i32 {
          %mul3A_225 = arith.constant 16 : i32
          %mul3A_226 = arith.muli %while3A_223, %mul3A_225 : i32
          %get3A_227 = arith.index_cast %mul3A_226 : i32 to index
          %get3A_228 = tpu.vector_load %arg16[%get3A_227] {strides = array<i32>} : memref<20000xf32, #tpu.memory_space<vmem>>, vector<16xf32>,
          %get3A_229 = arith.index_cast %mul3A_226 : i32 to index
          %get3A_230 = tpu.vector_load %arg17[%get3A_229] {strides = array<i32>} : memref<20000xf32, #tpu.memory_space<vmem>>, vector<16xf32>,
          %get3A_231 = arith.index_cast %mul3A_226 : i32 to index
          %get3A_232 = tpu.vector_load %arg18[%get3A_231] {strides = array<i32>} : memref<20000xf32, #tpu.memory_space<vmem>>, vector<16xf32>,
          %get3A_233 = arith.index_cast %mul3A_226 : i32 to index
          %get3A_234 = tpu.vector_load %arg19[%get3A_233] {strides = array<i32>} : memref<20000xf32, #tpu.memory_space<vmem>>, vector<16xf32>,
          %sub3A_235 = arith.subf %get3A_232, %get3A_228 : vector<16xf32>
          %sub3A_236 = arith.subf %get3A_234, %get3A_230 : vector<16xf32>
          %mul3A_237 = arith.mulf %sub3A_235, %sub3A_236 : vector<16xf32>
          %max3A = arith.maximumf %gather3A, %get3A_228 : vector<16xf32>
          %max3A_238 = arith.maximumf %gather3A_177, %get3A_230 : vector<16xf32>
          %min3A_239 = arith.minimumf %gather3A_178, %get3A_232 : vector<16xf32>
          %min3A_240 = arith.minimumf %gather3A_179, %get3A_234 : vector<16xf32>
          %sub3A_241 = arith.subf %min3A_239, %max3A : vector<16xf32>
          %max3A_242 = arith.constant 0.000000e+00 : f32
          %max3A_243 = vector.broadcast %max3A_242 : f32 to vector<16xf32>
          %max3A_244 = arith.maximumf %sub3A_241, %max3A_243 : vector<16xf32>
          %sub3A_245 = arith.subf %min3A_240, %max3A_238 : vector<16xf32>
          %max3A_246 = arith.constant 0.000000e+00 : f32
          %max3A_247 = vector.broadcast %max3A_246 : f32 to vector<16xf32>
          %max3A_248 = arith.maximumf %sub3A_245, %max3A_247 : vector<16xf32>
          %mul3A_249 = arith.mulf %max3A_244, %max3A_248 : vector<16xf32>
          %add3A_250 = arith.addf %mul3A_237, %mul3A_182 : vector<16xf32>
          %sub3A_251 = arith.subf %add3A_250, %mul3A_249 : vector<16xf32>
          %add3A_252 = arith.constant 9.99999971E-10 : f32
          %add3A_253 = vector.broadcast %add3A_252 : f32 to vector<16xf32>
          %add3A_254 = arith.addf %sub3A_251, %add3A_253 : vector<16xf32>
          %div3A_255 = arith.divf %mul3A_249, %add3A_254 : vector<16xf32>
          %ge3A = arith.constant 5.000000e-01 : f32
          %ge3A_256 = vector.broadcast %ge3A : f32 to vector<16xf32>
          %ge3A_257 = arith.cmpf oge, %div3A_255, %ge3A_256 : vector<16xf32>
          %reduce_or3A = arith.constant 1.000000e+00 : f32
          %reduce_or3A_258 = arith.constant 0.000000e+00 : f32
          %reduce_or3A_259 = vector.broadcast %reduce_or3A : f32 to vector<16xf32>
          %reduce_or3A_260 = vector.broadcast %reduce_or3A_258 : f32 to vector<16xf32>
          %reduce_or3A_261 = arith.select %ge3A_257, %reduce_or3A_259, %reduce_or3A_260 : vector<16xi1>, vector<16xf32>
          %reduce_or3A_262 = arith.constant true
          %reduce_or3A_263 = vector.broadcast %reduce_or3A_262 : i1 to vector<16xi1>
          %reduce_or3A_264 = tpu.scan <max>, %reduce_or3A_261 masked %reduce_or3A_263 : vector<16xf32>, vector<16xi1> -> vector<16xf32>
          %reduce_or3A_265 = vector.extract %reduce_or3A_264[15] : f32 from vector<16xf32>
          %reduce_or3A_266 = arith.constant 0.000000e+00 : f32
          %reduce_or3A_267 = arith.cmpf ogt, %reduce_or3A_265, %reduce_or3A_266 : f32
          %or3A = arith.ori %while3A_224, %reduce_or3A_267 : i1
          scf.yield %or3A : i1
        }
        %convert_element_type3A = arith.extui %while3A_220 : i1 to i32
        %cond3A = arith.constant 0 : i32
        %cond3A_221 = arith.cmpi ne, %convert_element_type3A, %cond3A : i32
        %cond3A_222 = scf.if %cond3A_221 -> (i32) {
          scf.yield %while3A_175 : i32
        } else {
          %jit3A_223 = arith.constant 16 : i32
          %eq3A_224 = arith.constant 0 : i32
          %eq3A_225 = arith.cmpi eq, %jit3A_223, %eq3A_224 : i32
          %jit3A_226 = arith.constant 1 : i32
          %select_n3A_227 = arith.select %eq3A_225, %jit3A_226, %jit3A_223 : i32
          %rem3A_228 = arith.remsi %while3A_175, %select_n3A_227 : i32
          %ne3A_229 = arith.constant 0 : i32
          %ne3A_230 = arith.cmpi ne, %rem3A_228, %ne3A_229 : i32
          %lt3A = arith.constant 0 : i32
          %lt3A_231 = arith.cmpi slt, %rem3A_228, %lt3A : i32
          %lt3A_232 = arith.constant 0 : i32
          %lt3A_233 = arith.cmpi slt, %select_n3A_227, %lt3A_232 : i32
          %ne3A_234 = arith.xori %lt3A_231, %lt3A_233 : i1
          %and3A_235 = arith.andi %ne3A_234, %ne3A_230 : i1
          %add3A_236 = arith.addi %rem3A_228, %select_n3A_227 : i32
          %select_n3A_237 = arith.select %and3A_235, %add3A_236, %rem3A_228 : i32
          %eq3A_238 = arith.constant 0 : i32
          %eq3A_239 = arith.cmpi eq, %select_n3A_237, %eq3A_238 : i32
          %convert_element_type3A_240 = arith.extui %eq3A_239 : i1 to i32
          %cond3A_241 = arith.constant 0 : i32
          %cond3A_242 = arith.cmpi ne, %convert_element_type3A_240, %cond3A_241 : i32
          scf.if %cond3A_242 {
            %swap3A_246 = arith.index_cast %while3A_175 : i32 to index
            %swap3A_247 = tpu.vector_load %arg16[%swap3A_246] {strides = array<i32>} : memref<20000xf32, #tpu.memory_space<vmem>>, vector<16xf32>,
            tpu.vector_store %arg16[%swap3A_246], %broadcast_in_dim3A_1 {strides = array<i32>} : memref<20000xf32, #tpu.memory_space<vmem>>, vector<16xf32>,
            %swap3A_248 = arith.index_cast %while3A_175 : i32 to index
            %swap3A_249 = tpu.vector_load %arg17[%swap3A_248] {strides = array<i32>} : memref<20000xf32, #tpu.memory_space<vmem>>, vector<16xf32>,
            tpu.vector_store %arg17[%swap3A_248], %broadcast_in_dim3A_1 {strides = array<i32>} : memref<20000xf32, #tpu.memory_space<vmem>>, vector<16xf32>,
            %swap3A_250 = arith.index_cast %while3A_175 : i32 to index
            %swap3A_251 = tpu.vector_load %arg18[%swap3A_250] {strides = array<i32>} : memref<20000xf32, #tpu.memory_space<vmem>>, vector<16xf32>,
            tpu.vector_store %arg18[%swap3A_250], %broadcast_in_dim3A_1 {strides = array<i32>} : memref<20000xf32, #tpu.memory_space<vmem>>, vector<16xf32>,
            %swap3A_252 = arith.index_cast %while3A_175 : i32 to index
            %swap3A_253 = tpu.vector_load %arg19[%swap3A_252] {strides = array<i32>} : memref<20000xf32, #tpu.memory_space<vmem>>, vector<16xf32>,
            tpu.vector_store %arg19[%swap3A_252], %broadcast_in_dim3A_1 {strides = array<i32>} : memref<20000xf32, #tpu.memory_space<vmem>>, vector<16xf32>,
          } else {
          }
          %broadcast_in_dim3A_243 = vector.broadcast %while3A_175 : i32 to vector<16xi32>
          tpu.vector_store_idx %arg16[%broadcast_in_dim3A_243], %gather3A masked %eq3A_3 : memref<20000xf32, #tpu.memory_space<vmem>>[vector<16xi32>], vector<16xf32>, vector<16xi1>
          tpu.vector_store_idx %arg17[%broadcast_in_dim3A_243], %gather3A_177 masked %eq3A_3 : memref<20000xf32, #tpu.memory_space<vmem>>[vector<16xi32>], vector<16xf32>, vector<16xi1>
          tpu.vector_store_idx %arg18[%broadcast_in_dim3A_243], %gather3A_178 masked %eq3A_3 : memref<20000xf32, #tpu.memory_space<vmem>>[vector<16xi32>], vector<16xf32>, vector<16xi1>
          tpu.vector_store_idx %arg19[%broadcast_in_dim3A_243], %gather3A_179 masked %eq3A_3 : memref<20000xf32, #tpu.memory_space<vmem>>[vector<16xi32>], vector<16xf32>, vector<16xi1>
          tpu.vector_store_idx %arg15[%broadcast_in_dim3A_176], %broadcast_in_dim3A_5 masked %eq3A_3 : memref<128xf32, #tpu.memory_space<vmem>>[vector<16xi32>], vector<16xf32>, vector<16xi1>
          %add3A_244 = arith.constant 1 : i32
          %add3A_245 = arith.addi %while3A_175, %add3A_244 : i32
          scf.yield %add3A_245 : i32
        }
        scf.yield %cond3A_222 : i32
      }
      %dma_start3A_170 = arith.constant 0 : i32
      %dma_start3A_171 = tpu.memref_slice %arg7[%dma_start3A_170] : memref<20008xf32, #tpu.memory_space<hbm>> -> memref<20008xf32, #tpu.memory_space<hbm>>
      tpu.enqueue_indirect_dma source(%arg15 : memref<128xf32, #tpu.memory_space<vmem>>) target(%dma_start3A_171 : memref<20008xf32, #tpu.memory_space<hbm>>) offsets(%arg10 : memref<128xi32, #tpu.memory_space<vmem>>) semaphore(%arg20 : memref<!tpu.dma_semaphore, #tpu.memory_space<semaphore_mem>>)
      %dma_wait3A_172 = arith.constant 0 : i32
      %dma_wait3A_173 = tpu.memref_slice %arg7[%dma_wait3A_172] : memref<20008xf32, #tpu.memory_space<hbm>> -> memref<20008xf32, #tpu.memory_space<hbm>>
      tpu.wait_indirect_dma semaphore(%arg20 : memref<!tpu.dma_semaphore, #tpu.memory_space<semaphore_mem>>) src(%arg15 : memref<128xf32, #tpu.memory_space<vmem>>) dst(%dma_wait3A_173 : memref<20008xf32, #tpu.memory_space<hbm>>)
      scf.yield %while3A_169 : i32
    }
    return
  }
}

</mosaic_0001>

<sc_bundles>
// kernel: gather_offload_async_start.1
scs
__scs_entry_jumppad:
0x0: {  	(pc) =	sbr.rel $0x88, $3  }
0x1: {  	(tag) =	ssettag $0x0;
	lr =	simm.s32 $0x1  }
0x2: {  	[smem:$0x3F9E] =	sst lr;
	_ =	strace $0xD0000000  }
0x3: {  	_ = 	snop  }
0x4: {  	_ = 	snop  }
0x5: {  	_ = 	snop  }
0x6: {  	_ = 	snop  }
0x7: {  	_ = 	snop  }
__scs_overlays_trampoline_lowered:
0x8: {  	[smem:$0x3FAD] =	sst s0  }
0x9: {  	[smem:$0x3FAE] =	sst s1  }
0xa: {  	[smem:$0x3FAF] =	sst s2  }
0xb: {  	[smem:$0x3FB0] =	sst s3  }
0xc: {  	[smem:$0x3FB1] =	sst s4  }
0xd: {  	[smem:$0x3FB2] =	sst s5  }
0xe: {  	[smem:$0x3FB3] =	sst s6  }
0xf: {  	[smem:$0x3FB4] =	sst s7  }
0x10: {  	[smem:$0x3FB5] =	sst s8  }
0x11: {  	[smem:$0x3FB6] =	sst s9;
	s0 =	simm.s32 @!p0 $0x0  }
0x12: {  	s1 =	sld [smem:$0x3F9C];
	s0 =	simm.s32 @p0 $0x1  }
0x13: {  	[smem:$0x3FB7] =	sst s0;
	s0 =	simm.s32 @!p1 $0x0  }
0x14: {  	s2 =	sld [smem:$0x3F9B];
	s0 =	simm.s32 @p1 $0x1  }
0x15: {  	[smem:$0x3FB8] =	sst s0;
	s0 =	simm.s32 @!p2 $0x0  }
0x16: {  	s3 =	sld [smem:$0x3FDB];
	s0 =	simm.s32 @p2 $0x1  }
0x17: {  	s4 =	simm.s32 $0x1BF5;
	[smem:$0x3FBA] =	sst s0  }
0x18: {  	s0 =	sld [smem:$0x3F9D];
	_ =	swait.ge [sflag:s4], $0x0  }
0x19: {  	s7 =	sld [smem:$0x3F9E]  }
0x1a: {  	s8 =	sadd.s32 $0xFFFFE003, lr  }
0x1b: {  	s9 =	sadd.s32 $0xFFFFFEF7, lr;
	s5 =	simm.s32 $0xFFFFFFFF;
	p2 =	slt.u32 s8, $0xFFFFF086  }
0x1c: {  	p1 =	slt.u32 s9, $0xF7A;
	s5 =	simm.s32 @!p2 $0x0  }
0x1d: {  	s5 =	simm.s32 @p1 $0x1;
	p0 =	seq.s32 s7, s2  }
0x1e: {  	s7 =	smul.u32 @!p0 $0xF7A, s2;
	p2 =	seq.s32 @!p0 s5, $0x0  }
0x1f: {  	s9 =	smul.u32 $0xF7A, s1;
	s8 =	simm.s32 @!p0 $0x1BF5;
	p2 =	por !p2, p0  }
0x20: {  	[sflag:s8] =	ssyncset.s32 @!p0 $0xFFFFF086;
	s6 =	sadd.s32 @!p0 s3, s7;
	s7 =	simm.s32 @!p0 $0x108  }
0x21: {  	s3 =	sadd.s32 s3, s9;
	s6 =	sadd.s32 @!p0 $0x88, s6;
	s7 =	simm.s32 @p2 $0x1082  }
0x22: {  	[simem:s7], [sflag:s8] =	dma.local @!p0 [hbm:s6], $0xF7A  }
0x23: {  	s9 =	sor.u32 $0xD0000000, s2;
	s6 =	simm.s32 $0x108;
	_ =	swait.ge @!p0 [sflag:s8], $0x0  }
0x24: {  	s3 =	sadd.s32 $0x88, s3;
	s6 =	simm.s32 @!p1 $0x1082;
	[sflag:s4] =	ssyncset.s32 $0xFFFFF086  }
0x25: {  	[simem:s6], [sflag:s4] =	dma.local [hbm:s3], $0xF7A  }
0x26: {  	[smem:$0x3F9E] =	sst s1;
	(tag) =	ssettag s2;
	_ =	strace s9  }
0x27: {  	s1 =	sld [smem:$0x3FAE]  }
0x28: {  	s2 =	sld [smem:$0x3FAF]  }
0x29: {  	s4 =	sld [smem:$0x3FB1]  }
0x2a: {  	p0 =	seq.s32 s5, $0x0;
	s5 =	sld [smem:$0x3FB2]  }
0x2b: {  	s6 =	sld [smem:$0x3FB3]  }
0x2c: {  	s7 =	sld [smem:$0x3FB4]  }
0x2d: {  	s3 =	simm.s32 $0x108;
	s8 =	sld [smem:$0x3FB5]  }
0x2e: {  	s3 =	simm.s32 @!p0 $0x1082;
	s9 =	sld [smem:$0x3FB6]  }
0x2f: {  	lr =	sadd.s32 s0, s3;
	s0 =	sld [smem:$0x3FAD]  }
0x30: {  	s3 =	sld [smem:$0x3FB0]  }
0x31: {  	[smem:$0x3FB9] =	sst s10  }
0x32: {  	s10 =	sld [smem:$0x3FB7];
	_ =	sdelay $0x3  }
0x33: {  	p0 =	seq.s32 s10, $0x1;
	s10 =	sld [smem:$0x3FB9];
	_ =	sdelay $0x3  }
0x34: {  	[smem:$0x3FB9] =	sst s10  }
0x35: {  	s10 =	sld [smem:$0x3FB8];
	_ =	sdelay $0x3  }
0x36: {  	p1 =	seq.s32 s10, $0x1;
	s10 =	sld [smem:$0x3FB9];
	_ =	sdelay $0x3  }
0x37: {  	[smem:$0x3FB9] =	sst s10  }
0x38: {  	s10 =	sld [smem:$0x3FBA]  }
0x39: {  	_ = 	snop;
	(pc) =	sbr.ind lr, $3  }
0x3a: {  	_ = 	snop  }
0x3b: {  	_ = 	snop  }
0x3c: {  	p2 =	seq.s32 s10, $0x1;
	s10 =	sld [smem:$0x3FB9]  }
0x3d: {  	_ =	shalt  }
0x3e: {  	_ =	shalt  }
0x3f: {  	_ =	shalt  }
0x40: {  	_ =	shalt  }
0x41: {  	_ =	shalt  }
0x42: {  	_ =	shalt  }
0x43: {  	_ =	shalt  }
0x44: {  	_ =	shalt  }
0x45: {  	_ =	shalt  }
0x46: {  	_ =	shalt  }
0x47: {  	_ =	shalt  }
0x48: {  	_ =	shalt  }
0x49: {  	_ =	shalt  }
0x4a: {  	_ =	shalt  }
0x4b: {  	_ =	shalt  }
0x4c: {  	_ =	shalt  }
0x4d: {  	_ =	shalt  }
0x4e: {  	_ =	shalt  }
0x4f: {  	_ =	shalt  }
0x50: {  	_ =	shalt  }
0x51: {  	_ =	shalt  }
0x52: {  	_ =	shalt  }
0x53: {  	_ =	shalt  }
0x54: {  	_ =	shalt  }
0x55: {  	_ =	shalt  }
0x56: {  	_ =	shalt  }
0x57: {  	_ =	shalt  }
0x58: {  	_ =	shalt  }
0x59: {  	_ =	shalt  }
0x5a: {  	_ =	shalt  }
0x5b: {  	_ =	shalt  }
0x5c: {  	_ =	shalt  }
0x5d: {  	_ =	shalt  }
0x5e: {  	_ =	shalt  }
0x5f: {  	_ =	shalt  }
0x60: {  	_ =	shalt  }
0x61: {  	_ =	shalt  }
0x62: {  	_ =	shalt  }
0x63: {  	_ =	shalt  }
0x64: {  	_ =	shalt  }
0x65: {  	_ =	shalt  }
0x66: {  	_ =	shalt  }
0x67: {  	_ =	shalt  }
0x68: {  	_ =	shalt  }
0x69: {  	_ =	shalt  }
0x6a: {  	_ =	shalt  }
0x6b: {  	_ =	shalt  }
0x6c: {  	_ =	shalt  }
0x6d: {  	_ =	shalt  }
0x6e: {  	_ =	shalt  }
0x6f: {  	_ =	shalt  }
0x70: {  	_ =	shalt  }
0x71: {  	_ =	shalt  }
0x72: {  	_ =	shalt  }
0x73: {  	_ =	shalt  }
0x74: {  	_ =	shalt  }
0x75: {  	_ =	shalt  }
0x76: {  	_ =	shalt  }
0x77: {  	_ =	shalt  }
0x78: {  	_ =	shalt  }
0x79: {  	_ =	shalt  }
0x7a: {  	_ =	shalt  }
0x7b: {  	_ =	shalt  }
0x7c: {  	_ =	shalt  }
0x7d: {  	_ =	shalt  }
0x7e: {  	_ =	shalt  }
0x7f: {  	_ =	shalt  }
0x80: {  	_ =	shalt  }
0x81: {  	_ =	shalt  }
0x82: {  	_ =	shalt  }
0x83: {  	_ =	shalt  }
0x84: {  	_ =	shalt  }
0x85: {  	_ =	shalt  }
0x86: {  	_ =	shalt  }
0x87: {  	_ =	shalt  }
.Lfunc_end0:
.L_simem_size_0:
called_computation.1_lowered:
.L_overlay_start_0:
0x88: {  	s2 =	sld [smem:$0x3FD9]  }
0x89: {  	s3 =	sld [smem:$0x3FFE];
	_ =	sdelay $0x1  }
0x8a: {  	s1 =	srdreg.scid  }
0x8b: {  	s0 =	sand.u32 $0x1, s1  }
0x8c: {  	s17 =	sshll.u32 s0, $0xA;
	s2 =	sadd.s32 s3, s2  }
0x8d: {  	s2 =	sadd.s32 s2, s17  }
0x8e: {  	[smem:$0x3FC5] =	sst s2  }
0x8f: {  	_ = 	snop  }
0x90: {  	s2 =	sld [smem:$0x3FC8]  }
0x91: {  	s18 =	sld [smem:$0x3FD0];
	(tm) =	ssettm $0x1  }
0x92: {  	s4 =	sld [smem:$0x3FFB];
	_ =	sdelay $0x3  }
0x93: {  	_ =	strace s4  }
0x94: {  	s4 =	sld [smem:$0x3FFC];
	_ =	sdelay $0x3  }
0x95: {  	_ =	strace s4  }
0x96: {  	s4 =	sld [smem:$0x3FFD];
	_ =	sdelay $0x3  }
0x97: {  	_ =	strace s4  }
0x98: {  	_ =	strace $0x8FFFFFFF  }
0x99: {  	s19 =	sld [smem:$0x3FDB];
	_ =	sdelay $0x1  }
0x9a: {  	s5 =	simm.s32 $_scs_section_size  }
0x9b: {  	s6 =	simm.s32 $_size__tile_overlayer_lowered;
	s7 =	simm.s32 $_tile_overlayer_lowered  }
0x9c: {  	s22 =	simm.s32 $0x1BFF;
	s21 =	sshll.u32 s7, $0x1;
	s4 =	sadd.s32 s5, s19  }
0x9d: {  	s8 =	simm.s32 $0x0;
	s20 =	sshll.u32 s6, $0x1;
	s6 =	sadd.s32 s21, s4  }
0x9e: {  	[timem:s8], [sflag:s22] =	dma.local [hbm:s6], s20  }
0x9f: {  	_ =	swait.ge [sflag:s22], s20  }
0xa0: {  	s5 =	ssub.s32 $0x0, s20;
	[sflag:s22] =	ssyncset.done $0x0  }
0xa1: {  	[sflag:s22] =	ssyncadd.s32 s5;
	_ =	sdelay $0x1  }
0xa2: {  	s23 =	simm.s32 $0x1B8B  }
0xa3: {  	_ =	swait.ge [sflag:s23], $0x1  }
0xa4: {  	[sflag:s23] =	ssyncset.done $0x0  }
0xa5: {  	s25 =	simm.s32 $0x1B8E;
	s24 =	sld [smem:$0x3FFE];
	[sflag:s23] =	ssyncadd.s32 $0xFFFFFFFF  }
0xa6: {  	s26 =	simm.s32 $execute0_lowered;
	[smem:$0x3FD2] =	sst s25  }
0xa7: {  	s6 =	sshll.u32 s26, $0x1;
	_ =	strace $0x8000004F;
	[dreg:$0x1] =	wrdreg $0xFFFFFFFF  }
0xa8: {  	s28 =	simm.s32 $_size_execute0_lowered;
	s4 =	sadd.s32 s4, s6;
	[dreg:$0x0] =	wrdreg $0x0  }
0xa9: {  	s6 =	sshll.u32 s28, $0x1;
	[dreg:$0x2] =	wrdreg s4  }
0xaa: {  	[dreg:$0x3] =	wrdreg s6  }
0xab: {  	[dreg:$0x4] =	wrdreg $0xC0  }
0xac: {  	_ =	task [dreg:s8], $0x5FFFF  }
0xad: {  	[dreg:$0x1] =	wrdreg $0xFFFFFFFF  }
0xae: {  	[dreg:$0x0] =	wrdreg $0x60  }
0xaf: {  	[dreg:$0x2] =	wrdreg s2  }
0xb0: {  	[dreg:$0x3] =	wrdreg s18  }
0xb1: {  	[dreg:$0x4] =	wrdreg s24  }
0xb2: {  	[dreg:$0x5] =	wrdreg $0x9  }
0xb3: {  	_ =	task.clear_ibuf [dreg:s8], $0x6FFFF;
	_ =	strace $0x9000004F  }
0xb4: {  	s29 =	simm.s32 $0x9;
	_ =	strace $0x80000051  }
0xb5: {  	_ =	swait.ge [sflag:s29], $0x1  }
0xb6: {  	[sflag:s29] =	ssyncadd.s32 $0xFFFFFFFF  }
0xb7: {  	_ =	strace $0x90000051  }
0xb8: {  	_ =	sfence  }
0xb9: {  	s30 =	sld [smem:$0x0];
	_ =	sdelay $0x2  }
0xba: {  	s31 =	sshll.u32 s1, $0xD;
	s1 =	sshrl.u32 s1, $0x2  }
0xbb: {  	s3 =	sand.u32 $0x4000, s31;
	s1 =	sadd.s32 s1, s30  }
0xbc: {  	s0 =	sor.u32 s3, s0;
	s1 =	sshll.u32 s1, $0x11  }
0xbd: {  	s0 =	sor.u32 s1, s0  }
0xbe: {  	s0 =	sadd.s32 $0x8F2B, s0  }
0xbf: {  	[sflag:s0] =	ssyncadd.remote.s32 $0x1  }
0xc0: {  	_ =	sfence.sel $0xFFFF  }
0xc1: {  	[dreg:$0x0] =	wrdreg $0xFFFFFFFF;
	(pc) =	sbr.abs _section_cstart, $3  }
0xc2: {  	[dreg:$0x1] =	wrdreg $0xFFFFFFFF  }
0xc3: {  	_ =	task.clear_ibuf [dreg:s8], $0x2FFFF;
	_ =	strace $0x9FFFFFFF  }
0xc4: {  	(tm) =	ssettm $0x7FFFFFFF  }
0xc5: {  	_ =	shalt  }
tec
execute0_lowered:
.L_overlay_start_1:
0x0: {  	(tag) =	ssettag $0x1  }
0x1: {  	s2 =	rddreg [dreg:$0x0]  }
0x2: {  	s3 =	rddreg [dreg:$0x1]  }
0x3: {  	s8 =	rddreg [dreg:$0x2];
	s1 =	stileid.u32  }
0x4: {  	s4 =	srdreg.scid;
	s0 =	rddreg [dreg:$0x3];
	_ =	strace $0x80000050  }
0x5: {  	s7 =	simm.s32 $0x1;
	s9 =	simm.s32 $0x1;
	s10 =	simm.s32 $0x3  }
0x6: {  	s13 =	simm.s32 $0x0;
	s5 =	sand.u32 $0x1, s4;
	s6 =	sshll.u32 s1, $0x1  }
0x7: {  	s12 =	simm.s32 $0x0;
	s4 =	simm.s32 $0x1;
	s5 =	sor.u32 s6, s5  }
.Ltmp0:
0x8: {  	[sflag:s4] =	ssyncpa.u1 $0x0;
	p0 =	slt.u32 s5, $0x13;
	(pc) =	sbr.rel .LBB2_1-.Ltmp0, $4  }
0x9: {  	s6 =	simm.s32 $0x2;
	s7 =	simm.s32 @!p0 $0x0;
	p0 =	sne.s32 s5, $0x12  }
0xa: {  	[sflag:s6] =	ssyncpa.u1 $0x0;
	s5 =	smul.u32 $0x190, s5;
	s9 =	simm.s32 @!p0 $0x0  }
0xb: {  	s8 =	sadd.s32 $0x2600, s8;
	[sflag:s10] =	ssyncpa.u1 $0x0;
	s7 =	sadd.s32 s9, s7  }
0xc: {  	vm0 =	vmmov $0xffff;
	s10 =	simm.s32 $0x0;
	s11 =	smov.u32 s5;
	s9 =	sadd.s32 $0x1, s7  }
.LBB2_4:
0xd: {  	v2 =	vnsel vm1, $0x0, v2  }
0xe: {  	vm1 =	vgt.s32 v0, $0x0;
	v2 =	vmin.u32 v2, $0x4E1F  }
0xf: {  	v0 =	vnsel vm1, $0x0, v0  }
0x10: {  	v0 =	vmin.u32 v0, $0x4E1F  }
0x11: {  	[tilespmem:s18], [sflag:$0x1] =	stream.indirect_vreg.gather [hbm4b:s2+s10], $0x1, v1, vm0, $0x4038;
	[tilespmem:$0x640] =	vst v63  }
0x12: {  	(ifvalue) =	ssetifvalue $0x7FFFFFFF  }
0x13: {  	[tilespmem:s15], [sflag:$0x1] =	stream.indirect_vreg.gather [hbm4b:s2+s10], $0x1, v2, vm0, $0x4038;
	[tilespmem:$0x640] =	vst v63  }
0x14: {  	s29 =	sadd.s32 $0x10, s15;
	(ifvalue) =	ssetifvalue $0x7FFFFFFF  }
0x15: {  	[tilespmem:s29], [sflag:$0x1] =	stream.indirect_vreg.gather [hbm4b:s2+s10], $0x1, v0, vm0, $0x4038;
	[tilespmem:$0x640] =	vst v63  }
0x16: {  	_ =	swait.ge [sflag:s4], $0x190  }
0x17: {  	s30 =	sshrl.u32 s13, $0x3;
	[sflag:s4] =	ssyncset.done $0x0  }
0x18: {  	s31 =	sand.u32 $0x7, s13;
	s15 =	sadd.s32 s8, s30;
	[sflag:s4] =	ssyncadd.s32 $0xFFFFFE70  }
0x19: {  	[hbm4b:s15+s31] =	stream.linear.scatter [tilespmem:s14], [sflag:$0x3], $0x190, $0x38;
	[tilespmem:$0x640] =	vst v63  }
.LBB2_5:
0x1a: {  	s15 =	sadd.s32 $0x3200, s11  }
0x1b: {  	p1 =	sgt.s32 s15, $0x4E1F  }
0x1c: {  	s15 =	smov.u32 @p1 s5;
	p1 =	sne.s32 s12, s9  }
.Ltmp1:
0x1d: {  	p0 =	slt.u32 s12, $0x2;
	(pc) =	sbr.rel @!p1 .LBB2_6-.Ltmp1, $4  }
0x1e: {  	s14 =	simm.s32 @!p0 $0x3  }
0x1f: {  	_ =	swait.ge @!p0 [sflag:s14], $0x190  }
0x20: {  	s16 =	sadd.s32 $0x1, s12;
	s13 =	smov.u32 s11;
	[sflag:s14] =	ssyncset.done @!p0 $0x0  }
0x21: {  	s12 =	smov.u32 s16;
	s11 =	smov.u32 s15;
	[sflag:s14] =	ssyncadd.s32 @!p0 $0xFFFFFE70  }
.LBB2_1:
0x22: {  	p0 =	sge.u32 s12, s7  }
0x23: {  	s14 =	sxor.u32 @!p0 $0x1, s12  }
0x24: {  	s14 =	smul.u32 @!p0 $0x640, s14  }
0x25: {  	s31 =	sadd.s32 $0xFFFFFFFF, s12;
	s15 =	sshrl.u32 @!p0 s11, $0x3  }
0x26: {  	s16 =	sand.u32 @!p0 $0x7, s11;
	s15 =	sadd.s32 @!p0 s3, s15;
	s14 =	sshra.s32 @!p0 s14, $0x2  }
0x27: {  	[tilespmem:s14], [sflag:$0x2] =	stream.linear.gather @!p0 [hbm4b:s15+s16], $0x190, $0x38;
	[tilespmem:$0x640] =	vst v63  }
0x28: {  	p0 =	sge.u32 s31, s7  }
.Ltmp2:
0x29: {  	_ = 	snop;
	(pc) =	sbr.rel @p0 .LBB2_5-.Ltmp2, $1  }
0x2a: {  	_ =	sdelay $0x3  }
0x2b: {  	s14 =	sand.u32 $0x1, s12  }
0x2c: {  	_ =	swait.ge [sflag:s6], $0x190;
	p0 =	seq.s32 s14, $0x1;
	s14 =	simm.s32 $0x190  }
0x2d: {  	[sflag:s6] =	ssyncset.done $0x0;
	s14 =	simm.s32 @!p0 $0x0  }
0x2e: {  	[sflag:s6] =	ssyncadd.s32 $0xFFFFFE70;
	(ifvalue) =	ssetifvalue $0x7FFFFFFF;
	v0 =	vld.msk [tilespmem:s14+$0x0 ss:$0x1], $0xffff;
	_ =	sdelay $0x4  }
0x2f: {  	s15 =	sadd.s32 $0x10, s14;
	vm1 =	vgt.s32 v0, $0x0  }
0x30: {  	v2 =	vld.msk [tilespmem:s15+$0x0 ss:$0x1], $0xffff;
	v1 =	vnsel vm1, $0x0, v0  }
0x31: {  	v1 =	vmin.u32 v1, $0x4E1F;
	_ =	sdelay $0x2  }
0x32: {  	s17 =	simm.s32 $0x20;
	s14 =	sadd.s32 $0x320, s14;
	s16 =	sadd.s32 $0x10, s15  }
0x33: {  	s15 =	sadd.s32 $0x10, s14;
	s18 =	smov.u32 s14;
	v0 =	vld.msk [tilespmem:s16+$0x0 ss:$0x1], $0xffff;
	vm1 =	vgt.s32 v2, $0x0;
	(ifvalue) =	ssetifvalue $0x7FFFFFFF  }
.LBB2_3:
0x34: {  	[tilespmem:s18], [sflag:$0x1] =	stream.indirect_vreg.gather [hbm4b:s2+s10], $0x1, v1, vm0, $0x4038;
	[tilespmem:$0x640] =	vst v63  }
0x35: {  	s17 =	sadd.s32 $0x10, s17  }
0x36: {  	v2 =	vnsel vm1, $0x0, v2;
	p0 =	slt.u32 s17, $0x180  }
.Ltmp3:
0x37: {  	s18 =	smov.u32 s15;
	v1 =	vmin.u32 v2, $0x4E1F;
	(pc) =	sbr.rel @p0 .LBB2_3-.Ltmp3, $3  }
0x38: {  	_ =	sdelay $0x1  }
0x39: {  	s16 =	sadd.s32 $0x10, s16  }
0x3a: {  	vm1 =	vgt.s32 v0, $0x0;
	s15 =	sadd.s32 $0x10, s15;
	v2 =	vmov v0;
	(ifvalue) =	ssetifvalue $0x7FFFFFFF;
	v0 =	vld.msk [tilespmem:s16+$0x0 ss:$0x1], $0xffff  }
.Ltmp4:
0x3b: {  	_ = 	snop;
	(pc) =	sbr.rel .LBB2_4-.Ltmp4, $1  }
0x3c: {  	_ =	sdelay $0x3  }
.LBB2_6:
0x3d: {  	_ =	sfence.sel $0x180000  }
0x3e: {  	s2 =	simm.s32 $0x2;
	[bflag:$0x0] =	sbarrier.arrive $0xFFFF  }
0x3f: {  	s30 =	simm.s32 $0x3;
	[sflag:s2] =	ssyncpa.u1 $0x1  }
0x40: {  	s31 =	simm.s32 $0x1;
	[sflag:s30] =	ssyncpa.u1 $0x1  }
0x41: {  	[sflag:s31] =	ssyncpa.u1 $0x1  }
0x42: {  	p0 =	sne.s32 s1, $0x0;
	_ =	strace $0x90000050  }
0x43: {  	s0 =	sadd.s32 @!p0 $0x100000, s0;
	[bflag:$0x2] =	sbarrier.arrive $0xFFFF  }
0x44: {  	[sflag:s0] =	ssyncadd.tile.s32 @!p0 $0x1;
	_ =	shalt  }
.Lfunc_end2:
_tile_overlayer_lowered:
.L_overlay_start_2:
0x45: {  	(tag) =	ssettag $0x2  }
0x46: {  	s0 =	rddreg [dreg:$0x0];
	s2 =	stileid.u32  }
0x47: {  	s1 =	rddreg [dreg:$0x1];
	p0 =	sne.s32 s2, $0x0  }
0x48: {  	s3 =	rddreg [dreg:$0x2];
	[bflag:$0x3] =	sbarrier.arrive $0xFFFF;
	s2 =	simm.s32 @!p0 $0x1C01  }
0x49: {  	[timem:s3], [sflag:s2] =	dma.local @!p0 [hbm:s0], s1  }
0x4a: {  	s0 =	simm.s32 @!p0 $0x1  }
0x4b: {  	_ =	swait.ge @!p0 [sflag:s0], s1  }
0x4c: {  	s1 =	ssub.s32 @!p0 $0x0, s1;
	[sflag:s0] =	ssyncset.done @!p0 $0x0  }
0x4d: {  	[sflag:s0] =	ssyncadd.s32 @!p0 s1  }
0x4e: {  	[bflag:$0x3] =	sbarrier.arrive $0xFFFF  }
0x4f: {  	_ =	shalt  }

// kernel: gather_offload_async_start.2
scs
__scs_entry_jumppad:
0x0: {  	(pc) =	sbr.rel $0x88, $3  }
0x1: {  	(tag) =	ssettag $0x0;
	lr =	simm.s32 $0x1  }
0x2: {  	[smem:$0x3F9E] =	sst lr;
	_ =	strace $0xD0000000  }
0x3: {  	_ = 	snop  }
0x4: {  	_ = 	snop  }
0x5: {  	_ = 	snop  }
0x6: {  	_ = 	snop  }
0x7: {  	_ = 	snop  }
__scs_overlays_trampoline_lowered:
0x8: {  	[smem:$0x3FAD] =	sst s0  }
0x9: {  	[smem:$0x3FAE] =	sst s1  }
0xa: {  	[smem:$0x3FAF] =	sst s2  }
0xb: {  	[smem:$0x3FB0] =	sst s3  }
0xc: {  	[smem:$0x3FB1] =	sst s4  }
0xd: {  	[smem:$0x3FB2] =	sst s5  }
0xe: {  	[smem:$0x3FB3] =	sst s6  }
0xf: {  	[smem:$0x3FB4] =	sst s7  }
0x10: {  	[smem:$0x3FB5] =	sst s8  }
0x11: {  	[smem:$0x3FB6] =	sst s9;
	s0 =	simm.s32 @!p0 $0x0  }
0x12: {  	s1 =	sld [smem:$0x3F9C];
	s0 =	simm.s32 @p0 $0x1  }
0x13: {  	[smem:$0x3FB7] =	sst s0;
	s0 =	simm.s32 @!p1 $0x0  }
0x14: {  	s2 =	sld [smem:$0x3F9B];
	s0 =	simm.s32 @p1 $0x1  }
0x15: {  	[smem:$0x3FB8] =	sst s0;
	s0 =	simm.s32 @!p2 $0x0  }
0x16: {  	s3 =	sld [smem:$0x3FDB];
	s0 =	simm.s32 @p2 $0x1  }
0x17: {  	s4 =	simm.s32 $0x1BF5;
	[smem:$0x3FBA] =	sst s0  }
0x18: {  	s0 =	sld [smem:$0x3F9D];
	_ =	swait.ge [sflag:s4], $0x0  }
0x19: {  	s7 =	sld [smem:$0x3F9E]  }
0x1a: {  	s8 =	sadd.s32 $0xFFFFE003, lr  }
0x1b: {  	s9 =	sadd.s32 $0xFFFFFEF7, lr;
	s5 =	simm.s32 $0xFFFFFFFF;
	p2 =	slt.u32 s8, $0xFFFFF086  }
0x1c: {  	p1 =	slt.u32 s9, $0xF7A;
	s5 =	simm.s32 @!p2 $0x0  }
0x1d: {  	s5 =	simm.s32 @p1 $0x1;
	p0 =	seq.s32 s7, s2  }
0x1e: {  	s7 =	smul.u32 @!p0 $0xF7A, s2;
	p2 =	seq.s32 @!p0 s5, $0x0  }
0x1f: {  	s9 =	smul.u32 $0xF7A, s1;
	s8 =	simm.s32 @!p0 $0x1BF5;
	p2 =	por !p2, p0  }
0x20: {  	[sflag:s8] =	ssyncset.s32 @!p0 $0xFFFFF086;
	s6 =	sadd.s32 @!p0 s3, s7;
	s7 =	simm.s32 @!p0 $0x108  }
0x21: {  	s3 =	sadd.s32 s3, s9;
	s6 =	sadd.s32 @!p0 $0x88, s6;
	s7 =	simm.s32 @p2 $0x1082  }
0x22: {  	[simem:s7], [sflag:s8] =	dma.local @!p0 [hbm:s6], $0xF7A  }
0x23: {  	s9 =	sor.u32 $0xD0000000, s2;
	s6 =	simm.s32 $0x108;
	_ =	swait.ge @!p0 [sflag:s8], $0x0  }
0x24: {  	s3 =	sadd.s32 $0x88, s3;
	s6 =	simm.s32 @!p1 $0x1082;
	[sflag:s4] =	ssyncset.s32 $0xFFFFF086  }
0x25: {  	[simem:s6], [sflag:s4] =	dma.local [hbm:s3], $0xF7A  }
0x26: {  	[smem:$0x3F9E] =	sst s1;
	(tag) =	ssettag s2;
	_ =	strace s9  }
0x27: {  	s1 =	sld [smem:$0x3FAE]  }
0x28: {  	s2 =	sld [smem:$0x3FAF]  }
0x29: {  	s4 =	sld [smem:$0x3FB1]  }
0x2a: {  	p0 =	seq.s32 s5, $0x0;
	s5 =	sld [smem:$0x3FB2]  }
0x2b: {  	s6 =	sld [smem:$0x3FB3]  }
0x2c: {  	s7 =	sld [smem:$0x3FB4]  }
0x2d: {  	s3 =	simm.s32 $0x108;
	s8 =	sld [smem:$0x3FB5]  }
0x2e: {  	s3 =	simm.s32 @!p0 $0x1082;
	s9 =	sld [smem:$0x3FB6]  }
0x2f: {  	lr =	sadd.s32 s0, s3;
	s0 =	sld [smem:$0x3FAD]  }
0x30: {  	s3 =	sld [smem:$0x3FB0]  }
0x31: {  	[smem:$0x3FB9] =	sst s10  }
0x32: {  	s10 =	sld [smem:$0x3FB7];
	_ =	sdelay $0x3  }
0x33: {  	p0 =	seq.s32 s10, $0x1;
	s10 =	sld [smem:$0x3FB9];
	_ =	sdelay $0x3  }
0x34: {  	[smem:$0x3FB9] =	sst s10  }
0x35: {  	s10 =	sld [smem:$0x3FB8];
	_ =	sdelay $0x3  }
0x36: {  	p1 =	seq.s32 s10, $0x1;
	s10 =	sld [smem:$0x3FB9];
	_ =	sdelay $0x3  }
0x37: {  	[smem:$0x3FB9] =	sst s10  }
0x38: {  	s10 =	sld [smem:$0x3FBA]  }
0x39: {  	_ = 	snop;
	(pc) =	sbr.ind lr, $3  }
0x3a: {  	_ = 	snop  }
0x3b: {  	_ = 	snop  }
0x3c: {  	p2 =	seq.s32 s10, $0x1;
	s10 =	sld [smem:$0x3FB9]  }
0x3d: {  	_ =	shalt  }
0x3e: {  	_ =	shalt  }
0x3f: {  	_ =	shalt  }
0x40: {  	_ =	shalt  }
0x41: {  	_ =	shalt  }
0x42: {  	_ =	shalt  }
0x43: {  	_ =	shalt  }
0x44: {  	_ =	shalt  }
0x45: {  	_ =	shalt  }
0x46: {  	_ =	shalt  }
0x47: {  	_ =	shalt  }
0x48: {  	_ =	shalt  }
0x49: {  	_ =	shalt  }
0x4a: {  	_ =	shalt  }
0x4b: {  	_ =	shalt  }
0x4c: {  	_ =	shalt  }
0x4d: {  	_ =	shalt  }
0x4e: {  	_ =	shalt  }
0x4f: {  	_ =	shalt  }
0x50: {  	_ =	shalt  }
0x51: {  	_ =	shalt  }
0x52: {  	_ =	shalt  }
0x53: {  	_ =	shalt  }
0x54: {  	_ =	shalt  }
0x55: {  	_ =	shalt  }
0x56: {  	_ =	shalt  }
0x57: {  	_ =	shalt  }
0x58: {  	_ =	shalt  }
0x59: {  	_ =	shalt  }
0x5a: {  	_ =	shalt  }
0x5b: {  	_ =	shalt  }
0x5c: {  	_ =	shalt  }
0x5d: {  	_ =	shalt  }
0x5e: {  	_ =	shalt  }
0x5f: {  	_ =	shalt  }
0x60: {  	_ =	shalt  }
0x61: {  	_ =	shalt  }
0x62: {  	_ =	shalt  }
0x63: {  	_ =	shalt  }
0x64: {  	_ =	shalt  }
0x65: {  	_ =	shalt  }
0x66: {  	_ =	shalt  }
0x67: {  	_ =	shalt  }
0x68: {  	_ =	shalt  }
0x69: {  	_ =	shalt  }
0x6a: {  	_ =	shalt  }
0x6b: {  	_ =	shalt  }
0x6c: {  	_ =	shalt  }
0x6d: {  	_ =	shalt  }
0x6e: {  	_ =	shalt  }
0x6f: {  	_ =	shalt  }
0x70: {  	_ =	shalt  }
0x71: {  	_ =	shalt  }
0x72: {  	_ =	shalt  }
0x73: {  	_ =	shalt  }
0x74: {  	_ =	shalt  }
0x75: {  	_ =	shalt  }
0x76: {  	_ =	shalt  }
0x77: {  	_ =	shalt  }
0x78: {  	_ =	shalt  }
0x79: {  	_ =	shalt  }
0x7a: {  	_ =	shalt  }
0x7b: {  	_ =	shalt  }
0x7c: {  	_ =	shalt  }
0x7d: {  	_ =	shalt  }
0x7e: {  	_ =	shalt  }
0x7f: {  	_ =	shalt  }
0x80: {  	_ =	shalt  }
0x81: {  	_ =	shalt  }
0x82: {  	_ =	shalt  }
0x83: {  	_ =	shalt  }
0x84: {  	_ =	shalt  }
0x85: {  	_ =	shalt  }
0x86: {  	_ =	shalt  }
0x87: {  	_ =	shalt  }
.Lfunc_end0:
.L_simem_size_0:
called_computation.2_lowered:
.L_overlay_start_0:
0x88: {  	s0 =	sld [smem:$0x3FD9]  }
0x89: {  	s1 =	sld [smem:$0x3FFE];
	_ =	sdelay $0x3  }
0x8a: {  	s0 =	sadd.s32 s1, s0  }
0x8b: {  	[smem:$0x3FC5] =	sst s0  }
0x8c: {  	_ = 	snop  }
0x8d: {  	s0 =	sld [smem:$0x3FD0];
	(tm) =	ssettm $0x1  }
0x8e: {  	s16 =	sld [smem:$0x3FFB];
	_ =	sdelay $0x3  }
0x8f: {  	_ =	strace s16  }
0x90: {  	s1 =	sld [smem:$0x3FFC];
	_ =	sdelay $0x3  }
0x91: {  	_ =	strace s1  }
0x92: {  	s1 =	sld [smem:$0x3FFD];
	_ =	sdelay $0x3  }
0x93: {  	_ =	strace s1  }
0x94: {  	_ =	strace $0x8FFFFFFF  }
0x95: {  	s17 =	sld [smem:$0x3FDB];
	_ =	sdelay $0x1  }
0x96: {  	s2 =	simm.s32 $_scs_section_size  }
0x97: {  	s3 =	simm.s32 $_size__tile_overlayer_lowered;
	s4 =	simm.s32 $_tile_overlayer_lowered  }
0x98: {  	s20 =	simm.s32 $0x1BFF;
	s19 =	sshll.u32 s4, $0x1;
	s1 =	sadd.s32 s2, s17  }
0x99: {  	s5 =	simm.s32 $0x0;
	s18 =	sshll.u32 s3, $0x1;
	s3 =	sadd.s32 s19, s1  }
0x9a: {  	[timem:s5], [sflag:s20] =	dma.local [hbm:s3], s18  }
0x9b: {  	_ =	swait.ge [sflag:s20], s18  }
0x9c: {  	s2 =	ssub.s32 $0x0, s18;
	[sflag:s20] =	ssyncset.done $0x0  }
0x9d: {  	[sflag:s20] =	ssyncadd.s32 s2;
	_ =	sdelay $0x1  }
0x9e: {  	s21 =	simm.s32 $0x1B8B  }
0x9f: {  	_ =	swait.ge [sflag:s21], $0x1  }
0xa0: {  	[sflag:s21] =	ssyncset.done $0x0  }
0xa1: {  	s23 =	simm.s32 $0x1B8E;
	s22 =	sld [smem:$0x3FFE];
	[sflag:s21] =	ssyncadd.s32 $0xFFFFFFFF  }
0xa2: {  	s24 =	simm.s32 $execute0_lowered;
	[smem:$0x3FD2] =	sst s23  }
0xa3: {  	s3 =	sshll.u32 s24, $0x1;
	_ =	strace $0x80000046;
	[dreg:$0x1] =	wrdreg $0xFFFFFFFF  }
0xa4: {  	s25 =	simm.s32 $_size_execute0_lowered;
	s1 =	sadd.s32 s1, s3;
	[dreg:$0x0] =	wrdreg $0x0  }
0xa5: {  	s3 =	sshll.u32 s25, $0x1;
	[dreg:$0x2] =	wrdreg s1  }
0xa6: {  	[dreg:$0x3] =	wrdreg s3  }
0xa7: {  	[dreg:$0x4] =	wrdreg $0xC0  }
0xa8: {  	_ =	task [dreg:s5], $0x5FFFF  }
0xa9: {  	[dreg:$0x1] =	wrdreg $0xFFFFFFFF  }
0xaa: {  	[dreg:$0x0] =	wrdreg $0x60  }
0xab: {  	[dreg:$0x2] =	wrdreg s22  }
0xac: {  	[dreg:$0x3] =	wrdreg s0  }
0xad: {  	[dreg:$0x4] =	wrdreg $0xA  }
0xae: {  	_ =	task.clear_ibuf [dreg:s5], $0x5FFFF;
	_ =	strace $0x90000046  }
0xaf: {  	s26 =	simm.s32 $0xA;
	_ =	strace $0x80000048  }
0xb0: {  	_ =	swait.ge [sflag:s26], $0x1  }
0xb1: {  	[sflag:s26] =	ssyncadd.s32 $0xFFFFFFFF  }
0xb2: {  	_ =	strace $0x90000048  }
0xb3: {  	_ =	sfence  }
0xb4: {  	s28 =	sld [smem:$0x0];
	_ =	sdelay $0x1  }
0xb5: {  	s29 =	srdreg.scid  }
0xb6: {  	s30 =	sshll.u32 s29, $0xD;
	s31 =	sshrl.u32 s29, $0x2  }
0xb7: {  	s2 =	sand.u32 $0x4000, s30;
	s1 =	sand.u32 $0x1, s29;
	s0 =	sadd.s32 s31, s28  }
0xb8: {  	s1 =	sor.u32 s2, s1;
	s0 =	sshll.u32 s0, $0x11  }
0xb9: {  	s0 =	sor.u32 s0, s1  }
0xba: {  	s0 =	sadd.s32 $0x8F2B, s0  }
0xbb: {  	[sflag:s0] =	ssyncadd.remote.s32 $0x1  }
0xbc: {  	_ =	sfence.sel $0xFFFF  }
0xbd: {  	[dreg:$0x0] =	wrdreg $0xFFFFFFFF;
	(pc) =	sbr.abs _section_cstart, $3  }
0xbe: {  	[dreg:$0x1] =	wrdreg $0xFFFFFFFF  }
0xbf: {  	_ =	task.clear_ibuf [dreg:s5], $0x2FFFF;
	_ =	strace $0x9FFFFFFF  }
0xc0: {  	(tm) =	ssettm $0x7FFFFFFF  }
0xc1: {  	_ =	shalt  }
tec
execute0_lowered:
.L_overlay_start_1:
0x0: {  	(tag) =	ssettag $0x1  }
0x1: {  	s0 =	stileid.u32;
	s2 =	rddreg [dreg:$0x0]  }
0x2: {  	s5 =	simm.s32 $0x600;
	s4 =	rddreg [dreg:$0x1];
	s7 =	simm.s32 $0x1  }
0x3: {  	s8 =	simm.s32 $0x3;
	s10 =	simm.s32 $0x4;
	s1 =	smin.u32 s0, $0x8  }
0x4: {  	s3 =	sshll.u32 s0, $0xA;
	p0 =	slt.u32 s0, $0x8;
	s1 =	sshll.u32 s1, $0x9  }
0x5: {  	s11 =	simm.s32 $0x0;
	s5 =	simm.s32 @!p0 $0x400;
	s3 =	sadd.s32 s3, s1  }
0x6: {  	s12 =	simm.s32 $0xFFFFF800;
	s13 =	simm.s32 $0xFFFFFE00;
	s5 =	sadd.s32 s5, s3  }
0x7: {  	s14 =	simm.s32 $0xFFFFFFFF;
	s18 =	simm.s32 $0x0;
	s5 =	smin.u32 s5, $0x4E20  }
0x8: {  	s15 =	simm.s32 $0x0;
	s1 =	rddreg [dreg:$0x2];
	s9 =	ssub.s32 s5, s3  }
.Ltmp0:
0x9: {  	_ =	strace $0x80000047;
	p0 =	sgt.s32 s9, $0x0;
	(pc) =	sbr.rel .LBB2_1-.Ltmp0, $4  }
0xa: {  	[sflag:s7] =	ssyncpa.u1 $0x0;
	s7 =	simm.s32 $0x2;
	s9 =	simm.s32 @!p0 $0x0  }
0xb: {  	s17 =	simm.s32 $0x0;
	[sflag:s7] =	ssyncpa.u1 $0x0;
	s9 =	sadd.s32 $0x1FF, s9  }
0xc: {  	s6 =	sadd.s32 $0x400, s2;
	[sflag:s8] =	ssyncpa.u1 $0x0;
	s9 =	sshrl.u32 s9, $0x9  }
0xd: {  	v0 =	vlaneseq.u32;
	vm0 =	vmmov $0xffff;
	s16 =	smov.u32 s3;
	[sflag:s10] =	ssyncpa.u1 $0x0;
	s10 =	sadd.s32 $0x2, s9  }
.LBB2_7:
0xe: {  	p0 =	slt.u32 s17, $0x3  }
0xf: {  	s18 =	simm.s32 @!p0 $0x4  }
0x10: {  	_ =	swait.ge @!p0 [sflag:s18], $0x80  }
0x11: {  	s19 =	sadd.s32 $0x200, s16;
	[sflag:s18] =	ssyncset.done @!p0 $0x0  }
0x12: {  	s20 =	smov.u32 s3;
	[sflag:s18] =	ssyncadd.s32 @!p0 $0xFFFFFF80;
	p0 =	slt.s32 s19, s5  }
0x13: {  	s20 =	smov.u32 @p0 s19;
	p0 =	sne.s32 s17, s10  }
.Ltmp1:
0x14: {  	_ = 	snop;
	(pc) =	sbr.rel @!p0 .LBB2_8-.Ltmp1, $4  }
0x15: {  	_ = 	snop  }
0x16: {  	s31 =	sadd.s32 $0x1, s17;
	s12 =	sadd.s32 $0x800, s12  }
0x17: {  	s13 =	sadd.s32 $0x200, s13;
	s14 =	sadd.s32 $0x1, s14;
	s18 =	smov.u32 s15  }
0x18: {  	s15 =	smov.u32 s16;
	s17 =	smov.u32 s31;
	s16 =	smov.u32 s20  }
.LBB2_1:
0x19: {  	p0 =	sge.u32 s17, s9  }
0x1a: {  	s19 =	smulhi.u32 @!p0 $0xAAAAAAAB, s17;
	_ =	sdelay $0x1  }
0x1b: {  	s19 =	sshrl.u32 @!p0 s19, $0x1  }
0x1c: {  	s19 =	smul.u32 @!p0 $0x3, s19;
	_ =	sdelay $0x1  }
0x1d: {  	s31 =	sadd.s32 $0xFFFFFFFF, s17;
	s20 =	sshrl.u32 @!p0 s16, $0x3;
	s19 =	ssub.s32 @!p0 s17, s19  }
0x1e: {  	s21 =	sand.u32 @!p0 $0x7, s16;
	s20 =	sadd.s32 @!p0 s4, s20;
	s19 =	sshll.u32 @!p0 s19, $0x9  }
0x1f: {  	[tilespmem:s19], [sflag:$0x2] =	stream.linear.gather @!p0 [hbm4b:s20+s21], $0x200, $0x38;
	[tilespmem:$0xB00] =	vst v63  }
0x20: {  	p0 =	sge.u32 s31, s9  }
.Ltmp2:
0x21: {  	_ = 	snop;
	(pc) =	sbr.rel @p0 .LBB2_5-.Ltmp2, $1  }
0x22: {  	_ =	sdelay $0x3  }
0x23: {  	s19 =	smulhi.u32 $0xAAAAAAAB, s14;
	_ =	sdelay $0x1  }
0x24: {  	s19 =	sshrl.u32 s19, $0x1  }
0x25: {  	s19 =	smul.u32 $0xFFFFE800, s19;
	_ =	sdelay $0x1  }
0x26: {  	_ =	swait.ge [sflag:s7], $0x200;
	s19 =	sshra.s32 s19, $0x2  }
0x27: {  	[sflag:s7] =	ssyncset.done $0x0;
	s20 =	sadd.s32 s19, s13  }
0x28: {  	[sflag:s7] =	ssyncadd.s32 $0xFFFFFE00;
	(ifvalue) =	ssetifvalue $0x7FFFFFFF;
	v1 =	vld.msk [tilespmem:s20+$0x0 ss:$0x1], $0xffff  }
0x29: {  	s21 =	sadd.s32 $0x10, s20  }
0x2a: {  	v2 =	vld.msk [tilespmem:s21+$0x0 ss:$0x1], $0xffff;
	_ =	sdelay $0x1  }
0x2b: {  	s19 =	ssub.s32 $0x4E20, s15  }
0x2c: {  	p0 =	slt.s32 s19, $0x200;
	vm1 =	vgt.s32 v1, $0x0  }
0x2d: {  	s19 =	simm.s32 @!p0 $0x200;
	v1 =	vnsel vm1, $0x0, v1  }
0x2e: {  	p0 =	sgt.s32 s19, $0x0;
	s22 =	smov.u32 s19;
	vm1 =	vgt.s32 v2, $0x0;
	v1 =	vmin.u32 v1, $0x4E1F  }
0x2f: {  	s22 =	simm.s32 @!p0 $0x0;
	v2 =	vnsel vm1, $0x0, v2;
	v4 =	vshll.u32 v1, $0x2  }
0x30: {  	s22 =	smin.u32 s22, $0x10;
	v3 =	vshrl.u32 v1, $0x7;
	v1 =	vand.u32 $0x7E00, v1;
	v4 =	vand.u32 $0x1FC, v4  }
0x31: {  	v5 =	vmin.u32 v2, $0x4E1F;
	v2 =	vmov s22;
	v1 =	vor.u32 v1, v4  }
0x32: {  	vm1 =	vgt.u32 v2, v0;
	v1 =	vshrl.u32 v1, $0x2  }
0x33: {  	s30 =	sshrl.u32 s12, $0x2;
	s23 =	sadd.s32 $0xFFFFFFF0, s19;
	v1 =	vnsel vm1, $0x7FFFFFFF, v1  }
0x34: {  	s19 =	sadd.s32 $0x10, s21;
	p0 =	sgt.s32 s23, $0x0;
	s25 =	smov.u32 s23;
	v3 =	vand.u32 $0x3, v3  }
0x35: {  	s31 =	sand.u32 $0x200, s30;
	s25 =	simm.s32 @!p0 $0x0;
	v2 =	vld.msk [tilespmem:s19+$0x0 ss:$0x1], $0xffff;
	v4 =	vshrl.u32 v5, $0x7;
	[tilespmem:s20+$0x0] =	vst v3;
	v3 =	vshll.u32 v5, $0x2  }
0x36: {  	s24 =	simm.s32 $0x30;
	s25 =	smin.u32 s25, $0x10;
	s22 =	sadd.s32 $0x600, s31;
	v5 =	vand.u32 $0x7E00, v5;
	v4 =	vand.u32 $0x3, v4;
	v6 =	vand.u32 $0x1FC, v3  }
0x37: {  	s20 =	sadd.s32 $0x10, s19;
	v3 =	vmov s25;
	[tilespmem:s21+$0x0] =	vst v4;
	v4 =	vor.u32 v5, v6;
	(ifvalue) =	ssetifvalue $0x7FFFFFFF;
	s21 =	sadd.s32 $0x10, s22  }
.LBB2_3:
0x38: {  	[tilespmem:s22], [sflag:$0x3] =	stream.indirect_vreg.gather [hbm4b:s2+s11], $0x1, v1, vm0, $0x4038;
	[tilespmem:$0xB00] =	vst v63  }
0x39: {  	s24 =	sadd.s32 $0x10, s24  }
0x3a: {  	vm1 =	vgt.s32 v2, $0x0;
	vm2 =	vgt.u32 v3, v0;
	v3 =	vshrl.u32 v4, $0x2;
	v1 =	vmovc v2;
	v2 =	vld.msk [tilespmem:s20+$0x0 ss:$0x1], $0xffff;
	p0 =	slt.u32 s24, $0x1F0  }
.Ltmp3:
0x3b: {  	s23 =	sadd.s32 $0xFFFFFFF0, s23;
	v4 =	vnsel vm1, $0x0, v1;
	v1 =	vnsel vm2, $0x7FFFFFFF, v3;
	(pc) =	sbr.rel @p0 .LBB2_3-.Ltmp3, $4  }
0x3c: {  	s25 =	smov.u32 s19;
	p1 =	sgt.s32 s23, $0x0;
	s26 =	smov.u32 s23;
	v3 =	vmin.u32 v4, $0x4E1F  }
0x3d: {  	s19 =	smov.u32 s20;
	s22 =	smov.u32 s21;
	s26 =	simm.s32 @!p1 $0x0;
	v4 =	vshrl.u32 v3, $0x7;
	v5 =	vshll.u32 v3, $0x2  }
0x3e: {  	s26 =	smin.u32 s26, $0x10;
	v6 =	vand.u32 $0x3, v4;
	v4 =	vand.u32 $0x7E00, v3;
	v5 =	vand.u32 $0x1FC, v5  }
0x3f: {  	s20 =	sadd.s32 $0x10, s20;
	s21 =	sadd.s32 $0x10, s21;
	v3 =	vmov s26;
	v4 =	vor.u32 v4, v5;
	[tilespmem:s25+$0x0] =	vst v6;
	(ifvalue) =	ssetifvalue $0x7FFFFFFF  }
0x40: {  	v5 =	vld.msk [tilespmem:s20+$0x0 ss:$0x1], $0xffff;
	_ =	sdelay $0x1  }
0x41: {  	s23 =	sadd.s32 $0xFFFFFFF0, s23;
	vm1 =	vgt.s32 v2, $0x0  }
0x42: {  	p0 =	sgt.s32 s23, $0x0;
	s24 =	smov.u32 s23;
	v2 =	vnsel vm1, $0x0, v2;
	vm1 =	vgt.u32 v3, v0;
	v3 =	vshrl.u32 v4, $0x2  }
0x43: {  	s24 =	simm.s32 @!p0 $0x0;
	v2 =	vmin.u32 v2, $0x4E1F;
	v3 =	vnsel vm1, $0x7FFFFFFF, v3  }
0x44: {  	s24 =	smin.u32 s24, $0x10;
	v60 =	vshll.u32 v2, $0x2;
	v7 =	vand.u32 $0x7E00, v2;
	vm1 =	vgt.s32 v5, $0x0  }
0x45: {  	s23 =	sadd.s32 $0xFFFFFFF0, s23;
	v2 =	vshrl.u32 v2, $0x7;
	v6 =	vmov s24;
	v5 =	vnsel vm1, $0x0, v5  }
0x46: {  	p0 =	sgt.s32 s23, $0x0;
	v4 =	vand.u32 $0x1FC, v60;
	v2 =	vand.u32 $0x3, v2;
	v5 =	vmin.u32 v5, $0x4E1F  }
0x47: {  	s23 =	simm.s32 @!p0 $0x0;
	v4 =	vor.u32 v7, v4;
	vm1 =	vgt.u32 v6, v0;
	v61 =	vshll.u32 v5, $0x2  }
0x48: {  	s23 =	smin.u32 s23, $0x10;
	v4 =	vshrl.u32 v4, $0x2;
	v62 =	vand.u32 $0x7E00, v5;
	v6 =	vand.u32 $0x1FC, v61  }
0x49: {  	v63 =	vmov s23;
	v4 =	vnsel vm1, $0x7FFFFFFF, v4;
	v6 =	vor.u32 v62, v6  }
0x4a: {  	[tilespmem:s22], [sflag:$0x3] =	stream.indirect_vreg.gather [hbm4b:s2+s11], $0x1, v1, vm0, $0x4038;
	[tilespmem:s19+$0x0] =	vst v2;
	vm1 =	vgt.u32 v63, v0;
	v2 =	vshrl.u32 v6, $0x2  }
0x4b: {  	(ifvalue) =	ssetifvalue $0x7FFFFFFF;
	v1 =	vshrl.u32 v5, $0x7;
	v2 =	vnsel vm1, $0x7FFFFFFF, v2  }
0x4c: {  	[tilespmem:s21], [sflag:$0x3] =	stream.indirect_vreg.gather [hbm4b:s2+s11], $0x1, v3, vm0, $0x4038;
	v1 =	vand.u32 $0x3, v1;
	[tilespmem:$0xB00] =	vst v63  }
0x4d: {  	s31 =	sadd.s32 $0x10, s21;
	[tilespmem:s20+$0x0] =	vst v1;
	(ifvalue) =	ssetifvalue $0x7FFFFFFF  }
0x4e: {  	[tilespmem:s31], [sflag:$0x3] =	stream.indirect_vreg.gather [hbm4b:s2+s11], $0x1, v4, vm0, $0x4038;
	[tilespmem:$0xB00] =	vst v63  }
0x4f: {  	s19 =	sadd.s32 $0x10, s31;
	(ifvalue) =	ssetifvalue $0x7FFFFFFF  }
0x50: {  	[tilespmem:s19], [sflag:$0x3] =	stream.indirect_vreg.gather [hbm4b:s2+s11], $0x1, v2, vm0, $0x4038;
	[tilespmem:$0xB00] =	vst v63  }
.LBB2_5:
0x51: {  	p0 =	slt.u32 s17, $0x2  }
0x52: {  	p1 =	sge.u32 @!p0 s17, s10  }
0x53: {  	p0 =	por p0, p1  }
.Ltmp4:
0x54: {  	_ = 	snop;
	(pc) =	sbr.rel @p0 .LBB2_7-.Ltmp4, $1  }
0x55: {  	_ =	sdelay $0x3  }
0x56: {  	s19 =	sadd.s32 $0xFFFFFFFE, s17  }
0x57: {  	s20 =	smulhi.u32 $0xAAAAAAAB, s19  }
0x58: {  	_ =	swait.ge [sflag:s8], $0x200  }
0x59: {  	s21 =	sand.u32 $0x1, s17;
	[sflag:s8] =	ssyncset.done $0x0;
	s20 =	sshrl.u32 s20, $0x1  }
0x5a: {  	s28 =	sshll.u32 s21, $0x9;
	[sflag:s8] =	ssyncadd.s32 $0xFFFFFE00;
	s20 =	smul.u32 $0x3, s20  }
0x5b: {  	v1 =	vld [tilespmem:s28+$0x600]  }
0x5c: {  	v3 =	vld [tilespmem:s28+$0x680];
	s20 =	ssub.s32 s19, s20  }
0x5d: {  	v6 =	vld [tilespmem:s28+$0x700];
	s20 =	sshll.u32 s20, $0x9  }
0x5e: {  	v2 =	vld [tilespmem:s20+$0x0]  }
0x5f: {  	v4 =	vld [tilespmem:s20+$0x80]  }
0x60: {  	v5 =	vld [tilespmem:s20+$0x100]  }
0x61: {  	v7 =	vld [tilespmem:s20+$0x180];
	_ =	sdelay $0x1  }
0x62: {  	v8 =	vld [tilespmem:s28+$0x780]  }
0x63: {  	v2 =	vshll.u32 v2, $0x3;
	v4 =	vshll.u32 v4, $0x3  }
0x64: {  	v1 =	vshrl.u32 v1, v2;
	v2 =	vshrl.u32 v3, v4;
	v3 =	vshll.u32 v5, $0x3  }
0x65: {  	v21 =	vshll.u32 v7, $0x3;
	v2 =	vshll.u32 v2, $0x8;
	v3 =	vshrl.u32 v6, v3  }
0x66: {  	v1 =	vand.u32 $0xFF, v1;
	v2 =	vand.u32 $0xFF00, v2;
	v3 =	vshll.u32 v3, $0x10  }
0x67: {  	v1 =	vor.u32 v1, v2;
	v2 =	vand.u32 $0xFF0000, v3;
	v3 =	vshrl.u32 v8, v21  }
0x68: {  	v1 =	vor.u32 v2, v1;
	v2 =	vshll.u32 v3, $0x18  }
0x69: {  	s21 =	sshll.u32 s21, $0x7;
	v1 =	vor.u32 v2, v1  }
0x6a: {  	[tilespmem:s21+$0xA00] =	vst v1  }
0x6b: {  	v1 =	vld [tilespmem:s28+$0x610]  }
0x6c: {  	v2 =	vld [tilespmem:s20+$0x10]  }
0x6d: {  	v3 =	vld [tilespmem:s28+$0x690]  }
0x6e: {  	v22 =	vld [tilespmem:s20+$0x90]  }
0x6f: {  	v23 =	vld [tilespmem:s20+$0x110]  }
0x70: {  	v24 =	vld [tilespmem:s28+$0x710]  }
0x71: {  	v25 =	vld [tilespmem:s20+$0x190];
	_ =	sdelay $0x1  }
0x72: {  	v26 =	vld [tilespmem:s28+$0x790]  }
0x73: {  	v2 =	vshll.u32 v2, $0x3;
	v4 =	vshll.u32 v22, $0x3  }
0x74: {  	v1 =	vshrl.u32 v1, v2;
	v2 =	vshrl.u32 v3, v4;
	v3 =	vshll.u32 v23, $0x3  }
0x75: {  	v27 =	vshll.u32 v25, $0x3;
	v2 =	vshll.u32 v2, $0x8;
	v3 =	vshrl.u32 v24, v3  }
0x76: {  	v1 =	vand.u32 $0xFF, v1;
	v2 =	vand.u32 $0xFF00, v2;
	v3 =	vshll.u32 v3, $0x10  }
0x77: {  	v1 =	vor.u32 v1, v2;
	v2 =	vand.u32 $0xFF0000, v3;
	v3 =	vshrl.u32 v26, v27  }
0x78: {  	v1 =	vor.u32 v2, v1;
	v2 =	vshll.u32 v3, $0x18  }
0x79: {  	v1 =	vor.u32 v2, v1  }
0x7a: {  	[tilespmem:s21+$0xA10] =	vst v1  }
0x7b: {  	v1 =	vld [tilespmem:s28+$0x620]  }
0x7c: {  	v2 =	vld [tilespmem:s20+$0x20]  }
0x7d: {  	v3 =	vld [tilespmem:s28+$0x6A0]  }
0x7e: {  	v28 =	vld [tilespmem:s20+$0xA0]  }
0x7f: {  	v29 =	vld [tilespmem:s20+$0x120]  }
0x80: {  	v30 =	vld [tilespmem:s28+$0x720]  }
0x81: {  	v31 =	vld [tilespmem:s20+$0x1A0];
	_ =	sdelay $0x1  }
0x82: {  	v32 =	vld [tilespmem:s28+$0x7A0]  }
0x83: {  	v2 =	vshll.u32 v2, $0x3;
	v4 =	vshll.u32 v28, $0x3  }
0x84: {  	v1 =	vshrl.u32 v1, v2;
	v2 =	vshrl.u32 v3, v4;
	v3 =	vshll.u32 v29, $0x3  }
0x85: {  	v33 =	vshll.u32 v31, $0x3;
	v2 =	vshll.u32 v2, $0x8;
	v3 =	vshrl.u32 v30, v3  }
0x86: {  	v1 =	vand.u32 $0xFF, v1;
	v2 =	vand.u32 $0xFF00, v2;
	v3 =	vshll.u32 v3, $0x10  }
0x87: {  	v1 =	vor.u32 v1, v2;
	v2 =	vand.u32 $0xFF0000, v3;
	v3 =	vshrl.u32 v32, v33  }
0x88: {  	v1 =	vor.u32 v2, v1;
	v2 =	vshll.u32 v3, $0x18  }
0x89: {  	v1 =	vor.u32 v2, v1  }
0x8a: {  	[tilespmem:s21+$0xA20] =	vst v1  }
0x8b: {  	v1 =	vld [tilespmem:s28+$0x630]  }
0x8c: {  	v2 =	vld [tilespmem:s20+$0x30]  }
0x8d: {  	v3 =	vld [tilespmem:s28+$0x6B0]  }
0x8e: {  	v34 =	vld [tilespmem:s20+$0xB0]  }
0x8f: {  	v35 =	vld [tilespmem:s20+$0x130]  }
0x90: {  	v36 =	vld [tilespmem:s28+$0x730]  }
0x91: {  	v37 =	vld [tilespmem:s20+$0x1B0];
	_ =	sdelay $0x1  }
0x92: {  	v38 =	vld [tilespmem:s28+$0x7B0]  }
0x93: {  	v2 =	vshll.u32 v2, $0x3;
	v4 =	vshll.u32 v34, $0x3  }
0x94: {  	v1 =	vshrl.u32 v1, v2;
	v2 =	vshrl.u32 v3, v4;
	v3 =	vshll.u32 v35, $0x3  }
0x95: {  	v39 =	vshll.u32 v37, $0x3;
	v2 =	vshll.u32 v2, $0x8;
	v3 =	vshrl.u32 v36, v3  }
0x96: {  	v1 =	vand.u32 $0xFF, v1;
	v2 =	vand.u32 $0xFF00, v2;
	v3 =	vshll.u32 v3, $0x10  }
0x97: {  	v1 =	vor.u32 v1, v2;
	v2 =	vand.u32 $0xFF0000, v3;
	v3 =	vshrl.u32 v38, v39  }
0x98: {  	v1 =	vor.u32 v2, v1;
	v2 =	vshll.u32 v3, $0x18  }
0x99: {  	v1 =	vor.u32 v2, v1  }
0x9a: {  	[tilespmem:s21+$0xA30] =	vst v1  }
0x9b: {  	v1 =	vld [tilespmem:s28+$0x640]  }
0x9c: {  	v2 =	vld [tilespmem:s20+$0x40]  }
0x9d: {  	v3 =	vld [tilespmem:s28+$0x6C0]  }
0x9e: {  	v40 =	vld [tilespmem:s20+$0xC0]  }
0x9f: {  	v41 =	vld [tilespmem:s20+$0x140]  }
0xa0: {  	v42 =	vld [tilespmem:s28+$0x740]  }
0xa1: {  	v43 =	vld [tilespmem:s20+$0x1C0];
	_ =	sdelay $0x1  }
0xa2: {  	v44 =	vld [tilespmem:s28+$0x7C0]  }
0xa3: {  	v2 =	vshll.u32 v2, $0x3;
	v4 =	vshll.u32 v40, $0x3  }
0xa4: {  	v1 =	vshrl.u32 v1, v2;
	v2 =	vshrl.u32 v3, v4;
	v3 =	vshll.u32 v41, $0x3  }
0xa5: {  	v45 =	vshll.u32 v43, $0x3;
	v2 =	vshll.u32 v2, $0x8;
	v3 =	vshrl.u32 v42, v3  }
0xa6: {  	v1 =	vand.u32 $0xFF, v1;
	v2 =	vand.u32 $0xFF00, v2;
	v3 =	vshll.u32 v3, $0x10  }
0xa7: {  	v1 =	vor.u32 v1, v2;
	v2 =	vand.u32 $0xFF0000, v3;
	v3 =	vshrl.u32 v44, v45  }
0xa8: {  	v1 =	vor.u32 v2, v1;
	v2 =	vshll.u32 v3, $0x18  }
0xa9: {  	v1 =	vor.u32 v2, v1  }
0xaa: {  	[tilespmem:s21+$0xA40] =	vst v1  }
0xab: {  	v1 =	vld [tilespmem:s28+$0x650]  }
0xac: {  	v2 =	vld [tilespmem:s20+$0x50]  }
0xad: {  	v3 =	vld [tilespmem:s28+$0x6D0]  }
0xae: {  	v46 =	vld [tilespmem:s20+$0xD0]  }
0xaf: {  	v47 =	vld [tilespmem:s20+$0x150]  }
0xb0: {  	v48 =	vld [tilespmem:s28+$0x750]  }
0xb1: {  	v49 =	vld [tilespmem:s20+$0x1D0];
	_ =	sdelay $0x1  }
0xb2: {  	v50 =	vld [tilespmem:s28+$0x7D0]  }
0xb3: {  	v2 =	vshll.u32 v2, $0x3;
	v4 =	vshll.u32 v46, $0x3  }
0xb4: {  	v1 =	vshrl.u32 v1, v2;
	v2 =	vshrl.u32 v3, v4;
	v3 =	vshll.u32 v47, $0x3  }
0xb5: {  	v51 =	vshll.u32 v49, $0x3;
	v2 =	vshll.u32 v2, $0x8;
	v3 =	vshrl.u32 v48, v3  }
0xb6: {  	v1 =	vand.u32 $0xFF, v1;
	v2 =	vand.u32 $0xFF00, v2;
	v3 =	vshll.u32 v3, $0x10  }
0xb7: {  	v1 =	vor.u32 v1, v2;
	v2 =	vand.u32 $0xFF0000, v3;
	v3 =	vshrl.u32 v50, v51  }
0xb8: {  	v1 =	vor.u32 v2, v1;
	v2 =	vshll.u32 v3, $0x18  }
0xb9: {  	v1 =	vor.u32 v2, v1  }
0xba: {  	[tilespmem:s21+$0xA50] =	vst v1  }
0xbb: {  	v1 =	vld [tilespmem:s28+$0x660]  }
0xbc: {  	v2 =	vld [tilespmem:s20+$0x60]  }
0xbd: {  	v3 =	vld [tilespmem:s28+$0x6E0]  }
0xbe: {  	v52 =	vld [tilespmem:s20+$0xE0]  }
0xbf: {  	v53 =	vld [tilespmem:s20+$0x160]  }
0xc0: {  	v54 =	vld [tilespmem:s28+$0x760]  }
0xc1: {  	v55 =	vld [tilespmem:s20+$0x1E0];
	_ =	sdelay $0x1  }
0xc2: {  	v56 =	vld [tilespmem:s28+$0x7E0]  }
0xc3: {  	v2 =	vshll.u32 v2, $0x3;
	v4 =	vshll.u32 v52, $0x3  }
0xc4: {  	v1 =	vshrl.u32 v1, v2;
	v2 =	vshrl.u32 v3, v4;
	v3 =	vshll.u32 v53, $0x3  }
0xc5: {  	v57 =	vshll.u32 v55, $0x3;
	v2 =	vshll.u32 v2, $0x8;
	v3 =	vshrl.u32 v54, v3  }
0xc6: {  	v1 =	vand.u32 $0xFF, v1;
	v2 =	vand.u32 $0xFF00, v2;
	v3 =	vshll.u32 v3, $0x10  }
0xc7: {  	v1 =	vor.u32 v1, v2;
	v2 =	vand.u32 $0xFF0000, v3;
	v3 =	vshrl.u32 v56, v57  }
0xc8: {  	v1 =	vor.u32 v2, v1;
	v2 =	vshll.u32 v3, $0x18  }
0xc9: {  	v1 =	vor.u32 v2, v1  }
0xca: {  	[tilespmem:s21+$0xA60] =	vst v1  }
0xcb: {  	v1 =	vld [tilespmem:s28+$0x670]  }
0xcc: {  	v2 =	vld [tilespmem:s20+$0x70]  }
0xcd: {  	v3 =	vld [tilespmem:s28+$0x6F0]  }
0xce: {  	v58 =	vld [tilespmem:s20+$0xF0]  }
0xcf: {  	v59 =	vld [tilespmem:s20+$0x170]  }
0xd0: {  	v60 =	vld [tilespmem:s28+$0x770]  }
0xd1: {  	v61 =	vld [tilespmem:s20+$0x1F0];
	_ =	sdelay $0x1  }
0xd2: {  	v62 =	vld [tilespmem:s28+$0x7F0]  }
0xd3: {  	v2 =	vshll.u32 v2, $0x3;
	v4 =	vshll.u32 v58, $0x3  }
0xd4: {  	v1 =	vshrl.u32 v1, v2;
	v2 =	vshrl.u32 v3, v4;
	v3 =	vshll.u32 v59, $0x3  }
0xd5: {  	v63 =	vshll.u32 v61, $0x3;
	v3 =	vshrl.u32 v60, v3;
	v2 =	vshll.u32 v2, $0x8  }
0xd6: {  	v1 =	vand.u32 $0xFF, v1;
	v2 =	vand.u32 $0xFF00, v2;
	v3 =	vshll.u32 v3, $0x10  }
.Ltmp5:
0xd7: {  	v1 =	vor.u32 v1, v2;
	v2 =	vshrl.u32 v62, v63;
	v3 =	vand.u32 $0xFF0000, v3;
	(pc) =	sbr.rel .LBB2_7-.Ltmp5, $4  }
0xd8: {  	v1 =	vor.u32 v3, v1;
	v2 =	vshll.u32 v2, $0x18  }
0xd9: {  	s29 =	sshrl.u32 s18, $0x2;
	s30 =	sshrl.u32 s18, $0x5;
	v1 =	vor.u32 v2, v1  }
0xda: {  	s18 =	sadd.s32 s30, s6;
	s31 =	sor.u32 $0xA00, s21;
	s19 =	sand.u32 $0x7, s29;
	[tilespmem:s21+$0xA70] =	vst v1  }
0xdb: {  	[hbm4b:s18+s19] =	stream.linear.scatter [tilespmem:s31], [sflag:$0x4], $0x80, $0x38;
	[tilespmem:$0xB00] =	vst v63  }
.LBB2_8:
0xdc: {  	_ =	sfence.sel $0x180000  }
0xdd: {  	s2 =	simm.s32 $0x2;
	[bflag:$0x0] =	sbarrier.arrive $0xFFFF  }
0xde: {  	s29 =	simm.s32 $0x3;
	[sflag:s2] =	ssyncpa.u1 $0x1  }
0xdf: {  	s30 =	simm.s32 $0x4;
	[sflag:s29] =	ssyncpa.u1 $0x1  }
0xe0: {  	s31 =	simm.s32 $0x1;
	[sflag:s30] =	ssyncpa.u1 $0x1  }
0xe1: {  	[sflag:s31] =	ssyncpa.u1 $0x1  }
0xe2: {  	p0 =	sne.s32 s0, $0x0;
	_ =	strace $0x90000047  }
0xe3: {  	s0 =	sadd.s32 @!p0 $0x100000, s1;
	[bflag:$0x2] =	sbarrier.arrive $0xFFFF  }
0xe4: {  	[sflag:s0] =	ssyncadd.tile.s32 @!p0 $0x1;
	_ =	shalt  }
.Lfunc_end2:
_tile_overlayer_lowered:
.L_overlay_start_2:
0xe5: {  	(tag) =	ssettag $0x2  }
0xe6: {  	s0 =	rddreg [dreg:$0x0];
	s2 =	stileid.u32  }
0xe7: {  	s1 =	rddreg [dreg:$0x1];
	p0 =	sne.s32 s2, $0x0  }
0xe8: {  	s3 =	rddreg [dreg:$0x2];
	[bflag:$0x3] =	sbarrier.arrive $0xFFFF;
	s2 =	simm.s32 @!p0 $0x1C01  }
0xe9: {  	[timem:s3], [sflag:s2] =	dma.local @!p0 [hbm:s0], s1  }
0xea: {  	s0 =	simm.s32 @!p0 $0x1  }
0xeb: {  	_ =	swait.ge @!p0 [sflag:s0], s1  }
0xec: {  	s1 =	ssub.s32 @!p0 $0x0, s1;
	[sflag:s0] =	ssyncset.done @!p0 $0x0  }
0xed: {  	[sflag:s0] =	ssyncadd.s32 @!p0 s1  }
0xee: {  	[bflag:$0x3] =	sbarrier.arrive $0xFFFF  }
0xef: {  	_ =	shalt  }

// kernel: gather_offload_async_start.3
scs
__scs_entry_jumppad:
0x0: {  	(pc) =	sbr.rel $0x88, $3  }
0x1: {  	(tag) =	ssettag $0x0;
	lr =	simm.s32 $0x1  }
0x2: {  	[smem:$0x3F9E] =	sst lr;
	_ =	strace $0xD0000000  }
0x3: {  	_ = 	snop  }
0x4: {  	_ = 	snop  }
0x5: {  	_ = 	snop  }
0x6: {  	_ = 	snop  }
0x7: {  	_ = 	snop  }
__scs_overlays_trampoline_lowered:
0x8: {  	[smem:$0x3FAD] =	sst s0  }
0x9: {  	[smem:$0x3FAE] =	sst s1  }
0xa: {  	[smem:$0x3FAF] =	sst s2  }
0xb: {  	[smem:$0x3FB0] =	sst s3  }
0xc: {  	[smem:$0x3FB1] =	sst s4  }
0xd: {  	[smem:$0x3FB2] =	sst s5  }
0xe: {  	[smem:$0x3FB3] =	sst s6  }
0xf: {  	[smem:$0x3FB4] =	sst s7  }
0x10: {  	[smem:$0x3FB5] =	sst s8  }
0x11: {  	[smem:$0x3FB6] =	sst s9;
	s0 =	simm.s32 @!p0 $0x0  }
0x12: {  	s1 =	sld [smem:$0x3F9C];
	s0 =	simm.s32 @p0 $0x1  }
0x13: {  	[smem:$0x3FB7] =	sst s0;
	s0 =	simm.s32 @!p1 $0x0  }
0x14: {  	s2 =	sld [smem:$0x3F9B];
	s0 =	simm.s32 @p1 $0x1  }
0x15: {  	[smem:$0x3FB8] =	sst s0;
	s0 =	simm.s32 @!p2 $0x0  }
0x16: {  	s3 =	sld [smem:$0x3FDB];
	s0 =	simm.s32 @p2 $0x1  }
0x17: {  	s4 =	simm.s32 $0x1BF5;
	[smem:$0x3FBA] =	sst s0  }
0x18: {  	s0 =	sld [smem:$0x3F9D];
	_ =	swait.ge [sflag:s4], $0x0  }
0x19: {  	s7 =	sld [smem:$0x3F9E]  }
0x1a: {  	s8 =	sadd.s32 $0xFFFFE003, lr  }
0x1b: {  	s9 =	sadd.s32 $0xFFFFFEF7, lr;
	s5 =	simm.s32 $0xFFFFFFFF;
	p2 =	slt.u32 s8, $0xFFFFF086  }
0x1c: {  	p1 =	slt.u32 s9, $0xF7A;
	s5 =	simm.s32 @!p2 $0x0  }
0x1d: {  	s5 =	simm.s32 @p1 $0x1;
	p0 =	seq.s32 s7, s2  }
0x1e: {  	s7 =	smul.u32 @!p0 $0xF7A, s2;
	p2 =	seq.s32 @!p0 s5, $0x0  }
0x1f: {  	s9 =	smul.u32 $0xF7A, s1;
	s8 =	simm.s32 @!p0 $0x1BF5;
	p2 =	por !p2, p0  }
0x20: {  	[sflag:s8] =	ssyncset.s32 @!p0 $0xFFFFF086;
	s6 =	sadd.s32 @!p0 s3, s7;
	s7 =	simm.s32 @!p0 $0x108  }
0x21: {  	s3 =	sadd.s32 s3, s9;
	s6 =	sadd.s32 @!p0 $0x88, s6;
	s7 =	simm.s32 @p2 $0x1082  }
0x22: {  	[simem:s7], [sflag:s8] =	dma.local @!p0 [hbm:s6], $0xF7A  }
0x23: {  	s9 =	sor.u32 $0xD0000000, s2;
	s6 =	simm.s32 $0x108;
	_ =	swait.ge @!p0 [sflag:s8], $0x0  }
0x24: {  	s3 =	sadd.s32 $0x88, s3;
	s6 =	simm.s32 @!p1 $0x1082;
	[sflag:s4] =	ssyncset.s32 $0xFFFFF086  }
0x25: {  	[simem:s6], [sflag:s4] =	dma.local [hbm:s3], $0xF7A  }
0x26: {  	[smem:$0x3F9E] =	sst s1;
	(tag) =	ssettag s2;
	_ =	strace s9  }
0x27: {  	s1 =	sld [smem:$0x3FAE]  }
0x28: {  	s2 =	sld [smem:$0x3FAF]  }
0x29: {  	s4 =	sld [smem:$0x3FB1]  }
0x2a: {  	p0 =	seq.s32 s5, $0x0;
	s5 =	sld [smem:$0x3FB2]  }
0x2b: {  	s6 =	sld [smem:$0x3FB3]  }
0x2c: {  	s7 =	sld [smem:$0x3FB4]  }
0x2d: {  	s3 =	simm.s32 $0x108;
	s8 =	sld [smem:$0x3FB5]  }
0x2e: {  	s3 =	simm.s32 @!p0 $0x1082;
	s9 =	sld [smem:$0x3FB6]  }
0x2f: {  	lr =	sadd.s32 s0, s3;
	s0 =	sld [smem:$0x3FAD]  }
0x30: {  	s3 =	sld [smem:$0x3FB0]  }
0x31: {  	[smem:$0x3FB9] =	sst s10  }
0x32: {  	s10 =	sld [smem:$0x3FB7];
	_ =	sdelay $0x3  }
0x33: {  	p0 =	seq.s32 s10, $0x1;
	s10 =	sld [smem:$0x3FB9];
	_ =	sdelay $0x3  }
0x34: {  	[smem:$0x3FB9] =	sst s10  }
0x35: {  	s10 =	sld [smem:$0x3FB8];
	_ =	sdelay $0x3  }
0x36: {  	p1 =	seq.s32 s10, $0x1;
	s10 =	sld [smem:$0x3FB9];
	_ =	sdelay $0x3  }
0x37: {  	[smem:$0x3FB9] =	sst s10  }
0x38: {  	s10 =	sld [smem:$0x3FBA]  }
0x39: {  	_ = 	snop;
	(pc) =	sbr.ind lr, $3  }
0x3a: {  	_ = 	snop  }
0x3b: {  	_ = 	snop  }
0x3c: {  	p2 =	seq.s32 s10, $0x1;
	s10 =	sld [smem:$0x3FB9]  }
0x3d: {  	_ =	shalt  }
0x3e: {  	_ =	shalt  }
0x3f: {  	_ =	shalt  }
0x40: {  	_ =	shalt  }
0x41: {  	_ =	shalt  }
0x42: {  	_ =	shalt  }
0x43: {  	_ =	shalt  }
0x44: {  	_ =	shalt  }
0x45: {  	_ =	shalt  }
0x46: {  	_ =	shalt  }
0x47: {  	_ =	shalt  }
0x48: {  	_ =	shalt  }
0x49: {  	_ =	shalt  }
0x4a: {  	_ =	shalt  }
0x4b: {  	_ =	shalt  }
0x4c: {  	_ =	shalt  }
0x4d: {  	_ =	shalt  }
0x4e: {  	_ =	shalt  }
0x4f: {  	_ =	shalt  }
0x50: {  	_ =	shalt  }
0x51: {  	_ =	shalt  }
0x52: {  	_ =	shalt  }
0x53: {  	_ =	shalt  }
0x54: {  	_ =	shalt  }
0x55: {  	_ =	shalt  }
0x56: {  	_ =	shalt  }
0x57: {  	_ =	shalt  }
0x58: {  	_ =	shalt  }
0x59: {  	_ =	shalt  }
0x5a: {  	_ =	shalt  }
0x5b: {  	_ =	shalt  }
0x5c: {  	_ =	shalt  }
0x5d: {  	_ =	shalt  }
0x5e: {  	_ =	shalt  }
0x5f: {  	_ =	shalt  }
0x60: {  	_ =	shalt  }
0x61: {  	_ =	shalt  }
0x62: {  	_ =	shalt  }
0x63: {  	_ =	shalt  }
0x64: {  	_ =	shalt  }
0x65: {  	_ =	shalt  }
0x66: {  	_ =	shalt  }
0x67: {  	_ =	shalt  }
0x68: {  	_ =	shalt  }
0x69: {  	_ =	shalt  }
0x6a: {  	_ =	shalt  }
0x6b: {  	_ =	shalt  }
0x6c: {  	_ =	shalt  }
0x6d: {  	_ =	shalt  }
0x6e: {  	_ =	shalt  }
0x6f: {  	_ =	shalt  }
0x70: {  	_ =	shalt  }
0x71: {  	_ =	shalt  }
0x72: {  	_ =	shalt  }
0x73: {  	_ =	shalt  }
0x74: {  	_ =	shalt  }
0x75: {  	_ =	shalt  }
0x76: {  	_ =	shalt  }
0x77: {  	_ =	shalt  }
0x78: {  	_ =	shalt  }
0x79: {  	_ =	shalt  }
0x7a: {  	_ =	shalt  }
0x7b: {  	_ =	shalt  }
0x7c: {  	_ =	shalt  }
0x7d: {  	_ =	shalt  }
0x7e: {  	_ =	shalt  }
0x7f: {  	_ =	shalt  }
0x80: {  	_ =	shalt  }
0x81: {  	_ =	shalt  }
0x82: {  	_ =	shalt  }
0x83: {  	_ =	shalt  }
0x84: {  	_ =	shalt  }
0x85: {  	_ =	shalt  }
0x86: {  	_ =	shalt  }
0x87: {  	_ =	shalt  }
.Lfunc_end0:
.L_simem_size_0:
called_computation.3_lowered:
.L_overlay_start_0:
0x88: {  	s2 =	sld [smem:$0x3FD9]  }
0x89: {  	s3 =	sld [smem:$0x3FFE];
	_ =	sdelay $0x1  }
0x8a: {  	s1 =	srdreg.scid  }
0x8b: {  	s0 =	sand.u32 $0x1, s1  }
0x8c: {  	s17 =	sshll.u32 s0, $0xA;
	s2 =	sadd.s32 s3, s2  }
0x8d: {  	s2 =	sadd.s32 s2, s17  }
0x8e: {  	[smem:$0x3FC5] =	sst s2  }
0x8f: {  	_ = 	snop  }
0x90: {  	s18 =	sld [smem:$0x3FC7]  }
0x91: {  	s4 =	sld [smem:$0x3FD0];
	(tm) =	ssettm $0x1  }
0x92: {  	s19 =	sld [smem:$0x3FFB];
	_ =	sdelay $0x3  }
0x93: {  	_ =	strace s19  }
0x94: {  	s2 =	sld [smem:$0x3FFC];
	_ =	sdelay $0x3  }
0x95: {  	_ =	strace s2  }
0x96: {  	s2 =	sld [smem:$0x3FFD];
	_ =	sdelay $0x3  }
0x97: {  	_ =	strace s2  }
0x98: {  	_ =	strace $0x8FFFFFFF  }
0x99: {  	s20 =	sld [smem:$0x3FDB];
	_ =	sdelay $0x1  }
0x9a: {  	s5 =	simm.s32 $_scs_section_size  }
0x9b: {  	s6 =	simm.s32 $_size__tile_overlayer_lowered;
	s7 =	simm.s32 $_tile_overlayer_lowered  }
0x9c: {  	s8 =	simm.s32 $0x1BFF;
	s21 =	sshll.u32 s7, $0x1;
	s5 =	sadd.s32 s5, s20  }
0x9d: {  	s22 =	simm.s32 $0x0;
	s6 =	sshll.u32 s6, $0x1;
	s7 =	sadd.s32 s21, s5  }
0x9e: {  	[timem:s22], [sflag:s8] =	dma.local [hbm:s7], s6  }
0x9f: {  	_ =	swait.ge [sflag:s8], s6  }
0xa0: {  	s6 =	ssub.s32 $0x0, s6;
	[sflag:s8] =	ssyncset.done $0x0  }
0xa1: {  	[sflag:s8] =	ssyncadd.s32 s6;
	_ =	sdelay $0x1  }
0xa2: {  	s23 =	simm.s32 $0x1B8B  }
0xa3: {  	_ =	swait.ge [sflag:s23], $0x1  }
0xa4: {  	[sflag:s23] =	ssyncset.done $0x0  }
0xa5: {  	[sflag:s23] =	ssyncadd.s32 $0xFFFFFFFF  }
0xa6: {  	s6 =	sld [smem:$0x0]  }
0xa7: {  	s7 =	sand.u32 $0xFFFFFFFE, s1  }
0xa8: {  	p0 =	sne.s32 s1, s7  }
0xa9: {  	s7 =	sshll.u32 @p0 s7, $0xE  }
0xaa: {  	s7 =	sadd.s32 @p0 $0x11B8D, s7;
	s8 =	sshll.u32 @p0 s6, $0x11  }
0xab: {  	s7 =	sor.u32 @p0 s8, s7  }
0xac: {  	[sflag:s7] =	ssyncadd.remote.s32 @p0 $0x1;
	_ =	sdelay $0x1  }
0xad: {  	s7 =	simm.s32 @p0 $0x1B8D  }
0xae: {  	_ =	swait.eq @p0 [sflag:s7], $0x1  }
0xaf: {  	[sflag:s7] =	ssyncadd.s32 @p0 $0xFFFFFFFF  }
0xb0: {  	s8 =	sshll.u32 @!p0 s1, $0xE  }
0xb1: {  	s8 =	sor.u32 @!p0 $0x4000, s8;
	s7 =	simm.s32 @!p0 $0x1B8D  }
0xb2: {  	s6 =	sshll.u32 @!p0 s6, $0x11;
	s8 =	sadd.s32 @!p0 $0x11B8D, s8;
	_ =	swait.eq @!p0 [sflag:s7], $0x1  }
0xb3: {  	s6 =	sor.u32 @!p0 s6, s8;
	[sflag:s7] =	ssyncadd.s32 @!p0 $0xFFFFFFFF  }
0xb4: {  	s25 =	simm.s32 $0x1B8E;
	s24 =	sld [smem:$0x3FFE];
	[sflag:s6] =	ssyncadd.remote.s32 @!p0 $0x1  }
0xb5: {  	s26 =	simm.s32 $execute0_lowered;
	[smem:$0x3FD2] =	sst s25  }
0xb6: {  	s7 =	sshll.u32 s26, $0x1;
	_ =	strace $0x80000049;
	[dreg:$0x1] =	wrdreg $0xFFFFFFFF  }
0xb7: {  	s28 =	simm.s32 $_size_execute0_lowered;
	s5 =	sadd.s32 s5, s7;
	[dreg:$0x0] =	wrdreg $0x0  }
0xb8: {  	s7 =	sshll.u32 s28, $0x1;
	[dreg:$0x2] =	wrdreg s5  }
0xb9: {  	[dreg:$0x3] =	wrdreg s7  }
0xba: {  	[dreg:$0x4] =	wrdreg $0xC0  }
0xbb: {  	_ =	task [dreg:s22], $0x5FFFF  }
0xbc: {  	[dreg:$0x1] =	wrdreg $0xFFFFFFFF  }
0xbd: {  	[dreg:$0x0] =	wrdreg $0x60  }
0xbe: {  	[dreg:$0x2] =	wrdreg s18  }
0xbf: {  	[dreg:$0x3] =	wrdreg s4  }
0xc0: {  	[dreg:$0x4] =	wrdreg s24  }
0xc1: {  	[dreg:$0x5] =	wrdreg $0xB  }
0xc2: {  	_ =	task.clear_ibuf [dreg:s22], $0x6FFFF;
	_ =	strace $0x90000049  }
0xc3: {  	s29 =	simm.s32 $0xB;
	_ =	strace $0x8000004B  }
0xc4: {  	_ =	swait.ge [sflag:s29], $0x1  }
0xc5: {  	[sflag:s29] =	ssyncadd.s32 $0xFFFFFFFF  }
0xc6: {  	_ =	strace $0x9000004B  }
0xc7: {  	_ =	sfence  }
0xc8: {  	s30 =	sld [smem:$0x0];
	_ =	sdelay $0x2  }
0xc9: {  	s31 =	sshll.u32 s1, $0xD;
	s1 =	sshrl.u32 s1, $0x2  }
0xca: {  	s4 =	sand.u32 $0x4000, s31;
	s1 =	sadd.s32 s1, s30  }
0xcb: {  	s0 =	sor.u32 s4, s0;
	s1 =	sshll.u32 s1, $0x11  }
0xcc: {  	s0 =	sor.u32 s1, s0  }
0xcd: {  	s0 =	sadd.s32 $0x8F2B, s0  }
0xce: {  	[sflag:s0] =	ssyncadd.remote.s32 $0x1  }
0xcf: {  	_ =	sfence.sel $0xFFFF  }
0xd0: {  	[dreg:$0x0] =	wrdreg $0xFFFFFFFF;
	(pc) =	sbr.abs _section_cstart, $3  }
0xd1: {  	[dreg:$0x1] =	wrdreg $0xFFFFFFFF  }
0xd2: {  	_ =	task.clear_ibuf [dreg:s22], $0x2FFFF;
	_ =	strace $0x9FFFFFFF  }
0xd3: {  	(tm) =	ssettm $0x7FFFFFFF  }
tec
execute0_lowered:
.L_overlay_start_1:
0x0: {  	(tag) =	ssettag $0x1  }
0x1: {  	s2 =	rddreg [dreg:$0x0]  }
0x2: {  	s3 =	rddreg [dreg:$0x1]  }
0x3: {  	s8 =	rddreg [dreg:$0x2];
	s1 =	stileid.u32  }
0x4: {  	s4 =	srdreg.scid;
	s0 =	rddreg [dreg:$0x3];
	_ =	strace $0x8000004A  }
0x5: {  	s7 =	simm.s32 $0x1;
	s9 =	simm.s32 $0x1;
	s10 =	simm.s32 $0x3  }
0x6: {  	s13 =	simm.s32 $0x0;
	s5 =	sand.u32 $0x1, s4;
	s6 =	sshll.u32 s1, $0x1  }
0x7: {  	s12 =	simm.s32 $0x0;
	s4 =	simm.s32 $0x1;
	s5 =	sor.u32 s6, s5  }
.Ltmp0:
0x8: {  	[sflag:s4] =	ssyncpa.u1 $0x0;
	p0 =	slt.u32 s5, $0x13;
	(pc) =	sbr.rel .LBB2_1-.Ltmp0, $4  }
0x9: {  	s6 =	simm.s32 $0x2;
	s7 =	simm.s32 @!p0 $0x0;
	p0 =	sne.s32 s5, $0x12  }
0xa: {  	[sflag:s6] =	ssyncpa.u1 $0x0;
	s5 =	smul.u32 $0x190, s5;
	s9 =	simm.s32 @!p0 $0x0  }
0xb: {  	s8 =	sadd.s32 $0x800, s8;
	[sflag:s10] =	ssyncpa.u1 $0x0;
	s7 =	sadd.s32 s9, s7  }
0xc: {  	vm0 =	vmmov $0xffff;
	s10 =	simm.s32 $0x0;
	s11 =	smov.u32 s5;
	s9 =	sadd.s32 $0x1, s7  }
.LBB2_4:
0xd: {  	v2 =	vnsel vm1, $0x0, v2  }
0xe: {  	vm1 =	vgt.s32 v0, $0x0;
	v2 =	vmin.u32 v2, $0x4E1F  }
0xf: {  	v0 =	vnsel vm1, $0x0, v0  }
0x10: {  	v0 =	vmin.u32 v0, $0x4E1F  }
0x11: {  	[tilespmem:s18], [sflag:$0x1] =	stream.indirect_vreg.gather [hbm4b:s2+s10], $0x1, v1, vm0, $0x4038;
	[tilespmem:$0x640] =	vst v63  }
0x12: {  	(ifvalue) =	ssetifvalue $0x7FFFFFFF  }
0x13: {  	[tilespmem:s15], [sflag:$0x1] =	stream.indirect_vreg.gather [hbm4b:s2+s10], $0x1, v2, vm0, $0x4038;
	[tilespmem:$0x640] =	vst v63  }
0x14: {  	s29 =	sadd.s32 $0x10, s15;
	(ifvalue) =	ssetifvalue $0x7FFFFFFF  }
0x15: {  	[tilespmem:s29], [sflag:$0x1] =	stream.indirect_vreg.gather [hbm4b:s2+s10], $0x1, v0, vm0, $0x4038;
	[tilespmem:$0x640] =	vst v63  }
0x16: {  	_ =	swait.ge [sflag:s4], $0x190  }
0x17: {  	s30 =	sshrl.u32 s13, $0x3;
	[sflag:s4] =	ssyncset.done $0x0  }
0x18: {  	s31 =	sand.u32 $0x7, s13;
	s15 =	sadd.s32 s8, s30;
	[sflag:s4] =	ssyncadd.s32 $0xFFFFFE70  }
0x19: {  	[hbm4b:s15+s31] =	stream.linear.scatter [tilespmem:s14], [sflag:$0x3], $0x190, $0x38;
	[tilespmem:$0x640] =	vst v63  }
.LBB2_5:
0x1a: {  	s15 =	sadd.s32 $0x3200, s11  }
0x1b: {  	p1 =	sgt.s32 s15, $0x4E1F  }
0x1c: {  	s15 =	smov.u32 @p1 s5;
	p1 =	sne.s32 s12, s9  }
.Ltmp1:
0x1d: {  	p0 =	slt.u32 s12, $0x2;
	(pc) =	sbr.rel @!p1 .LBB2_6-.Ltmp1, $4  }
0x1e: {  	s14 =	simm.s32 @!p0 $0x3  }
0x1f: {  	_ =	swait.ge @!p0 [sflag:s14], $0x190  }
0x20: {  	s16 =	sadd.s32 $0x1, s12;
	s13 =	smov.u32 s11;
	[sflag:s14] =	ssyncset.done @!p0 $0x0  }
0x21: {  	s12 =	smov.u32 s16;
	s11 =	smov.u32 s15;
	[sflag:s14] =	ssyncadd.s32 @!p0 $0xFFFFFE70  }
.LBB2_1:
0x22: {  	p0 =	sge.u32 s12, s7  }
0x23: {  	s14 =	sxor.u32 @!p0 $0x1, s12  }
0x24: {  	s14 =	smul.u32 @!p0 $0x640, s14  }
0x25: {  	s31 =	sadd.s32 $0xFFFFFFFF, s12;
	s15 =	sshrl.u32 @!p0 s11, $0x3  }
0x26: {  	s16 =	sand.u32 @!p0 $0x7, s11;
	s15 =	sadd.s32 @!p0 s3, s15;
	s14 =	sshra.s32 @!p0 s14, $0x2  }
0x27: {  	[tilespmem:s14], [sflag:$0x2] =	stream.linear.gather @!p0 [hbm4b:s15+s16], $0x190, $0x38;
	[tilespmem:$0x640] =	vst v63  }
0x28: {  	p0 =	sge.u32 s31, s7  }
.Ltmp2:
0x29: {  	_ = 	snop;
	(pc) =	sbr.rel @p0 .LBB2_5-.Ltmp2, $1  }
0x2a: {  	_ =	sdelay $0x3  }
0x2b: {  	s14 =	sand.u32 $0x1, s12  }
0x2c: {  	_ =	swait.ge [sflag:s6], $0x190;
	p0 =	seq.s32 s14, $0x1;
	s14 =	simm.s32 $0x190  }
0x2d: {  	[sflag:s6] =	ssyncset.done $0x0;
	s14 =	simm.s32 @!p0 $0x0  }
0x2e: {  	[sflag:s6] =	ssyncadd.s32 $0xFFFFFE70;
	(ifvalue) =	ssetifvalue $0x7FFFFFFF;
	v0 =	vld.msk [tilespmem:s14+$0x0 ss:$0x1], $0xffff;
	_ =	sdelay $0x4  }
0x2f: {  	s15 =	sadd.s32 $0x10, s14;
	vm1 =	vgt.s32 v0, $0x0  }
0x30: {  	v2 =	vld.msk [tilespmem:s15+$0x0 ss:$0x1], $0xffff;
	v1 =	vnsel vm1, $0x0, v0  }
0x31: {  	v1 =	vmin.u32 v1, $0x4E1F;
	_ =	sdelay $0x2  }
0x32: {  	s17 =	simm.s32 $0x20;
	s14 =	sadd.s32 $0x320, s14;
	s16 =	sadd.s32 $0x10, s15  }
0x33: {  	s15 =	sadd.s32 $0x10, s14;
	s18 =	smov.u32 s14;
	v0 =	vld.msk [tilespmem:s16+$0x0 ss:$0x1], $0xffff;
	vm1 =	vgt.s32 v2, $0x0;
	(ifvalue) =	ssetifvalue $0x7FFFFFFF  }
.LBB2_3:
0x34: {  	[tilespmem:s18], [sflag:$0x1] =	stream.indirect_vreg.gather [hbm4b:s2+s10], $0x1, v1, vm0, $0x4038;
	[tilespmem:$0x640] =	vst v63  }
0x35: {  	s17 =	sadd.s32 $0x10, s17  }
0x36: {  	v2 =	vnsel vm1, $0x0, v2;
	p0 =	slt.u32 s17, $0x180  }
.Ltmp3:
0x37: {  	s18 =	smov.u32 s15;
	v1 =	vmin.u32 v2, $0x4E1F;
	(pc) =	sbr.rel @p0 .LBB2_3-.Ltmp3, $3  }
0x38: {  	_ =	sdelay $0x1  }
0x39: {  	s16 =	sadd.s32 $0x10, s16  }
0x3a: {  	vm1 =	vgt.s32 v0, $0x0;
	s15 =	sadd.s32 $0x10, s15;
	v2 =	vmov v0;
	(ifvalue) =	ssetifvalue $0x7FFFFFFF;
	v0 =	vld.msk [tilespmem:s16+$0x0 ss:$0x1], $0xffff  }
.Ltmp4:
0x3b: {  	_ = 	snop;
	(pc) =	sbr.rel .LBB2_4-.Ltmp4, $1  }
0x3c: {  	_ =	sdelay $0x3  }
.LBB2_6:
0x3d: {  	_ =	sfence.sel $0x180000  }
0x3e: {  	s2 =	simm.s32 $0x2;
	[bflag:$0x0] =	sbarrier.arrive $0xFFFF  }
0x3f: {  	s30 =	simm.s32 $0x3;
	[sflag:s2] =	ssyncpa.u1 $0x1  }
0x40: {  	s31 =	simm.s32 $0x1;
	[sflag:s30] =	ssyncpa.u1 $0x1  }
0x41: {  	[sflag:s31] =	ssyncpa.u1 $0x1  }
0x42: {  	p0 =	sne.s32 s1, $0x0;
	_ =	strace $0x9000004A  }
0x43: {  	s0 =	sadd.s32 @!p0 $0x100000, s0;
	[bflag:$0x2] =	sbarrier.arrive $0xFFFF  }
0x44: {  	[sflag:s0] =	ssyncadd.tile.s32 @!p0 $0x1;
	_ =	shalt  }
.Lfunc_end2:
_tile_overlayer_lowered:
.L_overlay_start_2:
0x45: {  	(tag) =	ssettag $0x2  }
0x46: {  	s0 =	rddreg [dreg:$0x0];
	s2 =	stileid.u32  }
0x47: {  	s1 =	rddreg [dreg:$0x1];
	p0 =	sne.s32 s2, $0x0  }
0x48: {  	s3 =	rddreg [dreg:$0x2];
	[bflag:$0x3] =	sbarrier.arrive $0xFFFF;
	s2 =	simm.s32 @!p0 $0x1C01  }
0x49: {  	[timem:s3], [sflag:s2] =	dma.local @!p0 [hbm:s0], s1  }
0x4a: {  	s0 =	simm.s32 @!p0 $0x1  }
0x4b: {  	_ =	swait.ge @!p0 [sflag:s0], s1  }
0x4c: {  	s1 =	ssub.s32 @!p0 $0x0, s1;
	[sflag:s0] =	ssyncset.done @!p0 $0x0  }
0x4d: {  	[sflag:s0] =	ssyncadd.s32 @!p0 s1  }
0x4e: {  	[bflag:$0x3] =	sbarrier.arrive $0xFFFF  }
0x4f: {  	_ =	shalt  }

// kernel: gather_offload_async_start
scs
__scs_entry_jumppad:
0x0: {  	(pc) =	sbr.rel $0x88, $3  }
0x1: {  	(tag) =	ssettag $0x0;
	lr =	simm.s32 $0x1  }
0x2: {  	[smem:$0x3F9E] =	sst lr;
	_ =	strace $0xD0000000  }
0x3: {  	_ = 	snop  }
0x4: {  	_ = 	snop  }
0x5: {  	_ = 	snop  }
0x6: {  	_ = 	snop  }
0x7: {  	_ = 	snop  }
__scs_overlays_trampoline_lowered:
0x8: {  	[smem:$0x3FAD] =	sst s0  }
0x9: {  	[smem:$0x3FAE] =	sst s1  }
0xa: {  	[smem:$0x3FAF] =	sst s2  }
0xb: {  	[smem:$0x3FB0] =	sst s3  }
0xc: {  	[smem:$0x3FB1] =	sst s4  }
0xd: {  	[smem:$0x3FB2] =	sst s5  }
0xe: {  	[smem:$0x3FB3] =	sst s6  }
0xf: {  	[smem:$0x3FB4] =	sst s7  }
0x10: {  	[smem:$0x3FB5] =	sst s8  }
0x11: {  	[smem:$0x3FB6] =	sst s9;
	s0 =	simm.s32 @!p0 $0x0  }
0x12: {  	s1 =	sld [smem:$0x3F9C];
	s0 =	simm.s32 @p0 $0x1  }
0x13: {  	[smem:$0x3FB7] =	sst s0;
	s0 =	simm.s32 @!p1 $0x0  }
0x14: {  	s2 =	sld [smem:$0x3F9B];
	s0 =	simm.s32 @p1 $0x1  }
0x15: {  	[smem:$0x3FB8] =	sst s0;
	s0 =	simm.s32 @!p2 $0x0  }
0x16: {  	s3 =	sld [smem:$0x3FDB];
	s0 =	simm.s32 @p2 $0x1  }
0x17: {  	s4 =	simm.s32 $0x1BF5;
	[smem:$0x3FBA] =	sst s0  }
0x18: {  	s0 =	sld [smem:$0x3F9D];
	_ =	swait.ge [sflag:s4], $0x0  }
0x19: {  	s7 =	sld [smem:$0x3F9E]  }
0x1a: {  	s8 =	sadd.s32 $0xFFFFE003, lr  }
0x1b: {  	s9 =	sadd.s32 $0xFFFFFEF7, lr;
	s5 =	simm.s32 $0xFFFFFFFF;
	p2 =	slt.u32 s8, $0xFFFFF086  }
0x1c: {  	p1 =	slt.u32 s9, $0xF7A;
	s5 =	simm.s32 @!p2 $0x0  }
0x1d: {  	s5 =	simm.s32 @p1 $0x1;
	p0 =	seq.s32 s7, s2  }
0x1e: {  	s7 =	smul.u32 @!p0 $0xF7A, s2;
	p2 =	seq.s32 @!p0 s5, $0x0  }
0x1f: {  	s9 =	smul.u32 $0xF7A, s1;
	s8 =	simm.s32 @!p0 $0x1BF5;
	p2 =	por !p2, p0  }
0x20: {  	[sflag:s8] =	ssyncset.s32 @!p0 $0xFFFFF086;
	s6 =	sadd.s32 @!p0 s3, s7;
	s7 =	simm.s32 @!p0 $0x108  }
0x21: {  	s3 =	sadd.s32 s3, s9;
	s6 =	sadd.s32 @!p0 $0x88, s6;
	s7 =	simm.s32 @p2 $0x1082  }
0x22: {  	[simem:s7], [sflag:s8] =	dma.local @!p0 [hbm:s6], $0xF7A  }
0x23: {  	s9 =	sor.u32 $0xD0000000, s2;
	s6 =	simm.s32 $0x108;
	_ =	swait.ge @!p0 [sflag:s8], $0x0  }
0x24: {  	s3 =	sadd.s32 $0x88, s3;
	s6 =	simm.s32 @!p1 $0x1082;
	[sflag:s4] =	ssyncset.s32 $0xFFFFF086  }
0x25: {  	[simem:s6], [sflag:s4] =	dma.local [hbm:s3], $0xF7A  }
0x26: {  	[smem:$0x3F9E] =	sst s1;
	(tag) =	ssettag s2;
	_ =	strace s9  }
0x27: {  	s1 =	sld [smem:$0x3FAE]  }
0x28: {  	s2 =	sld [smem:$0x3FAF]  }
0x29: {  	s4 =	sld [smem:$0x3FB1]  }
0x2a: {  	p0 =	seq.s32 s5, $0x0;
	s5 =	sld [smem:$0x3FB2]  }
0x2b: {  	s6 =	sld [smem:$0x3FB3]  }
0x2c: {  	s7 =	sld [smem:$0x3FB4]  }
0x2d: {  	s3 =	simm.s32 $0x108;
	s8 =	sld [smem:$0x3FB5]  }
0x2e: {  	s3 =	simm.s32 @!p0 $0x1082;
	s9 =	sld [smem:$0x3FB6]  }
0x2f: {  	lr =	sadd.s32 s0, s3;
	s0 =	sld [smem:$0x3FAD]  }
0x30: {  	s3 =	sld [smem:$0x3FB0]  }
0x31: {  	[smem:$0x3FB9] =	sst s10  }
0x32: {  	s10 =	sld [smem:$0x3FB7];
	_ =	sdelay $0x3  }
0x33: {  	p0 =	seq.s32 s10, $0x1;
	s10 =	sld [smem:$0x3FB9];
	_ =	sdelay $0x3  }
0x34: {  	[smem:$0x3FB9] =	sst s10  }
0x35: {  	s10 =	sld [smem:$0x3FB8];
	_ =	sdelay $0x3  }
0x36: {  	p1 =	seq.s32 s10, $0x1;
	s10 =	sld [smem:$0x3FB9];
	_ =	sdelay $0x3  }
0x37: {  	[smem:$0x3FB9] =	sst s10  }
0x38: {  	s10 =	sld [smem:$0x3FBA]  }
0x39: {  	_ = 	snop;
	(pc) =	sbr.ind lr, $3  }
0x3a: {  	_ = 	snop  }
0x3b: {  	_ = 	snop  }
0x3c: {  	p2 =	seq.s32 s10, $0x1;
	s10 =	sld [smem:$0x3FB9]  }
0x3d: {  	_ =	shalt  }
0x3e: {  	_ =	shalt  }
0x3f: {  	_ =	shalt  }
0x40: {  	_ =	shalt  }
0x41: {  	_ =	shalt  }
0x42: {  	_ =	shalt  }
0x43: {  	_ =	shalt  }
0x44: {  	_ =	shalt  }
0x45: {  	_ =	shalt  }
0x46: {  	_ =	shalt  }
0x47: {  	_ =	shalt  }
0x48: {  	_ =	shalt  }
0x49: {  	_ =	shalt  }
0x4a: {  	_ =	shalt  }
0x4b: {  	_ =	shalt  }
0x4c: {  	_ =	shalt  }
0x4d: {  	_ =	shalt  }
0x4e: {  	_ =	shalt  }
0x4f: {  	_ =	shalt  }
0x50: {  	_ =	shalt  }
0x51: {  	_ =	shalt  }
0x52: {  	_ =	shalt  }
0x53: {  	_ =	shalt  }
0x54: {  	_ =	shalt  }
0x55: {  	_ =	shalt  }
0x56: {  	_ =	shalt  }
0x57: {  	_ =	shalt  }
0x58: {  	_ =	shalt  }
0x59: {  	_ =	shalt  }
0x5a: {  	_ =	shalt  }
0x5b: {  	_ =	shalt  }
0x5c: {  	_ =	shalt  }
0x5d: {  	_ =	shalt  }
0x5e: {  	_ =	shalt  }
0x5f: {  	_ =	shalt  }
0x60: {  	_ =	shalt  }
0x61: {  	_ =	shalt  }
0x62: {  	_ =	shalt  }
0x63: {  	_ =	shalt  }
0x64: {  	_ =	shalt  }
0x65: {  	_ =	shalt  }
0x66: {  	_ =	shalt  }
0x67: {  	_ =	shalt  }
0x68: {  	_ =	shalt  }
0x69: {  	_ =	shalt  }
0x6a: {  	_ =	shalt  }
0x6b: {  	_ =	shalt  }
0x6c: {  	_ =	shalt  }
0x6d: {  	_ =	shalt  }
0x6e: {  	_ =	shalt  }
0x6f: {  	_ =	shalt  }
0x70: {  	_ =	shalt  }
0x71: {  	_ =	shalt  }
0x72: {  	_ =	shalt  }
0x73: {  	_ =	shalt  }
0x74: {  	_ =	shalt  }
0x75: {  	_ =	shalt  }
0x76: {  	_ =	shalt  }
0x77: {  	_ =	shalt  }
0x78: {  	_ =	shalt  }
0x79: {  	_ =	shalt  }
0x7a: {  	_ =	shalt  }
0x7b: {  	_ =	shalt  }
0x7c: {  	_ =	shalt  }
0x7d: {  	_ =	shalt  }
0x7e: {  	_ =	shalt  }
0x7f: {  	_ =	shalt  }
0x80: {  	_ =	shalt  }
0x81: {  	_ =	shalt  }
0x82: {  	_ =	shalt  }
0x83: {  	_ =	shalt  }
0x84: {  	_ =	shalt  }
0x85: {  	_ =	shalt  }
0x86: {  	_ =	shalt  }
0x87: {  	_ =	shalt  }
.Lfunc_end0:
.L_simem_size_0:
called_computation_lowered:
.L_overlay_start_0:
0x88: {  	s2 =	sld [smem:$0x3FD9]  }
0x89: {  	s3 =	sld [smem:$0x3FFE];
	_ =	sdelay $0x1  }
0x8a: {  	s1 =	srdreg.scid  }
0x8b: {  	s0 =	sand.u32 $0x1, s1  }
0x8c: {  	s17 =	sshll.u32 s0, $0xA;
	s2 =	sadd.s32 s3, s2  }
0x8d: {  	s2 =	sadd.s32 s2, s17  }
0x8e: {  	[smem:$0x3FC5] =	sst s2  }
0x8f: {  	_ = 	snop  }
0x90: {  	s18 =	sld [smem:$0x3FD0];
	(tm) =	ssettm $0x1  }
0x91: {  	s19 =	sld [smem:$0x3FFB];
	_ =	sdelay $0x3  }
0x92: {  	_ =	strace s19  }
0x93: {  	s2 =	sld [smem:$0x3FFC];
	_ =	sdelay $0x3  }
0x94: {  	_ =	strace s2  }
0x95: {  	s2 =	sld [smem:$0x3FFD];
	_ =	sdelay $0x3  }
0x96: {  	_ =	strace s2  }
0x97: {  	_ =	strace $0x8FFFFFFF  }
0x98: {  	s20 =	sld [smem:$0x3FDB];
	_ =	sdelay $0x1  }
0x99: {  	s4 =	simm.s32 $_scs_section_size  }
0x9a: {  	s5 =	simm.s32 $_size__tile_overlayer_lowered;
	s6 =	simm.s32 $_tile_overlayer_lowered  }
0x9b: {  	s7 =	simm.s32 $0x1BFF;
	s21 =	sshll.u32 s6, $0x1;
	s4 =	sadd.s32 s4, s20  }
0x9c: {  	s22 =	simm.s32 $0x0;
	s5 =	sshll.u32 s5, $0x1;
	s6 =	sadd.s32 s21, s4  }
0x9d: {  	[timem:s22], [sflag:s7] =	dma.local [hbm:s6], s5  }
0x9e: {  	_ =	swait.ge [sflag:s7], s5  }
0x9f: {  	s5 =	ssub.s32 $0x0, s5;
	[sflag:s7] =	ssyncset.done $0x0  }
0xa0: {  	[sflag:s7] =	ssyncadd.s32 s5;
	_ =	sdelay $0x1  }
0xa1: {  	s23 =	simm.s32 $0x1B8B  }
0xa2: {  	_ =	swait.ge [sflag:s23], $0x1  }
0xa3: {  	[sflag:s23] =	ssyncset.done $0x0  }
0xa4: {  	[sflag:s23] =	ssyncadd.s32 $0xFFFFFFFF  }
0xa5: {  	s5 =	sld [smem:$0x0]  }
0xa6: {  	s6 =	sand.u32 $0xFFFFFFFE, s1  }
0xa7: {  	p0 =	sne.s32 s1, s6  }
0xa8: {  	s6 =	sshll.u32 @p0 s6, $0xE  }
0xa9: {  	s6 =	sadd.s32 @p0 $0x11B8D, s6;
	s7 =	sshll.u32 @p0 s5, $0x11  }
0xaa: {  	s6 =	sor.u32 @p0 s7, s6  }
0xab: {  	[sflag:s6] =	ssyncadd.remote.s32 @p0 $0x1;
	_ =	sdelay $0x1  }
0xac: {  	s6 =	simm.s32 @p0 $0x1B8D  }
0xad: {  	_ =	swait.eq @p0 [sflag:s6], $0x1  }
0xae: {  	[sflag:s6] =	ssyncadd.s32 @p0 $0xFFFFFFFF  }
0xaf: {  	s7 =	sshll.u32 @!p0 s1, $0xE  }
0xb0: {  	s7 =	sor.u32 @!p0 $0x4000, s7;
	s6 =	simm.s32 @!p0 $0x1B8D  }
0xb1: {  	s5 =	sshll.u32 @!p0 s5, $0x11;
	s7 =	sadd.s32 @!p0 $0x11B8D, s7;
	_ =	swait.eq @!p0 [sflag:s6], $0x1  }
0xb2: {  	s5 =	sor.u32 @!p0 s5, s7;
	[sflag:s6] =	ssyncadd.s32 @!p0 $0xFFFFFFFF  }
0xb3: {  	s25 =	simm.s32 $0x1B8E;
	s24 =	sld [smem:$0x3FFE];
	[sflag:s5] =	ssyncadd.remote.s32 @!p0 $0x1  }
0xb4: {  	s26 =	simm.s32 $execute0_lowered;
	[smem:$0x3FD2] =	sst s25  }
0xb5: {  	s6 =	sshll.u32 s26, $0x1;
	_ =	strace $0x8000004C;
	[dreg:$0x1] =	wrdreg $0xFFFFFFFF  }
0xb6: {  	s28 =	simm.s32 $_size_execute0_lowered;
	s4 =	sadd.s32 s4, s6;
	[dreg:$0x0] =	wrdreg $0x0  }
0xb7: {  	s6 =	sshll.u32 s28, $0x1;
	[dreg:$0x2] =	wrdreg s4  }
0xb8: {  	[dreg:$0x3] =	wrdreg s6  }
0xb9: {  	[dreg:$0x4] =	wrdreg $0xC0  }
0xba: {  	_ =	task [dreg:s22], $0x5FFFF  }
0xbb: {  	[dreg:$0x1] =	wrdreg $0xFFFFFFFF  }
0xbc: {  	[dreg:$0x0] =	wrdreg $0x60  }
0xbd: {  	[dreg:$0x2] =	wrdreg s24  }
0xbe: {  	[dreg:$0x3] =	wrdreg s18  }
0xbf: {  	[dreg:$0x4] =	wrdreg $0x9  }
0xc0: {  	_ =	task.clear_ibuf [dreg:s22], $0x5FFFF;
	_ =	strace $0x9000004C  }
0xc1: {  	s29 =	simm.s32 $0x9;
	_ =	strace $0x8000004E  }
0xc2: {  	_ =	swait.ge [sflag:s29], $0x1  }
0xc3: {  	[sflag:s29] =	ssyncadd.s32 $0xFFFFFFFF  }
0xc4: {  	_ =	strace $0x9000004E  }
0xc5: {  	_ =	sfence  }
0xc6: {  	s30 =	sld [smem:$0x0];
	_ =	sdelay $0x2  }
0xc7: {  	s31 =	sshll.u32 s1, $0xD;
	s1 =	sshrl.u32 s1, $0x2  }
0xc8: {  	s4 =	sand.u32 $0x4000, s31;
	s1 =	sadd.s32 s1, s30  }
0xc9: {  	s0 =	sor.u32 s4, s0;
	s1 =	sshll.u32 s1, $0x11  }
0xca: {  	s0 =	sor.u32 s1, s0  }
0xcb: {  	s0 =	sadd.s32 $0x8F2B, s0  }
0xcc: {  	[sflag:s0] =	ssyncadd.remote.s32 $0x1  }
0xcd: {  	_ =	sfence.sel $0xFFFF  }
0xce: {  	[dreg:$0x0] =	wrdreg $0xFFFFFFFF;
	(pc) =	sbr.abs _section_cstart, $3  }
0xcf: {  	[dreg:$0x1] =	wrdreg $0xFFFFFFFF  }
0xd0: {  	_ =	task.clear_ibuf [dreg:s22], $0x2FFFF;
	_ =	strace $0x9FFFFFFF  }
0xd1: {  	(tm) =	ssettm $0x7FFFFFFF  }
tec
execute0_lowered:
.L_overlay_start_1:
0x0: {  	(tag) =	ssettag $0x1  }
0x1: {  	s0 =	srdreg.scid  }
0x2: {  	s1 =	sshll.u32 s0, $0x4  }
0x3: {  	s0 =	stileid.u32;
	s1 =	sand.u32 $0x10, s1  }
0x4: {  	s2 =	sor.u32 s0, s1  }
0x5: {  	s1 =	smin.u32 s2, $0x12  }
0x6: {  	s1 =	sadd.s32 s2, s1  }
0x7: {  	p0 =	slt.u32 s2, $0x12;
	s2 =	simm.s32 $0x320;
	s1 =	smul.u32 $0x190, s1  }
0x8: {  	s2 =	simm.s32 @!p0 $0x190  }
0x9: {  	s2 =	sadd.s32 s2, s1  }
0xa: {  	s3 =	smin.u32 s2, $0x4E20  }
0xb: {  	s7 =	ssub.s32 s3, s1  }
0xc: {  	p0 =	sgt.s32 s7, $0x0  }
0xd: {  	s7 =	simm.s32 @!p0 $0x0  }
0xe: {  	s31 =	sand.u32 $0xFFF0, s7  }
0xf: {  	s2 =	sshrl.u32 s31, $0x4  }
0x10: {  	s9 =	rddreg [dreg:$0x0];
	s2 =	smul.u32 $0xA3E, s2  }
0x11: {  	s4 =	rddreg [dreg:$0x1];
	s6 =	simm.s32 $0x1  }
0x12: {  	s11 =	simm.s32 $0x3;
	s13 =	simm.s32 $0x0;
	s8 =	sshrl.u32 s2, $0x10  }
0x13: {  	s12 =	simm.s32 $0x0;
	s5 =	sadd.s32 $0x1200, s9;
	s10 =	smul.u32 $0x190, s8  }
.Ltmp0:
0x14: {  	s9 =	sadd.s32 $0x4F400, s9;
	s2 =	rddreg [dreg:$0x2];
	(pc) =	sbr.rel .LBB2_1-.Ltmp0, $4  }
0x15: {  	_ =	strace $0x8000004D;
	p0 =	sne.s32 s7, s10;
	s10 =	simm.s32 $0x1  }
0x16: {  	[sflag:s6] =	ssyncpa.u1 $0x0;
	s7 =	simm.s32 $0x2;
	s10 =	simm.s32 @!p0 $0x0  }
0x17: {  	[sflag:s7] =	ssyncpa.u1 $0x0;
	p0 =	por $0x0, $0x0;
	s8 =	sadd.s32 s8, s10  }
0x18: {  	vm0 =	vmmov $0xff;
	vm1 =	vcmask $0x3F20;
	[sflag:s11] =	ssyncpa.u1 $0x0;
	s11 =	smov.u32 s1;
	s10 =	sadd.s32 $0x1, s8  }
.LBB2_6:
0x19: {  	[hbm:s17] =	stream.linear.scatter [tilespmem:s14], [sflag:$0x3], $0x400, $0x38;
	[tilespmem:$0x19320] =	vst v63  }
.LBB2_7:
0x1a: {  	s13 =	sadd.s32 $0x190, s11  }
0x1b: {  	s15 =	smov.u32 s1;
	p2 =	slt.s32 s13, s3  }
0x1c: {  	s15 =	smov.u32 @p2 s13;
	p2 =	sne.s32 s12, s10  }
.Ltmp1:
0x1d: {  	p1 =	slt.u32 s12, $0x2;
	(pc) =	sbr.rel @!p2 .LBB2_8-.Ltmp1, $4  }
0x1e: {  	s14 =	simm.s32 @!p1 $0x3  }
0x1f: {  	s16 =	sadd.s32 $0x1, s12;
	_ =	swait.ge @!p1 [sflag:s14], $0xC800  }
0x20: {  	p0 =	por !p0, !p0;
	s13 =	smov.u32 s11;
	[sflag:s14] =	ssyncset.done @!p1 $0x0  }
0x21: {  	s12 =	smov.u32 s16;
	s11 =	smov.u32 s15;
	[sflag:s14] =	ssyncadd.s32 @!p1 $0xFFFF3800  }
.LBB2_1:
0x22: {  	p1 =	sge.u32 s12, s8  }
0x23: {  	s14 =	sxor.u32 @!p1 $0xFFFFFFFF, s12  }
0x24: {  	s14 =	sand.u32 @!p1 $0x1, s14  }
0x25: {  	s14 =	smul.u32 @!p1 $0x640, s14  }
0x26: {  	s31 =	sadd.s32 $0xFFFFFFFF, s12;
	s15 =	sshrl.u32 @!p1 s11, $0x3  }
0x27: {  	s16 =	sand.u32 @!p1 $0x7, s11;
	s15 =	sadd.s32 @!p1 s4, s15;
	s14 =	sshrl.u32 @!p1 s14, $0x2  }
0x28: {  	[tilespmem:s14], [sflag:$0x2] =	stream.linear.gather @!p1 [hbm4b:s15+s16], $0x190, $0x38;
	[tilespmem:$0x19320] =	vst v63  }
0x29: {  	p1 =	sge.u32 s31, s8  }
.Ltmp2:
0x2a: {  	_ = 	snop;
	(pc) =	sbr.rel @p1 .LBB2_7-.Ltmp2, $1  }
0x2b: {  	_ =	sdelay $0x3  }
0x2c: {  	s14 =	simm.s32 $0x1  }
0x2d: {  	s14 =	simm.s32 @!p0 $0x0  }
0x2e: {  	s15 =	smul.u32 $0x640, s14  }
0x2f: {  	_ =	swait.ge [sflag:s7], $0x190  }
0x30: {  	[sflag:s7] =	ssyncset.done $0x0;
	s16 =	sshrl.u32 s15, $0x2  }
0x31: {  	[sflag:s7] =	ssyncadd.s32 $0xFFFFFE70;
	s15 =	sadd.s32 $0x0, s16  }
0x32: {  	v0 =	vld.msk [tilespmem:s15+$0x0 ss:$0x1], $0xffff;
	_ =	sdelay $0x4  }
0x33: {  	vm2 =	vgt.s32 v0, $0x0  }
0x34: {  	v0 =	vnsel vm2, $0x0, v0  }
0x35: {  	v0 =	vmin.u32 v0, $0x4E1F  }
0x36: {  	v0 =	vshll.u32 v0, $0x4  }
0x37: {  	s14 =	smul.u32 $0x32000, s14;
	_ =	sdelay $0x1  }
0x38: {  	s14 =	sshrl.u32 s14, $0x2  }
0x39: {  	s14 =	sor.u32 $0x320, s14  }
0x3a: {  	[tilespmem:s14], [sflag:$0x1] =	stream.indirect_vreg.gather [hbm:s5], $0x80, v0, vm0, $0x38;
	[tilespmem:$0x19320] =	vst v63  }
0x3b: {  	s17 =	sadd.s32 $0x10, s16;
	s15 =	sadd.s32 $0x400, s14  }
0x3c: {  	[tilespmem:s15], [sflag:$0x1] =	stream.indirect_vreg.gather [hbm:s5], $0x80, v0, vm1, $0x38;
	[tilespmem:$0x19320] =	vst v63  }
0x3d: {  	s18 =	simm.s32 $0x80;
	v0 =	vld.msk [tilespmem:s17+$0x0 ss:$0x1], $0xffff;
	s17 =	smov.u32 s14  }
.LBB2_3:
0x3e: {  	p1 =	sne.s32 s18, $0x600;
	_ =	sdelay $0x4  }
0x3f: {  	vm2 =	vgt.s32 v0, $0x0  }
0x40: {  	v0 =	vnsel vm2, $0x0, v0  }
0x41: {  	v0 =	vmin.u32 v0, $0x4E1F  }
0x42: {  	v0 =	vshll.u32 v0, $0x4;
	_ =	sdelay $0x3  }
.Ltmp3:
0x43: {  	s19 =	sshra.s32 s18, $0x2;
	s17 =	sadd.s32 $0x800, s17;
	(pc) =	sbr.rel @p1 .LBB2_3-.Ltmp3, $4  }
0x44: {  	[tilespmem:s17], [sflag:$0x1] =	stream.indirect_vreg.gather [hbm:s5], $0x80, v0, vm0, $0x38;
	[tilespmem:$0x19320] =	vst v63  }
0x45: {  	s19 =	sadd.s32 s19, s16;
	s20 =	sadd.s32 $0x400, s17  }
0x46: {  	[tilespmem:s20], [sflag:$0x1] =	stream.indirect_vreg.gather [hbm:s5], $0x80, v0, vm1, $0x38;
	[tilespmem:$0x19320] =	vst v63  }
0x47: {  	s18 =	sadd.s32 $0x40, s18;
	v0 =	vld.msk [tilespmem:s19+$0x0 ss:$0x1], $0xffff  }
0x48: {  	_ =	sdelay $0x3  }
0x49: {  	vm2 =	vgt.s32 v0, $0x0  }
0x4a: {  	v0 =	vnsel vm2, $0x0, v0  }
0x4b: {  	v0 =	vmin.u32 v0, $0x4E1F  }
0x4c: {  	v0 =	vshll.u32 v0, $0x4;
	_ =	sdelay $0x3  }
0x4d: {  	s16 =	sadd.s32 $0x800, s17  }
0x4e: {  	[tilespmem:s16], [sflag:$0x1] =	stream.indirect_vreg.gather [hbm:s5], $0x80, v0, vm0, $0x38;
	[tilespmem:$0x19320] =	vst v63  }
0x4f: {  	s16 =	sadd.s32 $0x400, s16  }
0x50: {  	[tilespmem:s16], [sflag:$0x1] =	stream.indirect_vreg.gather [hbm:s5], $0x80, v0, vm1, $0x38;
	[tilespmem:$0x19320] =	vst v63  }
0x51: {  	s13 =	sshll.u32 s13, $0x4;
	_ =	swait.ge [sflag:s6], $0xC800  }
0x52: {  	s13 =	sadd.s32 s13, s9;
	[sflag:s6] =	ssyncset.done $0x0  }
0x53: {  	s17 =	sadd.s32 $0x0, s13;
	s16 =	simm.s32 $0x80;
	[sflag:s6] =	ssyncadd.s32 $0xFFFF3800  }
.LBB2_5:
0x54: {  	[hbm:s17] =	stream.linear.scatter [tilespmem:s14], [sflag:$0x3], $0x400, $0x38;
	[tilespmem:$0x19320] =	vst v63  }
0x55: {  	s17 =	smov.u32 s16;
	s14 =	smov.u32 s15;
	p1 =	sne.s32 s16, $0x1880  }
.Ltmp4:
0x56: {  	s16 =	sadd.s32 $0x80, s16;
	(pc) =	sbr.rel @p1 .LBB2_5-.Ltmp4, $2  }
0x57: {  	_ =	sdelay $0x2  }
0x58: {  	s15 =	sadd.s32 $0x400, s15;
	s17 =	sadd.s32 s17, s13  }
.Ltmp5:
0x59: {  	_ = 	snop;
	(pc) =	sbr.rel .LBB2_6-.Ltmp5, $1  }
0x5a: {  	_ =	sdelay $0x3  }
.LBB2_8:
0x5b: {  	_ =	sfence.sel $0x180000  }
0x5c: {  	s1 =	simm.s32 $0x2;
	[bflag:$0x0] =	sbarrier.arrive $0xFFFF  }
0x5d: {  	s30 =	simm.s32 $0x3;
	[sflag:s1] =	ssyncpa.u1 $0x1  }
0x5e: {  	s31 =	simm.s32 $0x1;
	[sflag:s30] =	ssyncpa.u1 $0x1  }
0x5f: {  	[sflag:s31] =	ssyncpa.u1 $0x1  }
0x60: {  	p0 =	sne.s32 s0, $0x0;
	_ =	strace $0x9000004D  }
0x61: {  	s0 =	sadd.s32 @!p0 $0x100000, s2;
	[bflag:$0x2] =	sbarrier.arrive $0xFFFF  }
0x62: {  	[sflag:s0] =	ssyncadd.tile.s32 @!p0 $0x1;
	_ =	shalt  }
.Lfunc_end2:
_tile_overlayer_lowered:
.L_overlay_start_2:
0x63: {  	(tag) =	ssettag $0x2  }
0x64: {  	s0 =	rddreg [dreg:$0x0];
	s2 =	stileid.u32  }
0x65: {  	s1 =	rddreg [dreg:$0x1];
	p0 =	sne.s32 s2, $0x0  }
0x66: {  	s3 =	rddreg [dreg:$0x2];
	[bflag:$0x3] =	sbarrier.arrive $0xFFFF;
	s2 =	simm.s32 @!p0 $0x1C01  }
0x67: {  	[timem:s3], [sflag:s2] =	dma.local @!p0 [hbm:s0], s1  }
0x68: {  	s0 =	simm.s32 @!p0 $0x1  }
0x69: {  	_ =	swait.ge @!p0 [sflag:s0], s1  }
0x6a: {  	s1 =	ssub.s32 @!p0 $0x0, s1;
	[sflag:s0] =	ssyncset.done @!p0 $0x0  }
0x6b: {  	[sflag:s0] =	ssyncadd.s32 @!p0 s1  }
0x6c: {  	[bflag:$0x3] =	sbarrier.arrive $0xFFFF  }
0x6d: {  	_ =	shalt  }

// kernel: kernel.3.cloned.1.call-start
scs
__scs_entry_jumppad:
0x0: {  	(pc) =	sbr.rel $0x88, $3  }
0x1: {  	(tag) =	ssettag $0x0;
	lr =	simm.s32 $0x1  }
0x2: {  	[smem:$0x3F9E] =	sst lr;
	_ =	strace $0xD0000000  }
0x3: {  	_ = 	snop  }
0x4: {  	_ = 	snop  }
0x5: {  	_ = 	snop  }
0x6: {  	_ = 	snop  }
0x7: {  	_ = 	snop  }
__scs_overlays_trampoline_lowered:
0x8: {  	[smem:$0x3FAD] =	sst s0  }
0x9: {  	[smem:$0x3FAE] =	sst s1  }
0xa: {  	[smem:$0x3FAF] =	sst s2  }
0xb: {  	[smem:$0x3FB0] =	sst s3  }
0xc: {  	[smem:$0x3FB1] =	sst s4  }
0xd: {  	[smem:$0x3FB2] =	sst s5  }
0xe: {  	[smem:$0x3FB3] =	sst s6  }
0xf: {  	[smem:$0x3FB4] =	sst s7  }
0x10: {  	[smem:$0x3FB5] =	sst s8  }
0x11: {  	[smem:$0x3FB6] =	sst s9;
	s0 =	simm.s32 @!p0 $0x0  }
0x12: {  	s1 =	sld [smem:$0x3F9C];
	s0 =	simm.s32 @p0 $0x1  }
0x13: {  	[smem:$0x3FB7] =	sst s0;
	s0 =	simm.s32 @!p1 $0x0  }
0x14: {  	s2 =	sld [smem:$0x3F9B];
	s0 =	simm.s32 @p1 $0x1  }
0x15: {  	[smem:$0x3FB8] =	sst s0;
	s0 =	simm.s32 @!p2 $0x0  }
0x16: {  	s3 =	sld [smem:$0x3FDB];
	s0 =	simm.s32 @p2 $0x1  }
0x17: {  	s4 =	simm.s32 $0x1BF5;
	[smem:$0x3FBA] =	sst s0  }
0x18: {  	s0 =	sld [smem:$0x3F9D];
	_ =	swait.ge [sflag:s4], $0x0  }
0x19: {  	s7 =	sld [smem:$0x3F9E]  }
0x1a: {  	s8 =	sadd.s32 $0xFFFFE003, lr  }
0x1b: {  	s9 =	sadd.s32 $0xFFFFFEF7, lr;
	s5 =	simm.s32 $0xFFFFFFFF;
	p2 =	slt.u32 s8, $0xFFFFF086  }
0x1c: {  	p1 =	slt.u32 s9, $0xF7A;
	s5 =	simm.s32 @!p2 $0x0  }
0x1d: {  	s5 =	simm.s32 @p1 $0x1;
	p0 =	seq.s32 s7, s2  }
0x1e: {  	s7 =	smul.u32 @!p0 $0xF7A, s2;
	p2 =	seq.s32 @!p0 s5, $0x0  }
0x1f: {  	s9 =	smul.u32 $0xF7A, s1;
	s8 =	simm.s32 @!p0 $0x1BF5;
	p2 =	por !p2, p0  }
0x20: {  	[sflag:s8] =	ssyncset.s32 @!p0 $0xFFFFF086;
	s6 =	sadd.s32 @!p0 s3, s7;
	s7 =	simm.s32 @!p0 $0x108  }
0x21: {  	s3 =	sadd.s32 s3, s9;
	s6 =	sadd.s32 @!p0 $0x88, s6;
	s7 =	simm.s32 @p2 $0x1082  }
0x22: {  	[simem:s7], [sflag:s8] =	dma.local @!p0 [hbm:s6], $0xF7A  }
0x23: {  	s9 =	sor.u32 $0xD0000000, s2;
	s6 =	simm.s32 $0x108;
	_ =	swait.ge @!p0 [sflag:s8], $0x0  }
0x24: {  	s3 =	sadd.s32 $0x88, s3;
	s6 =	simm.s32 @!p1 $0x1082;
	[sflag:s4] =	ssyncset.s32 $0xFFFFF086  }
0x25: {  	[simem:s6], [sflag:s4] =	dma.local [hbm:s3], $0xF7A  }
0x26: {  	[smem:$0x3F9E] =	sst s1;
	(tag) =	ssettag s2;
	_ =	strace s9  }
0x27: {  	s1 =	sld [smem:$0x3FAE]  }
0x28: {  	s2 =	sld [smem:$0x3FAF]  }
0x29: {  	s4 =	sld [smem:$0x3FB1]  }
0x2a: {  	p0 =	seq.s32 s5, $0x0;
	s5 =	sld [smem:$0x3FB2]  }
0x2b: {  	s6 =	sld [smem:$0x3FB3]  }
0x2c: {  	s7 =	sld [smem:$0x3FB4]  }
0x2d: {  	s3 =	simm.s32 $0x108;
	s8 =	sld [smem:$0x3FB5]  }
0x2e: {  	s3 =	simm.s32 @!p0 $0x1082;
	s9 =	sld [smem:$0x3FB6]  }
0x2f: {  	lr =	sadd.s32 s0, s3;
	s0 =	sld [smem:$0x3FAD]  }
0x30: {  	s3 =	sld [smem:$0x3FB0]  }
0x31: {  	[smem:$0x3FB9] =	sst s10  }
0x32: {  	s10 =	sld [smem:$0x3FB7];
	_ =	sdelay $0x3  }
0x33: {  	p0 =	seq.s32 s10, $0x1;
	s10 =	sld [smem:$0x3FB9];
	_ =	sdelay $0x3  }
0x34: {  	[smem:$0x3FB9] =	sst s10  }
0x35: {  	s10 =	sld [smem:$0x3FB8];
	_ =	sdelay $0x3  }
0x36: {  	p1 =	seq.s32 s10, $0x1;
	s10 =	sld [smem:$0x3FB9];
	_ =	sdelay $0x3  }
0x37: {  	[smem:$0x3FB9] =	sst s10  }
0x38: {  	s10 =	sld [smem:$0x3FBA]  }
0x39: {  	_ = 	snop;
	(pc) =	sbr.ind lr, $3  }
0x3a: {  	_ = 	snop  }
0x3b: {  	_ = 	snop  }
0x3c: {  	p2 =	seq.s32 s10, $0x1;
	s10 =	sld [smem:$0x3FB9]  }
0x3d: {  	_ =	shalt  }
0x3e: {  	_ =	shalt  }
0x3f: {  	_ =	shalt  }
0x40: {  	_ =	shalt  }
0x41: {  	_ =	shalt  }
0x42: {  	_ =	shalt  }
0x43: {  	_ =	shalt  }
0x44: {  	_ =	shalt  }
0x45: {  	_ =	shalt  }
0x46: {  	_ =	shalt  }
0x47: {  	_ =	shalt  }
0x48: {  	_ =	shalt  }
0x49: {  	_ =	shalt  }
0x4a: {  	_ =	shalt  }
0x4b: {  	_ =	shalt  }
0x4c: {  	_ =	shalt  }
0x4d: {  	_ =	shalt  }
0x4e: {  	_ =	shalt  }
0x4f: {  	_ =	shalt  }
0x50: {  	_ =	shalt  }
0x51: {  	_ =	shalt  }
0x52: {  	_ =	shalt  }
0x53: {  	_ =	shalt  }
0x54: {  	_ =	shalt  }
0x55: {  	_ =	shalt  }
0x56: {  	_ =	shalt  }
0x57: {  	_ =	shalt  }
0x58: {  	_ =	shalt  }
0x59: {  	_ =	shalt  }
0x5a: {  	_ =	shalt  }
0x5b: {  	_ =	shalt  }
0x5c: {  	_ =	shalt  }
0x5d: {  	_ =	shalt  }
0x5e: {  	_ =	shalt  }
0x5f: {  	_ =	shalt  }
0x60: {  	_ =	shalt  }
0x61: {  	_ =	shalt  }
0x62: {  	_ =	shalt  }
0x63: {  	_ =	shalt  }
0x64: {  	_ =	shalt  }
0x65: {  	_ =	shalt  }
0x66: {  	_ =	shalt  }
0x67: {  	_ =	shalt  }
0x68: {  	_ =	shalt  }
0x69: {  	_ =	shalt  }
0x6a: {  	_ =	shalt  }
0x6b: {  	_ =	shalt  }
0x6c: {  	_ =	shalt  }
0x6d: {  	_ =	shalt  }
0x6e: {  	_ =	shalt  }
0x6f: {  	_ =	shalt  }
0x70: {  	_ =	shalt  }
0x71: {  	_ =	shalt  }
0x72: {  	_ =	shalt  }
0x73: {  	_ =	shalt  }
0x74: {  	_ =	shalt  }
0x75: {  	_ =	shalt  }
0x76: {  	_ =	shalt  }
0x77: {  	_ =	shalt  }
0x78: {  	_ =	shalt  }
0x79: {  	_ =	shalt  }
0x7a: {  	_ =	shalt  }
0x7b: {  	_ =	shalt  }
0x7c: {  	_ =	shalt  }
0x7d: {  	_ =	shalt  }
0x7e: {  	_ =	shalt  }
0x7f: {  	_ =	shalt  }
0x80: {  	_ =	shalt  }
0x81: {  	_ =	shalt  }
0x82: {  	_ =	shalt  }
0x83: {  	_ =	shalt  }
0x84: {  	_ =	shalt  }
0x85: {  	_ =	shalt  }
0x86: {  	_ =	shalt  }
0x87: {  	_ =	shalt  }
.Lfunc_end0:
.L_simem_size_0:
called_computation.4_lowered:
.L_overlay_start_0:
0x88: {  	s2 =	sld [smem:$0x3FD9]  }
0x89: {  	s3 =	sld [smem:$0x3FFE];
	_ =	sdelay $0x1  }
0x8a: {  	s1 =	srdreg.scid  }
0x8b: {  	s0 =	sand.u32 $0x1, s1  }
0x8c: {  	s17 =	sshll.u32 s0, $0xA;
	s2 =	sadd.s32 s3, s2  }
0x8d: {  	s2 =	sadd.s32 s2, s17  }
0x8e: {  	[smem:$0x3FC5] =	sst s2  }
0x8f: {  	_ = 	snop  }
0x90: {  	(tm) =	ssettm $0x1  }
0x91: {  	s18 =	sld [smem:$0x3FFB];
	_ =	sdelay $0x3  }
0x92: {  	_ =	strace s18  }
0x93: {  	s2 =	sld [smem:$0x3FFC];
	_ =	sdelay $0x3  }
0x94: {  	_ =	strace s2  }
0x95: {  	s2 =	sld [smem:$0x3FFD];
	_ =	sdelay $0x3  }
0x96: {  	_ =	strace s2  }
0x97: {  	_ =	strace $0x8FFFFFFF  }
0x98: {  	s19 =	sld [smem:$0x3FDB];
	_ =	sdelay $0x1  }
0x99: {  	s20 =	simm.s32 $_scs_section_size  }
0x9a: {  	s4 =	simm.s32 $_size__tile_overlayer_lowered;
	s5 =	simm.s32 $_tile_overlayer_lowered  }
0x9b: {  	s6 =	simm.s32 $0x1BFF;
	s21 =	sshll.u32 s5, $0x1;
	s3 =	sadd.s32 s20, s19  }
0x9c: {  	s22 =	simm.s32 $0x0;
	s4 =	sshll.u32 s4, $0x1;
	s5 =	sadd.s32 s21, s3  }
0x9d: {  	[timem:s22], [sflag:s6] =	dma.local [hbm:s5], s4  }
0x9e: {  	_ =	swait.ge [sflag:s6], s4  }
0x9f: {  	s4 =	ssub.s32 $0x0, s4;
	[sflag:s6] =	ssyncset.done $0x0  }
0xa0: {  	[sflag:s6] =	ssyncadd.s32 s4;
	_ =	sdelay $0x1  }
0xa1: {  	s23 =	simm.s32 $0x1B8B  }
0xa2: {  	_ =	swait.ge [sflag:s23], $0x1  }
0xa3: {  	[sflag:s23] =	ssyncset.done $0x0  }
0xa4: {  	[sflag:s23] =	ssyncadd.s32 $0xFFFFFFFF  }
0xa5: {  	s4 =	sld [smem:$0x0]  }
0xa6: {  	s5 =	sand.u32 $0xFFFFFFFE, s1  }
0xa7: {  	p0 =	sne.s32 s1, s5  }
0xa8: {  	s5 =	sshll.u32 @p0 s5, $0xE  }
0xa9: {  	s5 =	sadd.s32 @p0 $0x11B8D, s5;
	s6 =	sshll.u32 @p0 s4, $0x11  }
0xaa: {  	s5 =	sor.u32 @p0 s6, s5  }
0xab: {  	[sflag:s5] =	ssyncadd.remote.s32 @p0 $0x1;
	_ =	sdelay $0x1  }
0xac: {  	s5 =	simm.s32 @p0 $0x1B8D  }
0xad: {  	_ =	swait.eq @p0 [sflag:s5], $0x1  }
0xae: {  	[sflag:s5] =	ssyncadd.s32 @p0 $0xFFFFFFFF  }
0xaf: {  	s6 =	sshll.u32 @!p0 s1, $0xE  }
0xb0: {  	s6 =	sor.u32 @!p0 $0x4000, s6;
	s5 =	simm.s32 @!p0 $0x1B8D  }
0xb1: {  	s4 =	sshll.u32 @!p0 s4, $0x11;
	s6 =	sadd.s32 @!p0 $0x11B8D, s6;
	_ =	swait.eq @!p0 [sflag:s5], $0x1  }
0xb2: {  	s4 =	sor.u32 @!p0 s4, s6;
	[sflag:s5] =	ssyncadd.s32 @!p0 $0xFFFFFFFF  }
0xb3: {  	s25 =	simm.s32 $0x1B8E;
	s24 =	sld [smem:$0x3FFE];
	[sflag:s4] =	ssyncadd.remote.s32 @!p0 $0x1  }
0xb4: {  	s26 =	simm.s32 $execute0_lowered;
	[smem:$0x3FD2] =	sst s25  }
0xb5: {  	s5 =	sshll.u32 s26, $0x1;
	_ =	strace $0x80000052;
	[dreg:$0x1] =	wrdreg $0xFFFFFFFF  }
0xb6: {  	s28 =	simm.s32 $_size_execute0_lowered;
	s3 =	sadd.s32 s3, s5;
	[dreg:$0x0] =	wrdreg $0x0  }
0xb7: {  	s5 =	sshll.u32 s28, $0x1;
	[dreg:$0x2] =	wrdreg s3  }
0xb8: {  	[dreg:$0x3] =	wrdreg s5  }
0xb9: {  	[dreg:$0x4] =	wrdreg $0xC0  }
0xba: {  	_ =	task [dreg:s22], $0x5FFFF  }
0xbb: {  	[dreg:$0x1] =	wrdreg $0xFFFFFFFF  }
0xbc: {  	[dreg:$0x0] =	wrdreg $0x60  }
0xbd: {  	[dreg:$0x2] =	wrdreg s24  }
0xbe: {  	[dreg:$0x3] =	wrdreg $0xA  }
0xbf: {  	_ =	task.clear_ibuf [dreg:s22], $0x4FFFF;
	_ =	strace $0x90000052  }
0xc0: {  	s29 =	simm.s32 $0xA;
	_ =	strace $0x80000054  }
0xc1: {  	_ =	swait.ge [sflag:s29], $0x1  }
0xc2: {  	[sflag:s29] =	ssyncadd.s32 $0xFFFFFFFF  }
0xc3: {  	_ =	strace $0x90000054  }
0xc4: {  	_ =	sfence  }
0xc5: {  	s30 =	sld [smem:$0x0];
	_ =	sdelay $0x2  }
0xc6: {  	s31 =	sshll.u32 s1, $0xD;
	s1 =	sshrl.u32 s1, $0x2  }
0xc7: {  	s4 =	sand.u32 $0x4000, s31;
	s1 =	sadd.s32 s1, s30  }
0xc8: {  	s0 =	sor.u32 s4, s0;
	s1 =	sshll.u32 s1, $0x11  }
0xc9: {  	s0 =	sor.u32 s1, s0  }
0xca: {  	s0 =	sadd.s32 $0x8F2B, s0  }
0xcb: {  	[sflag:s0] =	ssyncadd.remote.s32 $0x1  }
0xcc: {  	_ =	sfence.sel $0xFFFF  }
0xcd: {  	[dreg:$0x0] =	wrdreg $0xFFFFFFFF;
	(pc) =	sbr.abs _section_cstart, $3  }
0xce: {  	[dreg:$0x1] =	wrdreg $0xFFFFFFFF  }
0xcf: {  	_ =	task.clear_ibuf [dreg:s22], $0x2FFFF;
	_ =	strace $0x9FFFFFFF  }
0xd0: {  	(tm) =	ssettm $0x7FFFFFFF  }
0xd1: {  	_ =	shalt  }
tec
execute0_lowered:
.L_overlay_start_1:
0x0: {  	(tag) =	ssettag $0x1  }
0x1: {  	s0 =	rddreg [dreg:$0x0]  }
0x2: {  	s4 =	simm.s32 $0x0;
	s29 =	srdreg.scid;
	s8 =	stileid.u32  }
0x3: {  	s10 =	simm.s32 $0x2;
	s11 =	simm.s32 $0x800;
	s12 =	simm.s32 $0x1  }
0x4: {  	s13 =	simm.s32 $0x80;
	s14 =	simm.s32 $0x5700;
	s15 =	simm.s32 $0x5780  }
0x5: {  	s16 =	simm.s32 $0x5800;
	s17 =	simm.s32 $0x5880;
	s18 =	simm.s32 $0x5900  }
0x6: {  	s19 =	simm.s32 $0x5A00;
	s20 =	simm.s32 $0xA880;
	s21 =	simm.s32 $0xF700  }
0x7: {  	[smem:$0x7FF] =	sst s4;
	s1 =	sadd.s32 $0x800, s0;
	s2 =	sadd.s32 $0x1200, s0  }
0x8: {  	_ =	strace $0x80000053;
	[dreg:$0x3] =	wrdreg s1;
	s1 =	sand.u32 $0x1, s29  }
.Ltmp0:
0x9: {  	s5 =	sadd.s32 $0x1C00, s0;
	s30 =	ssub.s32 $0x2, s1;
	(pc) =	sbr.rel .LBB2_1-.Ltmp0, $4  }
0xa: {  	s6 =	sadd.s32 $0x3000, s0;
	s7 =	sadd.s32 $0x9D600, s0;
	s3 =	sshrl.u32 s30, $0x1  }
0xb: {  	s9 =	sshll.u32 s8, $0x1;
	s8 =	sadd.s32 $0x3A00, s0;
	s31 =	ssub.s32 s30, s3  }
0xc: {  	v1 =	vlaneseq.u32;
	v2 =	vimm.s32 $0x0;
	v3 =	vimm.s32 $0x4E20;
	[dreg:$0x4] =	wrdreg s2;
	s1 =	sor.u32 s1, s9;
	s0 =	smax.u32 s31, $0x1  }
0xd: {  	v4 =	vimm.f32 $0.0e+00;
	s22 =	simm.s32 $0x14580;
	v5 =	vimm.f32 $1.000000000e+00;
	s23 =	simm.s32 $0x5980;
	v0 =	vmov s1;
	[dreg:$0x5] =	wrdreg s0  }
.LBB2_30:
0xe: {  	s4 =	rddreg [dreg:$0x2]  }
0xf: {  	s0 =	rddreg [dreg:$0x5];
	s4 =	sadd.s32 $0x1, s4  }
0x10: {  	p0 =	sne.s32 s4, s0  }
.Ltmp1:
0x11: {  	_ = 	snop;
	(pc) =	sbr.rel @!p0 .LBB2_31-.Ltmp1, $1  }
0x12: {  	_ =	sdelay $0x3  }
.LBB2_1:
0x13: {  	[dreg:$0x2] =	wrdreg s4  }
0x14: {  	s25 =	simm.s32 $0x0;
	s24 =	simm.s32 $0x0;
	s26 =	simm.s32 $0x0  }
.LBB2_2:
0x15: {  	s0 =	smul.u32 $0x7D0, s26;
	_ =	sdelay $0x1  }
0x16: {  	s0 =	sshrl.u32 s0, $0x3  }
0x17: {  	s1 =	simm.s32 $0x0;
	s0 =	sadd.s32 s7, s0  }
0x18: {  	[tilespmem:s1], [sflag:$0x2] =	stream.linear.gather [hbm4b:s0+s1], $0x7D0, $0x38;
	[tilespmem:$0x19400] =	vst v63  }
0x19: {  	_ =	swait.ge [sflag:s10], $0x7D0  }
0x1a: {  	[sflag:s10] =	ssyncset.done $0x0  }
0x1b: {  	s30 =	simm.s32 $0x0;
	[sflag:s10] =	ssyncadd.s32 $0xFFFFF830  }
0x1c: {  	v6 =	vld [tilespmem:s30+$0x0];
	_ =	sdelay $0x4  }
0x1d: {  	vm0 =	veq.s32 v6, v0  }
0x1e: {  	v6 =	vmpcnt.ones.xlane vm0;
	_ =	sdelay $0x1  }
0x1f: {  	(v2sf) =	vpush v6, $0x0;
	v6 =	vsel vm0, $0x1, v2  }
0x20: {  	(xrf0) =	vadd.scan.msk.s32 $0xffff, v6;
	_ =	sdelay $0x2  }
0x21: {  	v6 =	vmov s24  }
0x22: {  	v6 =	vadd.s32 $0xFFFFFFFF, v6  }
0x23: {  	v6 =	vbroadcast v6, $0x0  }
0x24: {  	v7, _, _ =	vpop (xrf0)  }
0x25: {  	v6 =	vadd.s32 v7, v6;
	_ =	sdelay $0x3  }
0x26: {  	v7 =	vor.u32 s25, v1  }
0x27: {  	s31 =	simm.s32 $0x10;
	[tilespmem:v6+s11+$0x0] =	vst.idx.msk vm0, v7  }
0x28: {  	v6 =	vld [tilespmem:s31+$0x0];
	_ =	sdelay $0x1  }
0x29: {  	s2 =	simm.s32 $0x80;
	s0 =	smov.u32 s25;
	s1 =	spop (v2sf)  }
.LBB2_3:
0x2a: {  	s24 =	sadd.s32 s24, s1  }
0x2b: {  	s0 =	sadd.s32 $0x10, s0;
	s1 =	smov.u32 s2;
	s3 =	sadd.s32 $0x40, s2  }
0x2c: {  	p0 =	sne.s32 s2, $0x1F00;
	vm0 =	veq.s32 v6, v0;
	v6 =	vmov s24  }
0x2d: {  	v7 =	vsel vm0, $0x1, v2;
	v6 =	vadd.s32 $0xFFFFFFFF, v6;
	v8 =	vmpcnt.ones.xlane vm0  }
0x2e: {  	(xrf0) =	vadd.scan.msk.s32 $0xffff, v7  }
0x2f: {  	(v2sf) =	vpush v8, $0x0;
	_ =	sdelay $0x3  }
0x30: {  	v6 =	vbroadcast v6, $0x0  }
0x31: {  	v7, _, _ =	vpop (xrf0)  }
0x32: {  	v6 =	vadd.s32 v7, v6;
	_ =	sdelay $0x3  }
0x33: {  	v7 =	vor.u32 s0, v1  }
.Ltmp2:
0x34: {  	s1 =	sshra.s32 s1, $0x2;
	[tilespmem:v6+s11+$0x0] =	vst.idx.msk vm0, v7;
	(pc) =	sbr.rel @p0 .LBB2_3-.Ltmp2, $2  }
0x35: {  	v6 =	vld [tilespmem:s1+$0x0];
	_ =	sdelay $0x2  }
0x36: {  	s2 =	smov.u32 s3;
	s1 =	spop (v2sf)  }
0x37: {  	_ = 	snop  }
0x38: {  	vm0 =	veq.s32 v6, v0  }
0x39: {  	v6 =	vmpcnt.ones.xlane vm0;
	_ =	sdelay $0x1  }
0x3a: {  	(v2sf) =	vpush v6, $0x0;
	_ =	sdelay $0x2  }
0x3b: {  	v6 =	vsel vm0, $0x1, v2  }
0x3c: {  	(xrf0) =	vadd.scan.msk.s32 $0xffff, v6;
	_ =	sdelay $0x1  }
0x3d: {  	s1 =	sadd.s32 s24, s1  }
0x3e: {  	v6 =	vmov s1  }
0x3f: {  	v6 =	vadd.s32 $0xFFFFFFFF, v6  }
0x40: {  	v6 =	vbroadcast v6, $0x0  }
0x41: {  	s26 =	sadd.s32 $0x1, s26;
	v7, _, _ =	vpop (xrf0)  }
0x42: {  	p0 =	sne.s32 s26, $0xA;
	v6 =	vadd.s32 v7, v6  }
.Ltmp3:
0x43: {  	_ = 	snop;
	(pc) =	sbr.rel @p0 .LBB2_2-.Ltmp3, $4  }
0x44: {  	_ = 	snop  }
0x45: {  	s0 =	sadd.s32 $0x10, s0  }
0x46: {  	v7 =	vor.u32 s0, v1;
	s31 =	spop (v2sf)  }
0x47: {  	s25 =	sadd.s32 $0x7D0, s25;
	[tilespmem:v6+s11+$0x0] =	vst.idx.msk vm0, v7;
	s24 =	sadd.s32 s1, s31  }
0x48: {  	s0 =	sadd.s32 $0x7F, s24  }
0x49: {  	s1 =	sand.u32 $0x7F, s0  }
0x4a: {  	s2 =	sshra.s32 s0, $0x1F;
	p0 =	slt.s32 s0, $0x1;
	p1 =	sne.s32 s1, $0x0  }
0x4b: {  	s31 =	sshrl.u32 s2, $0x19;
	p0 =	por !p0, !p1  }
0x4c: {  	s1 =	simm.s32 $0x1;
	s0 =	sadd.s32 s31, s0;
	p0 =	por !p0, !p0  }
0x4d: {  	[tilespmem:s24+$0x800] =	vst v3;
	s0 =	sshra.s32 s0, $0x7;
	s1 =	simm.s32 @!p0 $0x0  }
0x4e: {  	[tilespmem:s24+$0x810] =	vst v3;
	s25 =	ssub.s32 s0, s1  }
0x4f: {  	[tilespmem:s24+$0x820] =	vst v3;
	p0 =	slt.s32 s25, $0x1  }
.Ltmp4:
0x50: {  	[tilespmem:s24+$0x830] =	vst v3;
	(pc) =	sbr.rel @!p0 .LBB2_6-.Ltmp4, $4  }
.Ltmp5:
0x51: {  	[tilespmem:s24+$0x840] =	vst v3;
	(pc) =	sbr.rel @p0 .LBB2_30-.Ltmp5, $4  }
0x52: {  	[tilespmem:s24+$0x850] =	vst v3  }
0x53: {  	[tilespmem:s24+$0x860] =	vst v3  }
0x54: {  	[tilespmem:s24+$0x870] =	vst v3;
	s26 =	simm.s32 $0x0;
	s28 =	smov.u32 s24;
	s29 =	simm.s32 $0x0  }
0x55: {  	_ = 	snop  }
.LBB2_29:
0x56: {  	s29 =	sadd.s32 $0x1, s29  }
0x57: {  	p0 =	sne.s32 s29, s25  }
.Ltmp6:
0x58: {  	_ = 	snop;
	(pc) =	sbr.rel @!p0 .LBB2_30-.Ltmp6, $4  }
0x59: {  	[hbm4b:s8+s13] =	stream.indirect.scatter [tilespmem:s23], [sflag:$0x1], $0x1, s14, s13, $0xb8;
	[tilespmem:$0x19400] =	vst v63  }
0x5a: {  	_ =	swait.ge [sflag:s12], $0x80  }
0x5b: {  	[sflag:s12] =	ssyncset.done $0x0  }
0x5c: {  	s28 =	sadd.s32 $0xFFFFFF80, s28;
	[sflag:s12] =	ssyncadd.s32 $0xFFFFFF80  }
.LBB2_6:
0x5d: {  	s0 =	sshll.u32 s29, $0x9  }
0x5e: {  	s0 =	sshra.s32 s0, $0x2  }
0x5f: {  	v6 =	vld [tilespmem:s0+$0x800];
	_ =	sdelay $0x4  }
0x60: {  	[tilespmem:$0x5700] =	vst v6  }
0x61: {  	v6 =	vld [tilespmem:s0+$0x810];
	_ =	sdelay $0x4  }
0x62: {  	[tilespmem:$0x5710] =	vst v6  }
0x63: {  	v6 =	vld [tilespmem:s0+$0x820];
	_ =	sdelay $0x4  }
0x64: {  	[tilespmem:$0x5720] =	vst v6  }
0x65: {  	v6 =	vld [tilespmem:s0+$0x830];
	_ =	sdelay $0x4  }
0x66: {  	[tilespmem:$0x5730] =	vst v6  }
0x67: {  	v6 =	vld [tilespmem:s0+$0x840];
	_ =	sdelay $0x4  }
0x68: {  	[tilespmem:$0x5740] =	vst v6  }
0x69: {  	v6 =	vld [tilespmem:s0+$0x850];
	_ =	sdelay $0x4  }
0x6a: {  	[tilespmem:$0x5750] =	vst v6  }
0x6b: {  	v6 =	vld [tilespmem:s0+$0x860];
	_ =	sdelay $0x4  }
0x6c: {  	[tilespmem:$0x5760] =	vst v6  }
0x6d: {  	v6 =	vld [tilespmem:s0+$0x870];
	_ =	sdelay $0x4  }
0x6e: {  	s9 =	rddreg [dreg:$0x3];
	[tilespmem:$0x5770] =	vst v6  }
0x6f: {  	[tilespmem:s15], [sflag:$0x1] =	stream.indirect.gather [hbm4b:s9+s13], $0x1, s14, s13, $0xb8;
	[tilespmem:$0x19400] =	vst v63  }
0x70: {  	s30 =	rddreg [dreg:$0x4]  }
0x71: {  	[tilespmem:s16], [sflag:$0x1] =	stream.indirect.gather [hbm4b:s30+s13], $0x1, s14, s13, $0xb8;
	[tilespmem:$0x19400] =	vst v63  }
0x72: {  	_ = 	snop  }
0x73: {  	[tilespmem:s17], [sflag:$0x1] =	stream.indirect.gather [hbm4b:s5+s13], $0x1, s14, s13, $0xb8;
	[tilespmem:$0x19400] =	vst v63  }
0x74: {  	_ = 	snop  }
0x75: {  	[tilespmem:s18], [sflag:$0x1] =	stream.indirect.gather [hbm4b:s6+s13], $0x1, s14, s13, $0xb8;
	[tilespmem:$0x19400] =	vst v63  }
0x76: {  	_ =	swait.ge [sflag:s12], $0x80  }
0x77: {  	[sflag:s12] =	ssyncset.done $0x0  }
0x78: {  	[sflag:s12] =	ssyncadd.s32 $0xFFFFFF80  }
0x79: {  	_ =	swait.ge [sflag:s12], $0x80  }
0x7a: {  	[sflag:s12] =	ssyncset.done $0x0  }
0x7b: {  	[sflag:s12] =	ssyncadd.s32 $0xFFFFFF80  }
0x7c: {  	_ =	swait.ge [sflag:s12], $0x80  }
0x7d: {  	[sflag:s12] =	ssyncset.done $0x0  }
0x7e: {  	[sflag:s12] =	ssyncadd.s32 $0xFFFFFF80  }
0x7f: {  	_ =	swait.ge [sflag:s12], $0x80  }
0x80: {  	[sflag:s12] =	ssyncset.done $0x0  }
0x81: {  	[sflag:s12] =	ssyncadd.s32 $0xFFFFFF80  }
0x82: {  	s31 =	sshll.u32 s29, $0x7;
	[tilespmem:$0x5980] =	vst v4  }
0x83: {  	s0 =	ssub.s32 s24, s31;
	[tilespmem:$0x5990] =	vst v4  }
0x84: {  	p0 =	slt.s32 s0, $0x1;
	[tilespmem:$0x59A0] =	vst v4  }
.Ltmp7:
0x85: {  	[tilespmem:$0x59B0] =	vst v4;
	(pc) =	sbr.rel @p0 .LBB2_29-.Ltmp7, $4  }
0x86: {  	[tilespmem:$0x59C0] =	vst v4  }
0x87: {  	[tilespmem:$0x59D0] =	vst v4  }
0x88: {  	[tilespmem:$0x59E0] =	vst v4  }
0x89: {  	[tilespmem:$0x59F0] =	vst v4  }
.Ltmp8:
0x8a: {  	(pc) =	sbr.rel .LBB2_8-.Ltmp8, $4  }
0x8b: {  	_ = 	snop  }
0x8c: {  	p0 =	sgt.s32 s28, $0x1;
	s0 =	smov.u32 s28  }
0x8d: {  	s0 =	simm.s32 @!p0 $0x1  }
0x8e: {  	s31 =	simm.s32 $0x0;
	s30 =	smin.u32 s0, $0x80  }
.LBB2_27:
0x8f: {  	s0 =	sand.u32 $0xF, s26  }
0x90: {  	p0 =	sne.s32 s0, $0x0  }
0x91: {  	v12 =	vmov s26;
	v11 =	vimm.f32 @!p0 $0.0e+00  }
0x92: {  	[tilespmem:s26+$0x5A00] =	vst @!p0 v11  }
0x93: {  	[tilespmem:s26+$0xA880] =	vst @!p0 v11  }
0x94: {  	[tilespmem:s26+$0xF700] =	vst @!p0 v11  }
0x95: {  	[tilespmem:s26+$0x14580] =	vst @!p0 v11  }
0x96: {  	[tilespmem:v12+s19+$0x0] =	vst.idx.msk $0x1, v7  }
0x97: {  	[tilespmem:v12+s20+$0x0] =	vst.idx.msk $0x1, v8  }
0x98: {  	[tilespmem:v12+s21+$0x0] =	vst.idx.msk $0x1, v9  }
0x99: {  	[tilespmem:v12+s22+$0x0] =	vst.idx.msk $0x1, v10  }
0x9a: {  	s26 =	sadd.s32 $0x1, s26;
	[tilespmem:v6+s23+$0x0] =	vst.idx.msk $0x1, v5  }
.LBB2_28:
0x9b: {  	s31 =	sadd.s32 $0x1, s31  }
0x9c: {  	p0 =	sne.s32 s31, s30  }
.Ltmp9:
0x9d: {  	_ = 	snop;
	(pc) =	sbr.rel @!p0 .LBB2_29-.Ltmp9, $1  }
0x9e: {  	_ =	sdelay $0x3  }
.LBB2_8:
0x9f: {  	s0 =	sadd.s32 $0xF, s26  }
0xa0: {  	s1 =	sand.u32 $0xF, s0  }
0xa1: {  	s9 =	sshra.s32 s0, $0x1F;
	p1 =	slt.s32 s0, $0x1;
	p0 =	sne.s32 s1, $0x0  }
0xa2: {  	s1 =	sshrl.u32 s9, $0x1C;
	p0 =	por !p1, !p0  }
0xa3: {  	v6 =	vmov s31;
	s0 =	sadd.s32 s1, s0;
	s1 =	simm.s32 $0x1;
	p0 =	por !p0, !p0  }
0xa4: {  	s0 =	sshra.s32 s0, $0x4;
	s1 =	simm.s32 @!p0 $0x0  }
0xa5: {  	s0 =	ssub.s32 s0, s1  }
0xa6: {  	p0 =	slt.s32 s0, $0x1  }
.Ltmp10:
0xa7: {  	_ = 	snop;
	(pc) =	sbr.rel @p0 .LBB2_27-.Ltmp10, $4  }
0xa8: {  	v7 =	vld.idx.msk [tilespmem:v6+s15+$0x0], $0xffff  }
0xa9: {  	v8 =	vld.idx.msk [tilespmem:v6+s16+$0x0], $0xffff  }
0xaa: {  	v9 =	vld.idx.msk [tilespmem:v6+s17+$0x0], $0xffff  }
0xab: {  	v10 =	vld.idx.msk [tilespmem:v6+s18+$0x0], $0xffff  }
0xac: {  	_ = 	snop  }
0xad: {  	p0 =	sne.s32 s0, $0x1  }
.Ltmp11:
0xae: {  	s1 =	simm.s32 $0x5A00;
	(pc) =	sbr.rel @!p0 .LBB2_10-.Ltmp11, $4  }
0xaf: {  	s2 =	simm.s32 $0xA880;
	v13 =	vld [tilespmem:s1+$0x0]  }
0xb0: {  	s3 =	simm.s32 $0xF700;
	v14 =	vld [tilespmem:s2+$0x0];
	v11 =	vsub.f32 v9, v7;
	v12 =	vsub.f32 v10, v8  }
0xb1: {  	s9 =	simm.s32 $0x14580;
	s0 =	sadd.s32 $0xFFFFFFFF, s0;
	p1 =	por $0x0, $0x0;
	v18 =	vld [tilespmem:s3+$0x0]  }
0xb2: {  	p2 =	por $0x0, $0x0;
	p3 =	por $0x0, $0x0;
	p4 =	por $0x0, $0x0;
	v17 =	vld [tilespmem:s9+$0x0];
	v11 =	vmul.f32 v12, v11  }
0xb3: {  	_ = 	snop  }
0xb4: {  	p0 =	sne.s32 s0, $0x1  }
.Ltmp12:
0xb5: {  	s1 =	simm.s32 $0x5A10;
	(pc) =	sbr.rel @!p0 .LBB2_12-.Ltmp12, $4  }
0xb6: {  	s3 =	simm.s32 $0xA890;
	v12 =	vld [tilespmem:s1+$0x0];
	v16 =	vmax.f32 v7, v13;
	v15 =	vsub.f32 v18, v13;
	v18 =	vmin.f32 v9, v18  }
0xb7: {  	s4 =	simm.s32 $0xF710;
	v13 =	vld [tilespmem:s3+$0x0];
	v19 =	vsub.f32 v17, v14;
	v16 =	vsub.f32 v18, v16  }
0xb8: {  	s9 =	simm.s32 $0x14590;
	v18 =	vld [tilespmem:s4+$0x0];
	v14 =	vmax.f32 v8, v14;
	v20 =	vmin.f32 v10, v17  }
0xb9: {  	s0 =	sadd.s32 $0xFFFFFFFF, s0;
	p1 =	por $0x1, $0x1;
	v17 =	vld [tilespmem:s9+$0x0];
	v22 =	vsub.f32 v20, v14;
	v24 =	vmul.f32 v19, v15;
	v25 =	vmax.f32 v16, $0.0e+00  }
0xba: {  	_ = 	snop  }
0xbb: {  	v14 =	vmax.f32 v22, $0.0e+00  }
0xbc: {  	p0 =	sne.s32 s0, $0x1;
	v16 =	vmul.f32 v14, v25;
	v14 =	vadd.f32 v24, v11  }
.Ltmp13:
0xbd: {  	s1 =	simm.s32 $0x5A20;
	v19 =	vsub.f32 v18, v12;
	v12 =	vmax.f32 v7, v12;
	(pc) =	sbr.rel @!p0 .LBB2_14-.Ltmp13, $4  }
0xbe: {  	s3 =	simm.s32 $0xA8A0;
	v15 =	vld [tilespmem:s1+$0x0];
	v18 =	vmin.f32 v9, v18;
	v20 =	vsub.f32 v17, v13;
	v21 =	vsub.f32 v14, v16  }
0xbf: {  	s4 =	simm.s32 $0xF720;
	v14 =	vld [tilespmem:s3+$0x0];
	v13 =	vmax.f32 v8, v13;
	v17 =	vmin.f32 v10, v17;
	v12 =	vsub.f32 v18, v12  }
0xc0: {  	s9 =	simm.s32 $0x145A0;
	v18 =	vld [tilespmem:s4+$0x0];
	v22 =	vsub.f32 v17, v13  }
0xc1: {  	s0 =	sadd.s32 $0xFFFFFFFF, s0;
	p2 =	por $0x1, $0x1;
	v17 =	vld [tilespmem:s9+$0x0];
	v21 =	vadd.f32 $9.999999710e-10, v21;
	v24 =	vmul.f32 v20, v19;
	v25 =	vmax.f32 v12, $0.0e+00  }
0xc2: {  	_ = 	snop  }
0xc3: {  	v12 =	vmax.f32 v22, $0.0e+00  }
0xc4: {  	p0 =	sne.s32 s0, $0x1;
	v20 =	vmul.f32 v12, v25;
	v13 =	vadd.f32 v24, v11  }
.Ltmp14:
0xc5: {  	s1 =	simm.s32 $0x5A30;
	v19 =	vsub.f32 v18, v15;
	v15 =	vmax.f32 v7, v15;
	(pc) =	sbr.rel @!p0 .LBB2_16-.Ltmp14, $4  }
0xc6: {  	s3 =	simm.s32 $0xA8B0;
	v12 =	vld [tilespmem:s1+$0x0];
	v18 =	vmin.f32 v9, v18;
	v24 =	vsub.f32 v13, v20;
	v23 =	vsub.f32 v17, v14  }
0xc7: {  	s4 =	simm.s32 $0xF730;
	v13 =	vld [tilespmem:s3+$0x0];
	v14 =	vmax.f32 v8, v14;
	v17 =	vmin.f32 v10, v17;
	v15 =	vsub.f32 v18, v15  }
0xc8: {  	s9 =	simm.s32 $0x145B0;
	(erf) = vrcp.f32 v21;
	v18 =	vld [tilespmem:s4+$0x0];
	v22 =	vsub.f32 v17, v14  }
0xc9: {  	s0 =	sadd.s32 $0xFFFFFFFF, s0;
	p3 =	por $0x1, $0x1;
	v17 =	vld [tilespmem:s9+$0x0];
	v21 =	vadd.f32 $9.999999710e-10, v24;
	v24 =	vmul.f32 v23, v19;
	v25 =	vmax.f32 v15, $0.0e+00  }
0xca: {  	_ =	sdelay $0x4  }
0xcb: {  	v14 =	vmax.f32 v22, $0.0e+00  }
0xcc: {  	p0 =	sne.s32 s0, $0x1;
	(erf) = vrcp.f32 v21;
	v14 =	vmul.f32 v14, v25;
	v15 =	vadd.f32 v24, v11  }
.Ltmp15:
0xcd: {  	s1 =	simm.s32 $0x5A40;
	v21 =	vmax.f32 v7, v12;
	v19 =	vsub.f32 v18, v12;
	v23 =	vmin.f32 v9, v18;
	v22 =	vpop (erf);
	(pc) =	sbr.rel @!p0 .LBB2_18-.Ltmp15, $4  }
0xce: {  	s3 =	simm.s32 $0xA8C0;
	v12 =	vld [tilespmem:s1+$0x0];
	v15 =	vsub.f32 v15, v14;
	v24 =	vsub.f32 v17, v13;
	v16 =	vmul.f32 v22, v16  }
0xcf: {  	s4 =	simm.s32 $0xF740;
	v18 =	vld [tilespmem:s3+$0x0];
	v13 =	vmax.f32 v8, v13;
	v17 =	vmin.f32 v10, v17;
	v25 =	vsub.f32 v23, v21  }
0xd0: {  	s9 =	simm.s32 $0x145C0;
	v23 =	vld [tilespmem:s4+$0x0];
	v21 =	vadd.f32 $9.999999710e-10, v15;
	v24 =	vmul.f32 v24, v19;
	vm0 =	vge.f32 v16, $5.000000000e-01  }
0xd1: {  	s0 =	sadd.s32 $0xFFFFFFFF, s0;
	p4 =	por $0x1, $0x1;
	v25 =	vmax.f32 v25, $0.0e+00;
	v22 =	vsub.f32 v17, v13;
	v17 =	vld [tilespmem:s9+$0x0];
	v15 =	vsel vm0, $0x3F800000, v4  }
0xd2: {  	_ =	sdelay $0x1  }
0xd3: {  	(xrf0) =	vmax.scan.msk.f32 $0xffff, v15;
	v13 =	vmax.f32 v22, $0.0e+00  }
0xd4: {  	(erf) = vrcp.f32 v21;
	p0 =	sne.s32 s0, $0x1;
	v19 =	vmul.f32 v13, v25;
	v13 =	vadd.f32 v24, v11;
	v22 =	vpop (erf)  }
.Ltmp16:
0xd5: {  	s1 =	simm.s32 $0x5A50;
	v21 =	vmax.f32 v7, v12;
	v16 =	vsub.f32 v23, v12;
	v20 =	vmul.f32 v22, v20;
	(pc) =	sbr.rel @!p0 .LBB2_20-.Ltmp16, $4  }
0xd6: {  	s3 =	simm.s32 $0xA8D0;
	v12 =	vld [tilespmem:s1+$0x0];
	v23 =	vmin.f32 v9, v23;
	v24 =	vsub.f32 v17, v18;
	v25 =	vsub.f32 v13, v19  }
0xd7: {  	s4 =	simm.s32 $0xF750;
	v13 =	vld [tilespmem:s3+$0x0];
	v22 =	vmax.f32 v8, v18;
	v17 =	vmin.f32 v10, v17;
	v23 =	vsub.f32 v23, v21  }
0xd8: {  	s9 =	simm.s32 $0x145D0;
	v18 =	vld [tilespmem:s4+$0x0];
	v22 =	vsub.f32 v17, v22;
	v21 =	vadd.f32 $9.999999710e-10, v25;
	vm0 =	vge.f32 v20, $5.000000000e-01  }
0xd9: {  	s0 =	sadd.s32 $0xFFFFFFFF, s0;
	v17 =	vld [tilespmem:s9+$0x0];
	v24 =	vmul.f32 v24, v16;
	v25 =	vmax.f32 v23, $0.0e+00;
	v23 =	vsel vm0, $0x3F800000, v4;
	v20, _, _ =	vpop (xrf0)  }
0xda: {  	(v2sf) =	vpush v20, $0xF;
	_ =	sdelay $0x5  }
0xdb: {  	p0 =	por $0x1, $0x1;
	v16 =	vmax.f32 v22, $0.0e+00  }
0xdc: {  	(xrf0) =	vmax.scan.msk.f32 $0xffff, v23;
	s1 =	simm.s32 @!p0 $0x0;
	v27 =	vmul.f32 v16, v25  }
0xdd: {  	v16 =	vadd.f32 v24, v11;
	v22 =	vmax.f32 v7, v12;
	s1 =	simm.s32 @p0 $0x1;
	p0 =	sne.s32 s0, $0x1;
	v26 =	vmin.f32 v9, v18  }
.Ltmp17:
0xde: {  	(erf) = vrcp.f32 v21;
	s4 =	simm.s32 $0xF760;
	v25 =	vpop (erf);
	v26 =	vsub.f32 v26, v22;
	(pc) =	sbr.rel @!p0 .LBB2_22-.Ltmp17, $4  }
0xdf: {  	s2 =	simm.s32 $0x5A60;
	p5 =	por $0x1, $0x1;
	v32 =	vld [tilespmem:s4+$0x0];
	v21 =	vsub.f32 v18, v12;
	v16 =	vsub.f32 v16, v27;
	v25 =	vmul.f32 v25, v14  }
0xe0: {  	s3 =	simm.s32 $0xA8E0;
	v12 =	vld [tilespmem:s2+$0x0];
	s2 =	sadd.s32 $0xFFFFFFFF, s0;
	s0 =	simm.s32 @!p5 $0x0;
	v24 =	vsub.f32 v17, v13;
	v13 =	vmax.f32 v8, v13;
	v17 =	vmin.f32 v10, v17  }
0xe1: {  	s9 =	simm.s32 $0x145E0;
	[smem:$0x7FD] =	sst s1;
	v18 =	vld [tilespmem:s3+$0x0];
	s0 =	simm.s32 @p5 $0x1;
	v22 =	vsub.f32 v17, v13;
	v29 =	vadd.f32 $9.999999710e-10, v16;
	vm0 =	vge.f32 v25, $5.000000000e-01  }
0xe2: {  	v17 =	vld [tilespmem:s9+$0x0];
	[smem:$0x7FC] =	sst s0;
	v24 =	vmul.f32 v24, v21;
	v25 =	vmax.f32 v26, $0.0e+00;
	v28 =	vsel vm0, $0x3F800000, v4;
	v26, _, _ =	vpop (xrf0)  }
0xe3: {  	v13 =	vmax.f32 v22, $0.0e+00;
	(v2sf) =	vpush v26, $0xF  }
0xe4: {  	v16 =	vmul.f32 v13, v25;
	v13 =	vadd.f32 v24, v11  }
0xe5: {  	(erf) = vrcp.f32 v29;
	(xrf0) =	vmax.scan.msk.f32 $0xffff, v28;
	s0 =	simm.s32 $0x5A70;
	v30 =	vmin.f32 v9, v32  }
0xe6: {  	s3 =	simm.s32 $0xA8F0;
	p0 =	sne.s32 s2, $0x1;
	v24 =	vsub.f32 v32, v12;
	v21 =	vmax.f32 v7, v12;
	v12 =	vld [tilespmem:s0+$0x0];
	v31 =	vsub.f32 v13, v16  }
.Ltmp18:
0xe7: {  	s9 =	simm.s32 $0xF770;
	v13 =	vld [tilespmem:s3+$0x0];
	v30 =	vsub.f32 v30, v21;
	v25 =	vsub.f32 v17, v18;
	v22 =	vpop (erf);
	(pc) =	sbr.rel @!p0 .LBB2_24-.Ltmp18, $4  }
0xe8: {  	s1 =	simm.s32 $0x145F0;
	p5 =	por $0x1, $0x1;
	v17 =	vmin.f32 v10, v17;
	v63 =	vmul.f32 v22, v19;
	v22 =	vmax.f32 v8, v18;
	v18 =	vld [tilespmem:s9+$0x0]  }
0xe9: {  	s4 =	simm.s32 @!p5 $0x0;
	v22 =	vsub.f32 v17, v22;
	v17 =	vld [tilespmem:s1+$0x0]  }
0xea: {  	s4 =	simm.s32 @p5 $0x1;
	v32 =	vmov v27;
	v21 =	vadd.f32 $9.999999710e-10, v31;
	vm0 =	vge.f32 v63, $5.000000000e-01  }
0xeb: {  	s2 =	sadd.s32 $0xFFFFFFFF, s2;
	p6 =	por $0x0, $0x0;
	[smem:$0x7FB] =	sst s4;
	v24 =	vmul.f32 v25, v24;
	v25 =	vmax.f32 v30, $0.0e+00;
	v30, _, _ =	vpop (xrf0);
	v31 =	vsel vm0, $0x3F800000, v4  }
.LBB2_25:
0xec: {  	p0 =	sne.s32 s2, $0x1;
	s0 =	sadd.s32 $0x10, s0;
	v22 =	vmax.f32 v22, $0.0e+00;
	(erf) = vrcp.f32 v21;
	(xrf0) =	vmax.scan.msk.f32 $0xffff, v31;
	(v2sf) =	vpush v30, $0xF;
	v21 =	vmovc v12  }
0xed: {  	s3 =	sadd.s32 $0x10, s3;
	v12 =	vld [tilespmem:s0+$0x0];
	v22 =	vmul.f32 v22, v25;
	v24 =	vadd.f32 v24, v11;
	s4 =	spop (v2sf);
	v25 =	vmov v13  }
.Ltmp19:
0xee: {  	s9 =	sadd.s32 $0x10, s9;
	v30 =	vsub.f32 v18, v21;
	v21 =	vmax.f32 v7, v21;
	v13 =	vld [tilespmem:s3+$0x0];
	v31 =	vsub.f32 v17, v25;
	v33 =	vpop (erf);
	p5 =	sgt.f32 s4, $0.0e+00;
	(pc) =	sbr.rel @p0 .LBB2_25-.Ltmp19, $4  }
0xef: {  	s1 =	sadd.s32 $0x10, s1;
	v34 =	vmin.f32 v9, v18;
	v18 =	vld [tilespmem:s9+$0x0];
	v24 =	vsub.f32 v24, v22;
	v33 =	vmul.f32 v33, v32;
	v32 =	vmovc v16  }
0xf0: {  	v25 =	vmax.f32 v8, v25;
	v35 =	vmin.f32 v10, v17;
	v34 =	vsub.f32 v34, v21;
	v16 =	vmovc v22;
	v17 =	vld [tilespmem:s1+$0x0];
	p6 =	por p6, p5  }
0xf1: {  	v22 =	vsub.f32 v35, v25;
	v21 =	vadd.f32 $9.999999710e-10, v24;
	vm0 =	vge.f32 v33, $5.000000000e-01  }
0xf2: {  	s2 =	sadd.s32 $0xFFFFFFFF, s2;
	v25 =	vmax.f32 v34, $0.0e+00;
	v24 =	vmul.f32 v31, v30;
	v31 =	vsel vm0, $0x3F800000, v4;
	v30, _, _ =	vpop (xrf0)  }
.LBB2_26:
0xf3: {  	v22 =	vmax.f32 @p1 v22, $0.0e+00;
	v57 =	vmax.f32 v7, v12;
	v60 =	vmax.f32 v8, v13  }
0xf4: {  	v33 =	vsub.f32 v18, v12;
	v58 =	vmin.f32 v9, v18;
	v22 =	vmul.f32 @p1 v22, v25  }
0xf5: {  	v24 =	vadd.f32 @p1 v24, v11;
	v59 =	vsub.f32 v17, v13;
	v61 =	vmin.f32 v10, v17  }
0xf6: {  	v12 =	vsub.f32 v58, v57;
	v13 =	vsub.f32 v61, v60  }
0xf7: {  	v24 =	vsub.f32 @p1 v24, v22;
	v62 =	vmul.f32 v59, v33  }
0xf8: {  	v12 =	vmax.f32 v12, $0.0e+00;
	v13 =	vmax.f32 v13, $0.0e+00  }
0xf9: {  	v18 =	vadd.f32 @p1 $9.999999710e-10, v24;
	v12 =	vmul.f32 v13, v12;
	v11 =	vadd.f32 v62, v11  }
0xfa: {  	(erf) = vrcp.f32 @p2 v21  }
0xfb: {  	v13 =	vpsel p1, v18, v29;
	v11 =	vsub.f32 v11, v12  }
0xfc: {  	(erf) = vrcp.f32 @p1 v13  }
0xfd: {  	v11 =	vadd.f32 $9.999999710e-10, v11;
	_ =	sdelay $0x2  }
0xfe: {  	v13 =	vmov @p2 v16;
	(erf) = vrcp.f32 v11  }
0xff: {  	v13 =	vpsel p2, v13, v19;
	v11 =	vpop @p3 (erf)  }
0x100: {  	v16 =	vmov @p1 v22;
	v11 =	vmul.f32 @p3 v11, v32  }
0x101: {  	v16 =	vpsel p1, v16, v27;
	v17 =	vpop @p2 (erf)  }
0x102: {  	vm0 =	vge.f32 @p3 v11, $5.000000000e-01;
	v11 =	vmul.f32 @p2 v17, v13;
	v13 =	vmov @p1 v16  }
0x103: {  	(xrf0) =	vmax.scan.msk.f32 @p4 $0xffff, v31;
	v13 =	vpsel p1, v13, v14;
	v14 =	vpop @p1 (erf)  }
0x104: {  	v16 =	vsel @p3 vm0, $0x3F800000, v4;
	vm0 =	vge.f32 @p2 v11, $5.000000000e-01;
	v11 =	vmul.f32 @p1 v14, v13  }
0x105: {  	v13 =	vsel @p2 vm0, $0x3F800000, v4  }
0x106: {  	v16 =	vpsel p3, v16, v28;
	v13 =	vpsel p2, v13, v23;
	vm0 =	vge.f32 @p1 v11, $5.000000000e-01  }
0x107: {  	(xrf0) =	vmax.scan.msk.f32 @p3 $0xffff, v16;
	v63 =	vpop (erf);
	v11 =	vsel @p1 vm0, $0x3F800000, v4  }
0x108: {  	s4 =	sld [smem:$0x7FD];
	(xrf0) =	vmax.scan.msk.f32 @p2 $0xffff, v13;
	v12 =	vmul.f32 v63, v12;
	v11 =	vpsel p1, v11, v15  }
0x109: {  	v13, _, _ =	vpop @p4 (xrf0);
	(xrf0) =	vmax.scan.msk.f32 @p1 $0xffff, v11  }
0x10a: {  	vm15 =	vge.f32 v12, $5.000000000e-01;
	v11 =	vpsel p4, v13, v26  }
0x10b: {  	p0 =	seq.s32 s4, $0x1;
	v12 =	vsel vm15, $0x3F800000, v4  }
0x10c: {  	p5 =	por p3, p3;
	s0 =	simm.s32 @!p2 $0x0;
	s9 =	sld [smem:$0x7FB];
	(v2sf) =	vpush @p0 v30, $0xF  }
0x10d: {  	s1 =	sld [smem:$0x7FC];
	s0 =	simm.s32 @p2 $0x1;
	(v2sf) =	vpush @p4 v11, $0xF;
	v11, _, _ =	vpop @p5 (xrf0)  }
0x10e: {  	[smem:$0x7FA] =	sst s0;
	s0 =	simm.s32 @!p0 $0x0;
	(xrf0) =	vmax.scan.msk.f32 $0xffff, v12;
	v11 =	vpsel p5, v11, v20;
	v12, _, _ =	vpop @p2 (xrf0)  }
0x10f: {  	s0 =	simm.s32 @p0 $0x1;
	p0 =	seq.s32 s9, $0x1;
	(v2sf) =	vpush @p5 v11, $0xF;
	v11 =	vpsel p2, v12, v0;
	v12, _, _ =	vpop @p1 (xrf0)  }
0x110: {  	[smem:$0x7FD] =	sst s0;
	s0 =	spop @p0 (v2sf);
	(v2sf) =	vpush @p2 v11, $0xF;
	v11 =	vpsel p1, v12, v0  }
0x111: {  	p3 =	por p1, p1;
	p2 =	sgt.f32 @p0 s0, $0.0e+00;
	(v2sf) =	vpush @p1 v11, $0xF;
	p1 =	seq.s32 s1, $0x1  }
0x112: {  	s0 =	spop @p1 (v2sf)  }
0x113: {  	p2 =	por @p0 p6, p2;
	p6 =	sgt.f32 @p1 s0, $0.0e+00;
	_ =	sdelay $0x1  }
0x114: {  	s0 =	simm.s32 @!p6 $0x0  }
0x115: {  	s2 =	sld [smem:$0x7FD];
	s0 =	simm.s32 @p6 $0x1  }
0x116: {  	[smem:$0x7F8] =	sst s0  }
0x117: {  	s1 =	sld [smem:$0x7F8]  }
0x118: {  	p6 =	por $0x0, $0x0  }
0x119: {  	p2 =	por @!p0 p6, p6;
	p6 =	seq.s32 s2, $0x1  }
0x11a: {  	s0 =	spop @p6 (v2sf);
	p0 =	seq.s32 s1, $0x1  }
0x11b: {  	v11, _, _ =	vpop (xrf0);
	p0 =	por @p1 p2, p0;
	p2 =	por p6, p6;
	p6 =	sgt.f32 @p6 s0, $0.0e+00  }
0x11c: {  	(v2sf) =	vpush v11, $0xF  }
0x11d: {  	s0 =	simm.s32 @!p6 $0x0  }
0x11e: {  	s0 =	simm.s32 @p6 $0x1  }
0x11f: {  	[smem:$0x7F9] =	sst s0  }
0x120: {  	s3 =	sld [smem:$0x7F9];
	_ =	sdelay $0x1  }
0x121: {  	s4 =	sld [smem:$0x7FA];
	p6 =	por $0x0, $0x0  }
0x122: {  	p0 =	por @!p1 p6, p6;
	s0 =	spop @p4 (v2sf);
	p1 =	seq.s32 s3, $0x1  }
0x123: {  	p0 =	por @p2 p0, p1;
	p1 =	sgt.f32 @p4 s0, $0.0e+00  }
0x124: {  	s0 =	spop @p5 (v2sf);
	p0 =	por @!p2 p6, p6  }
0x125: {  	p2 =	seq.s32 s4, $0x1;
	p0 =	por @p4 p0, p1;
	p1 =	sgt.f32 @p5 s0, $0.0e+00  }
0x126: {  	s0 =	spop @p2 (v2sf);
	p0 =	por @!p4 p6, p6  }
0x127: {  	p4 =	sgt.f32 @p2 s0, $0.0e+00;
	p0 =	por @p5 p0, p1  }
0x128: {  	s0 =	spop @p3 (v2sf);
	p0 =	por @!p5 p6, p6  }
0x129: {  	p1 =	sgt.f32 @p3 s0, $0.0e+00;
	p0 =	por @p2 p0, p4  }
0x12a: {  	s9 =	spop (v2sf);
	p0 =	por @!p2 p6, p6  }
0x12b: {  	p2 =	por $0x0, $0x0;
	p6 =	sgt.f32 s9, $0.0e+00;
	p0 =	por @p3 p0, p1  }
0x12c: {  	p0 =	por @!p3 p2, p2  }
0x12d: {  	p0 =	por p0, p6  }
.Ltmp20:
0x12e: {  	_ = 	snop;
	(pc) =	sbr.rel @p0 .LBB2_28-.Ltmp20, $4  }
.Ltmp21:
0x12f: {  	_ = 	snop;
	(pc) =	sbr.rel @!p0 .LBB2_27-.Ltmp21, $4  }
0x130: {  	_ = 	snop  }
0x131: {  	_ = 	snop  }
0x132: {  	_ = 	snop  }
0x133: {  	_ = 	snop  }
.LBB2_10:
0x134: {  	p0 =	por $0x0, $0x0  }
0x135: {  	s0 =	simm.s32 @!p0 $0x0  }
0x136: {  	s0 =	simm.s32 @p0 $0x1;
	p0 =	por $0x0, $0x0  }
.Ltmp22:
0x137: {  	[smem:$0x7FB] =	sst s0;
	s0 =	simm.s32 @!p0 $0x0;
	(pc) =	sbr.rel .LBB2_26-.Ltmp22, $4  }
0x138: {  	s0 =	simm.s32 @p0 $0x1;
	p0 =	por $0x0, $0x0  }
0x139: {  	[smem:$0x7FC] =	sst s0;
	s0 =	simm.s32 @!p0 $0x0  }
0x13a: {  	s0 =	simm.s32 @p0 $0x1  }
0x13b: {  	p6 =	por $0x0, $0x0;
	v12 =	vmov v13;
	v13 =	vmov v14;
	[smem:$0x7FD] =	sst s0  }
.LBB2_12:
0x13c: {  	p0 =	por $0x0, $0x0  }
0x13d: {  	s0 =	simm.s32 @!p0 $0x0  }
0x13e: {  	s0 =	simm.s32 @p0 $0x1;
	p0 =	por $0x0, $0x0  }
.Ltmp23:
0x13f: {  	[smem:$0x7FB] =	sst s0;
	s0 =	simm.s32 @!p0 $0x0;
	(pc) =	sbr.rel .LBB2_26-.Ltmp23, $4  }
0x140: {  	s0 =	simm.s32 @p0 $0x1;
	p0 =	por $0x0, $0x0  }
0x141: {  	[smem:$0x7FC] =	sst s0;
	s0 =	simm.s32 @!p0 $0x0  }
0x142: {  	s0 =	simm.s32 @p0 $0x1  }
0x143: {  	p6 =	por $0x0, $0x0;
	[smem:$0x7FD] =	sst s0  }
.LBB2_14:
0x144: {  	p0 =	por $0x0, $0x0  }
0x145: {  	s0 =	simm.s32 @!p0 $0x0  }
0x146: {  	s0 =	simm.s32 @p0 $0x1;
	p0 =	por $0x0, $0x0  }
.Ltmp24:
0x147: {  	[smem:$0x7FB] =	sst s0;
	s0 =	simm.s32 @!p0 $0x0;
	(pc) =	sbr.rel .LBB2_26-.Ltmp24, $4  }
0x148: {  	s0 =	simm.s32 @p0 $0x1;
	p0 =	por $0x0, $0x0  }
0x149: {  	[smem:$0x7FC] =	sst s0;
	s0 =	simm.s32 @!p0 $0x0  }
0x14a: {  	s0 =	simm.s32 @p0 $0x1  }
0x14b: {  	p6 =	por $0x0, $0x0;
	v12 =	vmov v15;
	v13 =	vmov v14;
	[smem:$0x7FD] =	sst s0  }
.LBB2_16:
0x14c: {  	p0 =	por $0x0, $0x0  }
0x14d: {  	s0 =	simm.s32 @!p0 $0x0  }
0x14e: {  	s0 =	simm.s32 @p0 $0x1;
	p0 =	por $0x0, $0x0  }
.Ltmp25:
0x14f: {  	[smem:$0x7FB] =	sst s0;
	s0 =	simm.s32 @!p0 $0x0;
	(pc) =	sbr.rel .LBB2_26-.Ltmp25, $4  }
0x150: {  	s0 =	simm.s32 @p0 $0x1;
	p0 =	por $0x0, $0x0  }
0x151: {  	[smem:$0x7FC] =	sst s0;
	s0 =	simm.s32 @!p0 $0x0  }
0x152: {  	s0 =	simm.s32 @p0 $0x1  }
0x153: {  	v32 =	vmov v16;
	v16 =	vmov v20;
	p6 =	por $0x0, $0x0;
	[smem:$0x7FD] =	sst s0  }
.LBB2_18:
0x154: {  	p0 =	por $0x0, $0x0  }
0x155: {  	s0 =	simm.s32 @!p0 $0x0  }
0x156: {  	s0 =	simm.s32 @p0 $0x1;
	p0 =	por $0x0, $0x0  }
.Ltmp26:
0x157: {  	[smem:$0x7FB] =	sst s0;
	s0 =	simm.s32 @!p0 $0x0;
	(pc) =	sbr.rel .LBB2_26-.Ltmp26, $4  }
0x158: {  	s0 =	simm.s32 @p0 $0x1;
	p0 =	por $0x0, $0x0  }
0x159: {  	[smem:$0x7FC] =	sst s0;
	s0 =	simm.s32 @!p0 $0x0  }
0x15a: {  	s0 =	simm.s32 @p0 $0x1  }
0x15b: {  	v16 =	vmovc v14;
	v31 =	vmovc v15;
	v32 =	vmov v20;
	p6 =	por $0x0, $0x0;
	v13 =	vmov v18;
	v18 =	vmov v23;
	[smem:$0x7FD] =	sst s0  }
.LBB2_20:
0x15c: {  	p0 =	por $0x0, $0x0  }
0x15d: {  	s0 =	simm.s32 @!p0 $0x0  }
0x15e: {  	s0 =	simm.s32 @p0 $0x1;
	p0 =	por $0x0, $0x0  }
.Ltmp27:
0x15f: {  	[smem:$0x7FB] =	sst s0;
	s0 =	simm.s32 @!p0 $0x0;
	(pc) =	sbr.rel .LBB2_26-.Ltmp27, $4  }
0x160: {  	s0 =	simm.s32 @p0 $0x1;
	p0 =	por $0x1, $0x1  }
0x161: {  	[smem:$0x7FC] =	sst s0;
	s0 =	simm.s32 @!p0 $0x0  }
0x162: {  	s0 =	simm.s32 @p0 $0x1  }
0x163: {  	v16 =	vmovc v19;
	v31 =	vmov v23;
	v30 =	vmov v20;
	v32 =	vmov v14;
	p6 =	por $0x0, $0x0;
	[smem:$0x7FD] =	sst s0  }
.LBB2_22:
.Ltmp28:
0x164: {  	(pc) =	sbr.rel .LBB2_26-.Ltmp28, $4  }
0x165: {  	p0 =	por $0x0, $0x0  }
0x166: {  	s0 =	simm.s32 @!p0 $0x0  }
0x167: {  	v21 =	vmov v29;
	v31 =	vmov v28;
	s0 =	simm.s32 @p0 $0x1  }
0x168: {  	v30 =	vmovc v26;
	v16 =	vmovc v27;
	p6 =	por $0x0, $0x0;
	[smem:$0x7FB] =	sst s0;
	v13 =	vmov v18;
	v18 =	vmov v32;
	v32 =	vmov v19  }
.LBB2_24:
.Ltmp29:
0x169: {  	(pc) =	sbr.rel .LBB2_26-.Ltmp29, $2  }
0x16a: {  	_ =	sdelay $0x2  }
0x16b: {  	v32 =	vmov v27;
	p6 =	por $0x0, $0x0  }
.LBB2_31:
0x16c: {  	_ =	sfence.sel $0x180000  }
0x16d: {  	[bflag:$0x0] =	sbarrier.arrive $0xFFFF  }
0x16e: {  	_ =	strace $0x90000053  }
0x16f: {  	s0 =	stileid.u32;
	[bflag:$0x2] =	sbarrier.arrive $0xFFFF  }
0x170: {  	p0 =	sne.s32 s0, $0x0;
	s0 =	rddreg [dreg:$0x1]  }
0x171: {  	s0 =	sadd.s32 @!p0 $0x100000, s0  }
0x172: {  	[sflag:s0] =	ssyncadd.tile.s32 @!p0 $0x1;
	_ =	shalt  }
.Lfunc_end2:
_tile_overlayer_lowered:
.L_overlay_start_2:
0x173: {  	(tag) =	ssettag $0x2  }
0x174: {  	s0 =	rddreg [dreg:$0x0];
	s2 =	stileid.u32  }
0x175: {  	s1 =	rddreg [dreg:$0x1];
	p0 =	sne.s32 s2, $0x0  }
0x176: {  	s3 =	rddreg [dreg:$0x2];
	[bflag:$0x3] =	sbarrier.arrive $0xFFFF;
	s2 =	simm.s32 @!p0 $0x1C02  }
0x177: {  	[timem:s3], [sflag:s2] =	dma.local @!p0 [hbm:s0], s1  }
0x178: {  	s0 =	simm.s32 @!p0 $0x2  }
0x179: {  	_ =	swait.ge @!p0 [sflag:s0], s1  }
0x17a: {  	s1 =	ssub.s32 @!p0 $0x0, s1;
	[sflag:s0] =	ssyncset.done @!p0 $0x0  }
0x17b: {  	[sflag:s0] =	ssyncadd.s32 @!p0 s1  }
0x17c: {  	[bflag:$0x3] =	sbarrier.arrive $0xFFFF  }
0x17d: {  	_ =	shalt  }

</sc_bundles>
